<compile_context>
chip_gen: v7x
topology: tpu7x:2x2x1
jax: 0.10.2.dev20260603
libtpu: 0.0.44.dev20260713+nightly
codegen_flags: <defaults>
</compile_context>

<pallas_src>
import jax
import jax.numpy as jnp
from jax import lax
from jax.experimental import pallas as pl
from jax.experimental.pallas import tpu as pltpu
from jax.experimental.pallas import tpu_sc as plsc

N = 10000
E = 320000
D = 128
H = 16
C = 47

NC = 2
NS = 16
NW = NC * NS
BLK = 128
NBUF = 8
LEAD = 4
NBLK1 = 160
NBLK2 = 80
NPAD = 10240
DUMMY = NPAD - 2
RPT = NPAD // NS
TPT = N // NS

_mesh = plsc.VectorSubcoreMesh(core_axis_name="c", subcore_axis_name="s")


def _ring_loop(table_sh, acc_sh, cnt_sh, src_idx, dst_idx, nblk,
               row_bufs, ones_buf, gsems, ssems, csems):
    for b in range(NBUF):
        pltpu.async_copy(table_sh.at[src_idx.at[b]], row_bufs[b], gsems[b])

    def group(g, carry):
        for b in range(NBUF):
            j = g * NBUF + b
            pltpu.make_async_copy(
                table_sh.at[src_idx.at[j]], row_bufs[b], gsems[b]).wait()
            pltpu.async_copy(
                row_bufs[b], acc_sh.at[dst_idx.at[j]], ssems[b], add=True)
            if cnt_sh is not None:
                pltpu.async_copy(
                    ones_buf, cnt_sh.at[dst_idx.at[j]], csems[b], add=True)

            bp = (b - LEAD) % NBUF

            @pl.when(jnp.logical_and(j >= LEAD, j + LEAD < nblk))
            def _():
                jp = j - LEAD
                pltpu.make_async_copy(
                    row_bufs[bp], acc_sh.at[dst_idx.at[jp]], ssems[bp]).wait()
                if cnt_sh is not None:
                    pltpu.make_async_copy(
                        ones_buf, cnt_sh.at[dst_idx.at[jp]], csems[bp]).wait()
                pltpu.async_copy(
                    table_sh.at[src_idx.at[j + LEAD]], row_bufs[bp], gsems[bp])
        return carry
    lax.fori_loop(0, nblk // NBUF, group, 0)

    for j in range(nblk - NBUF, nblk):
        b = j % NBUF
        pltpu.make_async_copy(
            row_bufs[b], acc_sh.at[dst_idx.at[j]], ssems[b]).wait()
        if cnt_sh is not None:
            pltpu.make_async_copy(
                ones_buf, cnt_sh.at[dst_idx.at[j]], csems[b]).wait()


def _zero_stage(stage):
    def zrow(i, carry):
        stage[i, :] = jnp.zeros((16,), jnp.float32)
        return carry
    lax.fori_loop(0, RPT, zrow, 0)


def _sage_sc_body(xp, xr, src1, dst1, src2, dst2,
                  acc2_out, cnt_out, h_out,
                  stage, xr_t, zbuf, row_bufs, src_idx, dst_idx,
                  src_idx2, dst_idx2, ones_buf, zc,
                  table_sh, acc_sh, cnt_sh, sems):
    cid = lax.axis_index("c")
    sid = lax.axis_index("s")
    wid = sid * NC + cid
    gsems, ssems, csems, esems = sems

    pltpu.sync_copy(xp.at[pl.ds(sid * RPT, RPT)], stage)
    pltpu.sync_copy(stage, table_sh.at[pl.ds(sid * RPT, RPT)])
    _zero_stage(zbuf)
    pltpu.sync_copy(zbuf, acc_sh.at[pl.ds(sid * RPT, RPT)])

    def zrow1(i, carry):
        zc[pl.ds(i * 16, 16)] = jnp.zeros((16,), jnp.float32)
        return carry
    lax.fori_loop(0, RPT // 16, zrow1, 0)
    pltpu.sync_copy(zc, cnt_sh.at[pl.ds(sid * RPT, RPT)])

    def orow(i, carry):
        ones_buf[pl.ds(i * 16, 16)] = jnp.ones((16,), jnp.float32)
        return carry
    lax.fori_loop(0, BLK // 16, orow, 0)
    plsc.subcore_barrier()

    pltpu.sync_copy(src1.at[sid], src_idx)
    pltpu.sync_copy(dst1.at[sid], dst_idx)
    _ring_loop(table_sh, acc_sh, cnt_sh, src_idx, dst_idx, NBLK1,
               row_bufs, ones_buf, gsems, ssems, csems)
    plsc.subcore_barrier()

    pltpu.sync_copy(acc_sh.at[pl.ds(sid * RPT, RPT)], stage)
    pltpu.sync_copy(cnt_sh.at[pl.ds(sid * RPT, RPT)], zc)
    pltpu.sync_copy(xr.at[pl.ds(sid * RPT, RPT)], xr_t)

    def hrow(g, carry):
        cv = zc[pl.ds(g * 16, 16)]
        for k in range(16):
            i = g * 16 + k
            c = jnp.maximum(cv[k], 1.0)
            stage[i, :] = jnp.maximum(stage[i, :] / c + xr_t[i, :], 0.0)
        return carry
    lax.fori_loop(0, RPT // 16, hrow, 0)
    pltpu.sync_copy(stage, table_sh.at[pl.ds(sid * RPT, RPT)])

    @pl.when(cid == 0)
    def _():
        pltpu.sync_copy(stage, h_out.at[pl.ds(sid * RPT, RPT)])

    pltpu.sync_copy(zc, cnt_out.at[cid, pl.ds(sid * RPT, RPT)])
    pltpu.sync_copy(zbuf, acc_sh.at[pl.ds(sid * RPT, RPT)])
    plsc.subcore_barrier()

    pltpu.sync_copy(src2.at[wid], src_idx2)
    pltpu.sync_copy(dst2.at[wid], dst_idx2)
    _ring_loop(table_sh, acc_sh, None, src_idx2, dst_idx2, NBLK2,
               row_bufs, ones_buf, gsems, ssems, csems)
    plsc.subcore_barrier()

    pltpu.sync_copy(acc_sh.at[pl.ds(sid * RPT, RPT)], stage)
    pltpu.sync_copy(stage, acc2_out.at[cid, pl.ds(sid * RPT, RPT)])


_sage_sc = pl.kernel(
    _sage_sc_body,
    out_type=(
        jax.ShapeDtypeStruct((NC, NPAD, H), jnp.float32),
        jax.ShapeDtypeStruct((NC, NPAD), jnp.float32),
        jax.ShapeDtypeStruct((NPAD, H), jnp.float32),
    ),
    mesh=_mesh,
    scratch_types=(
        pltpu.VMEM((RPT, H), jnp.float32),
        pltpu.VMEM((RPT, H), jnp.float32),
        pltpu.VMEM((RPT, H), jnp.float32),
        [pltpu.VMEM((BLK, H), jnp.float32) for _ in range(NBUF)],
        pltpu.VMEM((NBLK1, BLK), jnp.int32),
        pltpu.VMEM((NBLK1, BLK), jnp.int32),
        pltpu.VMEM((NBLK2, BLK), jnp.int32),
        pltpu.VMEM((NBLK2, BLK), jnp.int32),
        pltpu.VMEM((BLK,), jnp.float32),
        pltpu.VMEM((RPT,), jnp.float32),
        pltpu.VMEM_SHARED((NPAD, H), jnp.float32),
        pltpu.VMEM_SHARED((NPAD, H), jnp.float32),
        pltpu.VMEM_SHARED((NPAD,), jnp.float32),
        [[pltpu.SemaphoreType.DMA for _ in range(NBUF)] for _ in range(3)]
        + [[pltpu.SemaphoreType.DMA for _ in range(5)]],
    ),
    compiler_params=pltpu.CompilerParams(use_tc_tiling_on_sc=False),
)

_ROWS = 400
_GRID = N // _ROWS


def _proj_body(x_ref, wl_ref, wr_ref, b_ref, xp_ref, xr_ref):
    xb = x_ref[...]
    dn = (((1,), (1,)), ((), ()))
    xp_ref[...] = lax.dot_general(xb, wl_ref[...], dn,
                                  preferred_element_type=jnp.float32)
    xr_ref[...] = lax.dot_general(xb, wr_ref[...], dn,
                                  preferred_element_type=jnp.float32) + b_ref[...]


def _out_body(acc_ref, cnt_ref, h_ref, wl_ref, wr_ref, b_ref, o_ref):
    a = acc_ref[0] + acc_ref[1]
    c = jnp.maximum(cnt_ref[...], 1.0)
    m = a / c
    dn = (((1,), (1,)), ((), ()))
    o_ref[...] = (lax.dot_general(m, wl_ref[...], dn,
                                  preferred_element_type=jnp.float32)
                  + lax.dot_general(h_ref[...], wr_ref[...], dn,
                                    preferred_element_type=jnp.float32)
                  + b_ref[...])


def kernel(x, edge_index, W1l, b1, W1r, W2l, b2, W2r):
    def _pad_edges(e, nchunk, nblk, fill_dst):
        per = nchunk * nblk * BLK // nchunk
        padw = per - E // nchunk
        if fill_dst:
            fill = N + (jnp.arange(padw, dtype=jnp.int32) % (NPAD - N))
        else:
            fill = jnp.arange(padw, dtype=jnp.int32) % 128
        return jnp.concatenate(
            [e.reshape(nchunk, E // nchunk),
             jnp.broadcast_to(fill, (nchunk, padw))], axis=1
        ).reshape(nchunk, nblk, BLK)

    src1 = _pad_edges(edge_index[0], NS, NBLK1, False)
    dst1 = _pad_edges(edge_index[1], NS, NBLK1, True)
    src2 = _pad_edges(edge_index[0], NW, NBLK2, False)
    dst2 = _pad_edges(edge_index[1], NW, NBLK2, True)

    xp, xr = pl.pallas_call(
        _proj_body,
        grid=(_GRID,),
        in_specs=[
            pl.BlockSpec((_ROWS, D), lambda i: (i, 0)),
            pl.BlockSpec((H, D), lambda i: (0, 0)),
            pl.BlockSpec((H, D), lambda i: (0, 0)),
            pl.BlockSpec((1, H), lambda i: (0, 0)),
        ],
        out_specs=[
            pl.BlockSpec((_ROWS, H), lambda i: (i, 0)),
            pl.BlockSpec((_ROWS, H), lambda i: (i, 0)),
        ],
        out_shape=[
            jax.ShapeDtypeStruct((NPAD, H), jnp.float32),
            jax.ShapeDtypeStruct((NPAD, H), jnp.float32),
        ],
    )(x, W1l, W1r, b1[None, :])

    acc2, cnt, h = _sage_sc(xp, xr, src1, dst1, src2, dst2)
    cnt0 = cnt[0][:, None]

    out = pl.pallas_call(
        _out_body,
        grid=(_GRID,),
        in_specs=[
            pl.BlockSpec((NC, _ROWS, H), lambda i: (0, i, 0)),
            pl.BlockSpec((_ROWS, 1), lambda i: (i, 0)),
            pl.BlockSpec((_ROWS, H), lambda i: (i, 0)),
            pl.BlockSpec((C, H), lambda i: (0, 0)),
            pl.BlockSpec((C, H), lambda i: (0, 0)),
            pl.BlockSpec((1, C), lambda i: (0, 0)),
        ],
        out_specs=pl.BlockSpec((_ROWS, C), lambda i: (i, 0)),
        out_shape=jax.ShapeDtypeStruct((N, C), jnp.float32),
    )(acc2, cnt0, h, W2l, W2r, b2[None, :])

    return out

# --- scband reference (transcript-rebuilt; emitter-appended) ---
"""Pipeline reference for scband-sage-for-node-42880953484118 (READ-ONLY COPY).

The authoritative reference and input builder live on the scoring server;
editing this copy changes nothing except your own understanding.
"""

import jax, jax.numpy as jnp
import numpy as np

N = 10000
E = 320000
D = 128
H = 16
C = 47


def setup_inputs(seed: int = 0) -> dict:
    key = jax.random.key(seed)
    ks = jax.random.split(key, 8)
    x = jax.random.normal(ks[0], (N, D), dtype=jnp.float32)
    rng = np.random.default_rng(0)
    edge_index = jnp.asarray(rng.integers(0, N, size=(2, E)), dtype=jnp.int32)
    # SAGEConv layer 1: D -> H  (lin_l applied to aggregated neighbors, lin_r to root)
    s1 = 1.0 / np.sqrt(D)
    W1l = jax.random.uniform(ks[1], (H, D), jnp.float32, -s1, s1)
    b1 = jax.random.uniform(ks[2], (H,), jnp.float32, -s1, s1)
    W1r = jax.random.uniform(ks[3], (H, D), jnp.float32, -s1, s1)
    # SAGEConv layer 2: H -> C
    s2 = 1.0 / np.sqrt(H)
    W2l = jax.random.uniform(ks[4], (C, H), jnp.float32, -s2, s2)
    b2 = jax.random.uniform(ks[5], (C,), jnp.float32, -s2, s2)
    W2r = jax.random.uniform(ks[6], (C, H), jnp.float32, -s2, s2)
    return {"x": x, "edge_index": edge_index, "W1l": W1l, "b1": b1, "W1r": W1r,
            "W2l": W2l, "b2": b2, "W2r": W2r}


def _sage_conv(x, edge_index, Wl, bl, Wr):
    # PyG SAGEConv with mean aggregation: out = lin_l(mean_j x_j) + lin_r(x_i)
    src = edge_index[0]
    dst = edge_index[1]
    msg = jnp.take(x, src, axis=0)
    summed = jax.ops.segment_sum(msg, dst, num_segments=N)
    cnt = jax.ops.segment_sum(jnp.ones((edge_index.shape[1],), jnp.float32), dst, num_segments=N)
    mean = summed / jnp.clip(cnt, 1.0, None)[:, None]
    return mean @ Wl.T + bl + x @ Wr.T


def reference(x, edge_index, W1l, b1, W1r, W2l, b2, W2r):
    h = _sage_conv(x, edge_index, W1l, b1, W1r)
    h = jax.nn.relu(h)
    # dropout is identity in eval mode
    out = _sage_conv(h, edge_index, W2l, b2, W2r)
    return out

if __name__ == "__main__":
    import jax
    _d = setup_inputs()
    print(jax.jit(kernel)(*tuple(_d.values())))

</pallas_src>

<mosaic_0001>
#map = affine_map<(d0, d1) -> (0, 0)>
#map1 = affine_map<(d0, d1) -> (0, 0, 0)>
module attributes {stable_mosaic.version = 14 : i64} {
  func.func @_sage_sc_body(%arg0: i32, %arg1: i32, %arg2: memref<10240x16xf32, #tpu.memory_space<hbm>>, %arg3: memref<10240x16xf32, #tpu.memory_space<hbm>>, %arg4: memref<16x160x128xi32, #tpu.memory_space<hbm>>, %arg5: memref<16x160x128xi32, #tpu.memory_space<hbm>>, %arg6: memref<32x80x128xi32, #tpu.memory_space<hbm>>, %arg7: memref<32x80x128xi32, #tpu.memory_space<hbm>>, %arg8: memref<2x10240x16xf32, #tpu.memory_space<hbm>>, %arg9: memref<2x10240xf32, #tpu.memory_space<hbm>>, %arg10: memref<10240x16xf32, #tpu.memory_space<hbm>>, %arg11: memref<640x16xf32, #tpu.memory_space<vmem>>, %arg12: memref<640x16xf32, #tpu.memory_space<vmem>>, %arg13: memref<640x16xf32, #tpu.memory_space<vmem>>, %arg14: memref<128x16xf32, #tpu.memory_space<vmem>>, %arg15: memref<128x16xf32, #tpu.memory_space<vmem>>, %arg16: memref<128x16xf32, #tpu.memory_space<vmem>>, %arg17: memref<128x16xf32, #tpu.memory_space<vmem>>, %arg18: memref<128x16xf32, #tpu.memory_space<vmem>>, %arg19: memref<128x16xf32, #tpu.memory_space<vmem>>, %arg20: memref<128x16xf32, #tpu.memory_space<vmem>>, %arg21: memref<128x16xf32, #tpu.memory_space<vmem>>, %arg22: memref<160x128xi32, #tpu.memory_space<vmem>>, %arg23: memref<160x128xi32, #tpu.memory_space<vmem>>, %arg24: memref<80x128xi32, #tpu.memory_space<vmem>>, %arg25: memref<80x128xi32, #tpu.memory_space<vmem>>, %arg26: memref<128xf32, #tpu.memory_space<vmem>>, %arg27: memref<640xf32, #tpu.memory_space<vmem>>, %arg28: memref<10240x16xf32, #tpu.memory_space<vmem_shared>>, %arg29: memref<10240x16xf32, #tpu.memory_space<vmem_shared>>, %arg30: memref<10240xf32, #tpu.memory_space<vmem_shared>>, %arg31: memref<!tpu.dma_semaphore, #tpu.memory_space<semaphore_mem>>, %arg32: memref<!tpu.dma_semaphore, #tpu.memory_space<semaphore_mem>>, %arg33: memref<!tpu.dma_semaphore, #tpu.memory_space<semaphore_mem>>, %arg34: memref<!tpu.dma_semaphore, #tpu.memory_space<semaphore_mem>>, %arg35: memref<!tpu.dma_semaphore, #tpu.memory_space<semaphore_mem>>, %arg36: memref<!tpu.dma_semaphore, #tpu.memory_space<semaphore_mem>>, %arg37: memref<!tpu.dma_semaphore, #tpu.memory_space<semaphore_mem>>, %arg38: memref<!tpu.dma_semaphore, #tpu.memory_space<semaphore_mem>>, %arg39: memref<!tpu.dma_semaphore, #tpu.memory_space<semaphore_mem>>, %arg40: memref<!tpu.dma_semaphore, #tpu.memory_space<semaphore_mem>>, %arg41: memref<!tpu.dma_semaphore, #tpu.memory_space<semaphore_mem>>, %arg42: memref<!tpu.dma_semaphore, #tpu.memory_space<semaphore_mem>>, %arg43: memref<!tpu.dma_semaphore, #tpu.memory_space<semaphore_mem>>, %arg44: memref<!tpu.dma_semaphore, #tpu.memory_space<semaphore_mem>>, %arg45: memref<!tpu.dma_semaphore, #tpu.memory_space<semaphore_mem>>, %arg46: memref<!tpu.dma_semaphore, #tpu.memory_space<semaphore_mem>>, %arg47: memref<!tpu.dma_semaphore, #tpu.memory_space<semaphore_mem>>, %arg48: memref<!tpu.dma_semaphore, #tpu.memory_space<semaphore_mem>>, %arg49: memref<!tpu.dma_semaphore, #tpu.memory_space<semaphore_mem>>, %arg50: memref<!tpu.dma_semaphore, #tpu.memory_space<semaphore_mem>>, %arg51: memref<!tpu.dma_semaphore, #tpu.memory_space<semaphore_mem>>, %arg52: memref<!tpu.dma_semaphore, #tpu.memory_space<semaphore_mem>>, %arg53: memref<!tpu.dma_semaphore, #tpu.memory_space<semaphore_mem>>, %arg54: memref<!tpu.dma_semaphore, #tpu.memory_space<semaphore_mem>>, %arg55: memref<!tpu.dma_semaphore, #tpu.memory_space<semaphore_mem>>, %arg56: memref<!tpu.dma_semaphore, #tpu.memory_space<semaphore_mem>>, %arg57: memref<!tpu.dma_semaphore, #tpu.memory_space<semaphore_mem>>, %arg58: memref<!tpu.dma_semaphore, #tpu.memory_space<semaphore_mem>>, %arg59: memref<!tpu.dma_semaphore, #tpu.memory_space<semaphore_mem>>) attributes {dimension_semantics = [#tpu.dimension_semantics<core_parallel>, #tpu.dimension_semantics<subcore_parallel>], iteration_bounds = array<i64: 2, 16>, scalar_prefetch = 0 : i64, scratch_operands = 49 : i64, tpu.core_type = #tpu.core_type<sc_vector_subcore>, window_params = [{transform_indices = #map}, {transform_indices = #map}, {transform_indices = #map1}, {transform_indices = #map1}, {transform_indices = #map1}, {transform_indices = #map1}, {transform_indices = #map1}, {transform_indices = #map}, {transform_indices = #map}]} {
    %mul3A = arith.constant 2 : i32
    %mul3A_0 = arith.muli %arg1, %mul3A : i32
    %add3A = arith.addi %mul3A_0, %arg0 : i32
    %mul3A_1 = arith.constant 640 : i32
    %mul3A_2 = arith.muli %arg1, %mul3A_1 : i32
    "tpu.region"() ({
      %run_scoped3A = tpu.sem_alloc : memref<!tpu.dma_semaphore, #tpu.memory_space<semaphore_mem>>
      %dma_start3A_335 = arith.constant 0 : i32
      %dma_start3A_336 = tpu.memref_slice %arg2[%mul3A_2, %dma_start3A_335] : memref<10240x16xf32, #tpu.memory_space<hbm>> -> memref<640x16xf32, #tpu.memory_space<hbm>>
      %dma_start3A_337 = arith.constant 0 : i32
      %dma_start3A_338 = tpu.memref_slice %arg2[%mul3A_2, %dma_start3A_337] : memref<10240x16xf32, #tpu.memory_space<hbm>> -> memref<640x16xf32, #tpu.memory_space<hbm>>
      tpu.enqueue_dma source(%dma_start3A_338 : memref<640x16xf32, #tpu.memory_space<hbm>>) target(%arg11 : memref<640x16xf32, #tpu.memory_space<vmem>>) target_semaphore(%run_scoped3A : memref<!tpu.dma_semaphore, #tpu.memory_space<semaphore_mem>>)
      %dma_wait3A_339 = arith.constant 0 : i32
      %dma_wait3A_340 = tpu.memref_slice %arg2[%mul3A_2, %dma_wait3A_339] : memref<10240x16xf32, #tpu.memory_space<hbm>> -> memref<640x16xf32, #tpu.memory_space<hbm>>
      %dma_wait3A_341 = arith.constant 0 : i32
      %dma_wait3A_342 = tpu.memref_slice %arg2[%mul3A_2, %dma_wait3A_341] : memref<10240x16xf32, #tpu.memory_space<hbm>> -> memref<640x16xf32, #tpu.memory_space<hbm>>
      tpu.wait_dma2 semaphore(%run_scoped3A : memref<!tpu.dma_semaphore, #tpu.memory_space<semaphore_mem>>) src(%dma_wait3A_342 : memref<640x16xf32, #tpu.memory_space<hbm>>) dst(%arg11 : memref<640x16xf32, #tpu.memory_space<vmem>>)
      tpu.yield
    }) : () -> ()
    %mul3A_3 = arith.constant 640 : i32
    %mul3A_4 = arith.muli %arg1, %mul3A_3 : i32
    "tpu.region"() ({
      %run_scoped3A = tpu.sem_alloc : memref<!tpu.dma_semaphore, #tpu.memory_space<semaphore_mem>>
      %dma_start3A_335 = arith.constant 0 : i32
      %dma_start3A_336 = tpu.memref_slice %arg28[%mul3A_4, %dma_start3A_335] : memref<10240x16xf32, #tpu.memory_space<vmem_shared>> -> memref<640x16xf32, #tpu.memory_space<vmem_shared>>
      %dma_start3A_337 = arith.constant 0 : i32
      %dma_start3A_338 = tpu.memref_slice %arg28[%mul3A_4, %dma_start3A_337] : memref<10240x16xf32, #tpu.memory_space<vmem_shared>> -> memref<640x16xf32, #tpu.memory_space<vmem_shared>>
      tpu.enqueue_dma source(%arg11 : memref<640x16xf32, #tpu.memory_space<vmem>>) target(%dma_start3A_338 : memref<640x16xf32, #tpu.memory_space<vmem_shared>>) target_semaphore(%run_scoped3A : memref<!tpu.dma_semaphore, #tpu.memory_space<semaphore_mem>>)
      %dma_wait3A_339 = arith.constant 0 : i32
      %dma_wait3A_340 = tpu.memref_slice %arg28[%mul3A_4, %dma_wait3A_339] : memref<10240x16xf32, #tpu.memory_space<vmem_shared>> -> memref<640x16xf32, #tpu.memory_space<vmem_shared>>
      %dma_wait3A_341 = arith.constant 0 : i32
      %dma_wait3A_342 = tpu.memref_slice %arg28[%mul3A_4, %dma_wait3A_341] : memref<10240x16xf32, #tpu.memory_space<vmem_shared>> -> memref<640x16xf32, #tpu.memory_space<vmem_shared>>
      tpu.wait_dma2 semaphore(%run_scoped3A : memref<!tpu.dma_semaphore, #tpu.memory_space<semaphore_mem>>) src(%arg11 : memref<640x16xf32, #tpu.memory_space<vmem>>) dst(%dma_wait3A_342 : memref<640x16xf32, #tpu.memory_space<vmem_shared>>)
      tpu.yield
    }) : () -> ()
    %scan3A = arith.constant 0 : i32
    %scan3A_5 = arith.constant 0 : i32
    %scan3A_6 = arith.constant 640 : i32
    %scan3A_7 = arith.addi %scan3A_5, %scan3A_6 : i32
    %scan3A_8 = arith.constant 1 : i32
    scf.for %scan3A_335 = %scan3A_5 to %scan3A_7 step %scan3A_8  : i32 {
      %broadcast_in_dim3A = arith.constant 0.000000e+00 : f32
      %broadcast_in_dim3A_336 = vector.broadcast %broadcast_in_dim3A : f32 to vector<16xf32>
      %swap3A = arith.index_cast %scan3A_335 : i32 to index
      %swap3A_337 = arith.constant 0 : index
      %swap3A_338 = tpu.vector_load %arg13[%swap3A, %swap3A_337] {strides = array<i32>} : memref<640x16xf32, #tpu.memory_space<vmem>>, vector<1x16xf32>,
      %swap3A_339 = vector.shape_cast %swap3A_338 : vector<1x16xf32> to vector<16xf32>
      %swap3A_340 = vector.shape_cast %broadcast_in_dim3A_336 : vector<16xf32> to vector<1x16xf32>
      tpu.vector_store %arg13[%swap3A, %swap3A_337], %swap3A_340 {strides = array<i32>} : memref<640x16xf32, #tpu.memory_space<vmem>>, vector<1x16xf32>,
    }
    %scan3A_9 = arith.constant 640 : i32
    %mul3A_10 = arith.constant 640 : i32
    %mul3A_11 = arith.muli %arg1, %mul3A_10 : i32
    "tpu.region"() ({
      %run_scoped3A = tpu.sem_alloc : memref<!tpu.dma_semaphore, #tpu.memory_space<semaphore_mem>>
      %dma_start3A_335 = arith.constant 0 : i32
      %dma_start3A_336 = tpu.memref_slice %arg29[%mul3A_11, %dma_start3A_335] : memref<10240x16xf32, #tpu.memory_space<vmem_shared>> -> memref<640x16xf32, #tpu.memory_space<vmem_shared>>
      %dma_start3A_337 = arith.constant 0 : i32
      %dma_start3A_338 = tpu.memref_slice %arg29[%mul3A_11, %dma_start3A_337] : memref<10240x16xf32, #tpu.memory_space<vmem_shared>> -> memref<640x16xf32, #tpu.memory_space<vmem_shared>>
      tpu.enqueue_dma source(%arg13 : memref<640x16xf32, #tpu.memory_space<vmem>>) target(%dma_start3A_338 : memref<640x16xf32, #tpu.memory_space<vmem_shared>>) target_semaphore(%run_scoped3A : memref<!tpu.dma_semaphore, #tpu.memory_space<semaphore_mem>>)
      %dma_wait3A_339 = arith.constant 0 : i32
      %dma_wait3A_340 = tpu.memref_slice %arg29[%mul3A_11, %dma_wait3A_339] : memref<10240x16xf32, #tpu.memory_space<vmem_shared>> -> memref<640x16xf32, #tpu.memory_space<vmem_shared>>
      %dma_wait3A_341 = arith.constant 0 : i32
      %dma_wait3A_342 = tpu.memref_slice %arg29[%mul3A_11, %dma_wait3A_341] : memref<10240x16xf32, #tpu.memory_space<vmem_shared>> -> memref<640x16xf32, #tpu.memory_space<vmem_shared>>
      tpu.wait_dma2 semaphore(%run_scoped3A : memref<!tpu.dma_semaphore, #tpu.memory_space<semaphore_mem>>) src(%arg13 : memref<640x16xf32, #tpu.memory_space<vmem>>) dst(%dma_wait3A_342 : memref<640x16xf32, #tpu.memory_space<vmem_shared>>)
      tpu.yield
    }) : () -> ()
    %scan3A_12 = arith.constant 0 : i32
    %scan3A_13 = arith.constant 0 : i32
    %scan3A_14 = arith.constant 40 : i32
    %scan3A_15 = arith.addi %scan3A_13, %scan3A_14 : i32
    %scan3A_16 = arith.constant 1 : i32
    scf.for %scan3A_335 = %scan3A_13 to %scan3A_15 step %scan3A_16  : i32 {
      %broadcast_in_dim3A = arith.constant 0.000000e+00 : f32
      %broadcast_in_dim3A_336 = vector.broadcast %broadcast_in_dim3A : f32 to vector<16xf32>
      %mul3A_337 = arith.constant 16 : i32
      %mul3A_338 = arith.muli %scan3A_335, %mul3A_337 : i32
      %swap3A = arith.index_cast %mul3A_338 : i32 to index
      %swap3A_339 = tpu.vector_load %arg27[%swap3A] {strides = array<i32>} : memref<640xf32, #tpu.memory_space<vmem>>, vector<16xf32>,
      %swap3A_340 = vector.shape_cast %swap3A_339 : vector<16xf32> to vector<16xf32>
      %swap3A_341 = vector.shape_cast %broadcast_in_dim3A_336 : vector<16xf32> to vector<16xf32>
      tpu.vector_store %arg27[%swap3A], %swap3A_341 {strides = array<i32>} : memref<640xf32, #tpu.memory_space<vmem>>, vector<16xf32>,
    }
    %scan3A_17 = arith.constant 40 : i32
    %mul3A_18 = arith.constant 640 : i32
    %mul3A_19 = arith.muli %arg1, %mul3A_18 : i32
    "tpu.region"() ({
      %run_scoped3A = tpu.sem_alloc : memref<!tpu.dma_semaphore, #tpu.memory_space<semaphore_mem>>
      %dma_start3A_335 = tpu.memref_slice %arg30[%mul3A_19] : memref<10240xf32, #tpu.memory_space<vmem_shared>> -> memref<640xf32, #tpu.memory_space<vmem_shared>>
      %dma_start3A_336 = tpu.memref_slice %arg30[%mul3A_19] : memref<10240xf32, #tpu.memory_space<vmem_shared>> -> memref<640xf32, #tpu.memory_space<vmem_shared>>
      tpu.enqueue_dma source(%arg27 : memref<640xf32, #tpu.memory_space<vmem>>) target(%dma_start3A_336 : memref<640xf32, #tpu.memory_space<vmem_shared>>) target_semaphore(%run_scoped3A : memref<!tpu.dma_semaphore, #tpu.memory_space<semaphore_mem>>)
      %dma_wait3A_337 = tpu.memref_slice %arg30[%mul3A_19] : memref<10240xf32, #tpu.memory_space<vmem_shared>> -> memref<640xf32, #tpu.memory_space<vmem_shared>>
      %dma_wait3A_338 = tpu.memref_slice %arg30[%mul3A_19] : memref<10240xf32, #tpu.memory_space<vmem_shared>> -> memref<640xf32, #tpu.memory_space<vmem_shared>>
      tpu.wait_dma2 semaphore(%run_scoped3A : memref<!tpu.dma_semaphore, #tpu.memory_space<semaphore_mem>>) src(%arg27 : memref<640xf32, #tpu.memory_space<vmem>>) dst(%dma_wait3A_338 : memref<640xf32, #tpu.memory_space<vmem_shared>>)
      tpu.yield
    }) : () -> ()
    %scan3A_20 = arith.constant 0 : i32
    %scan3A_21 = arith.constant 0 : i32
    %scan3A_22 = arith.constant 8 : i32
    %scan3A_23 = arith.addi %scan3A_21, %scan3A_22 : i32
    %scan3A_24 = arith.constant 1 : i32
    scf.for %scan3A_335 = %scan3A_21 to %scan3A_23 step %scan3A_24  : i32 {
      %broadcast_in_dim3A = arith.constant 1.000000e+00 : f32
      %broadcast_in_dim3A_336 = vector.broadcast %broadcast_in_dim3A : f32 to vector<16xf32>
      %mul3A_337 = arith.constant 16 : i32
      %mul3A_338 = arith.muli %scan3A_335, %mul3A_337 : i32
      %swap3A = arith.index_cast %mul3A_338 : i32 to index
      %swap3A_339 = tpu.vector_load %arg26[%swap3A] {strides = array<i32>} : memref<128xf32, #tpu.memory_space<vmem>>, vector<16xf32>,
      %swap3A_340 = vector.shape_cast %swap3A_339 : vector<16xf32> to vector<16xf32>
      %swap3A_341 = vector.shape_cast %broadcast_in_dim3A_336 : vector<16xf32> to vector<16xf32>
      tpu.vector_store %arg26[%swap3A], %swap3A_341 {strides = array<i32>} : memref<128xf32, #tpu.memory_space<vmem>>, vector<16xf32>,
    }
    %scan3A_25 = arith.constant 8 : i32
    %barrier3A = arith.constant 0 : index
    tpu.barrier barrier_id(%barrier3A)
    "tpu.region"() ({
      %run_scoped3A = tpu.sem_alloc : memref<!tpu.dma_semaphore, #tpu.memory_space<semaphore_mem>>
      %dma_start3A_335 = arith.constant 0 : i32
      %dma_start3A_336 = arith.constant 0 : i32
      %dma_start3A_337 = tpu.memref_slice %arg4[%arg1, %dma_start3A_335, %dma_start3A_336] : memref<16x160x128xi32, #tpu.memory_space<hbm>> -> memref<1x160x128xi32, #tpu.memory_space<hbm>>
      %dma_start3A_338 = tpu.memref_squeeze %dma_start3A_337 : memref<1x160x128xi32, #tpu.memory_space<hbm>> -> memref<160x128xi32, #tpu.memory_space<hbm>>
      %dma_start3A_339 = arith.constant 0 : i32
      %dma_start3A_340 = arith.constant 0 : i32
      %dma_start3A_341 = tpu.memref_slice %arg4[%arg1, %dma_start3A_339, %dma_start3A_340] : memref<16x160x128xi32, #tpu.memory_space<hbm>> -> memref<1x160x128xi32, #tpu.memory_space<hbm>>
      %dma_start3A_342 = tpu.memref_squeeze %dma_start3A_341 : memref<1x160x128xi32, #tpu.memory_space<hbm>> -> memref<160x128xi32, #tpu.memory_space<hbm>>
      tpu.enqueue_dma source(%dma_start3A_342 : memref<160x128xi32, #tpu.memory_space<hbm>>) target(%arg22 : memref<160x128xi32, #tpu.memory_space<vmem>>) target_semaphore(%run_scoped3A : memref<!tpu.dma_semaphore, #tpu.memory_space<semaphore_mem>>)
      %dma_wait3A_343 = arith.constant 0 : i32
      %dma_wait3A_344 = arith.constant 0 : i32
      %dma_wait3A_345 = tpu.memref_slice %arg4[%arg1, %dma_wait3A_343, %dma_wait3A_344] : memref<16x160x128xi32, #tpu.memory_space<hbm>> -> memref<1x160x128xi32, #tpu.memory_space<hbm>>
      %dma_wait3A_346 = tpu.memref_squeeze %dma_wait3A_345 : memref<1x160x128xi32, #tpu.memory_space<hbm>> -> memref<160x128xi32, #tpu.memory_space<hbm>>
      %dma_wait3A_347 = arith.constant 0 : i32
      %dma_wait3A_348 = arith.constant 0 : i32
      %dma_wait3A_349 = tpu.memref_slice %arg4[%arg1, %dma_wait3A_347, %dma_wait3A_348] : memref<16x160x128xi32, #tpu.memory_space<hbm>> -> memref<1x160x128xi32, #tpu.memory_space<hbm>>
      %dma_wait3A_350 = tpu.memref_squeeze %dma_wait3A_349 : memref<1x160x128xi32, #tpu.memory_space<hbm>> -> memref<160x128xi32, #tpu.memory_space<hbm>>
      tpu.wait_dma2 semaphore(%run_scoped3A : memref<!tpu.dma_semaphore, #tpu.memory_space<semaphore_mem>>) src(%dma_wait3A_350 : memref<160x128xi32, #tpu.memory_space<hbm>>) dst(%arg22 : memref<160x128xi32, #tpu.memory_space<vmem>>)
      tpu.yield
    }) : () -> ()
    "tpu.region"() ({
      %run_scoped3A = tpu.sem_alloc : memref<!tpu.dma_semaphore, #tpu.memory_space<semaphore_mem>>
      %dma_start3A_335 = arith.constant 0 : i32
      %dma_start3A_336 = arith.constant 0 : i32
      %dma_start3A_337 = tpu.memref_slice %arg5[%arg1, %dma_start3A_335, %dma_start3A_336] : memref<16x160x128xi32, #tpu.memory_space<hbm>> -> memref<1x160x128xi32, #tpu.memory_space<hbm>>
      %dma_start3A_338 = tpu.memref_squeeze %dma_start3A_337 : memref<1x160x128xi32, #tpu.memory_space<hbm>> -> memref<160x128xi32, #tpu.memory_space<hbm>>
      %dma_start3A_339 = arith.constant 0 : i32
      %dma_start3A_340 = arith.constant 0 : i32
      %dma_start3A_341 = tpu.memref_slice %arg5[%arg1, %dma_start3A_339, %dma_start3A_340] : memref<16x160x128xi32, #tpu.memory_space<hbm>> -> memref<1x160x128xi32, #tpu.memory_space<hbm>>
      %dma_start3A_342 = tpu.memref_squeeze %dma_start3A_341 : memref<1x160x128xi32, #tpu.memory_space<hbm>> -> memref<160x128xi32, #tpu.memory_space<hbm>>
      tpu.enqueue_dma source(%dma_start3A_342 : memref<160x128xi32, #tpu.memory_space<hbm>>) target(%arg23 : memref<160x128xi32, #tpu.memory_space<vmem>>) target_semaphore(%run_scoped3A : memref<!tpu.dma_semaphore, #tpu.memory_space<semaphore_mem>>)
      %dma_wait3A_343 = arith.constant 0 : i32
      %dma_wait3A_344 = arith.constant 0 : i32
      %dma_wait3A_345 = tpu.memref_slice %arg5[%arg1, %dma_wait3A_343, %dma_wait3A_344] : memref<16x160x128xi32, #tpu.memory_space<hbm>> -> memref<1x160x128xi32, #tpu.memory_space<hbm>>
      %dma_wait3A_346 = tpu.memref_squeeze %dma_wait3A_345 : memref<1x160x128xi32, #tpu.memory_space<hbm>> -> memref<160x128xi32, #tpu.memory_space<hbm>>
      %dma_wait3A_347 = arith.constant 0 : i32
      %dma_wait3A_348 = arith.constant 0 : i32
      %dma_wait3A_349 = tpu.memref_slice %arg5[%arg1, %dma_wait3A_347, %dma_wait3A_348] : memref<16x160x128xi32, #tpu.memory_space<hbm>> -> memref<1x160x128xi32, #tpu.memory_space<hbm>>
      %dma_wait3A_350 = tpu.memref_squeeze %dma_wait3A_349 : memref<1x160x128xi32, #tpu.memory_space<hbm>> -> memref<160x128xi32, #tpu.memory_space<hbm>>
      tpu.wait_dma2 semaphore(%run_scoped3A : memref<!tpu.dma_semaphore, #tpu.memory_space<semaphore_mem>>) src(%dma_wait3A_350 : memref<160x128xi32, #tpu.memory_space<hbm>>) dst(%arg23 : memref<160x128xi32, #tpu.memory_space<vmem>>)
      tpu.yield
    }) : () -> ()
    %dma_start3A = arith.constant 0 : i32
    %dma_start3A_26 = arith.constant 0 : i32
    %dma_start3A_27 = tpu.memref_slice %arg22[%dma_start3A, %dma_start3A_26] : memref<160x128xi32, #tpu.memory_space<vmem>> -> memref<1x128xi32, #tpu.memory_space<vmem>>
    %dma_start3A_28 = tpu.memref_squeeze %dma_start3A_27 : memref<1x128xi32, #tpu.memory_space<vmem>> -> memref<128xi32, #tpu.memory_space<vmem>>
    %dma_start3A_29 = arith.constant 0 : i32
    %dma_start3A_30 = arith.constant 0 : i32
    %dma_start3A_31 = tpu.memref_slice %arg28[%dma_start3A_29, %dma_start3A_30] : memref<10240x16xf32, #tpu.memory_space<vmem_shared>> -> memref<10240x16xf32, #tpu.memory_space<vmem_shared>>
    tpu.enqueue_indirect_dma source(%dma_start3A_31 : memref<10240x16xf32, #tpu.memory_space<vmem_shared>>) target(%arg14 : memref<128x16xf32, #tpu.memory_space<vmem>>) offsets(%dma_start3A_28 : memref<128xi32, #tpu.memory_space<vmem>>) semaphore(%arg31 : memref<!tpu.dma_semaphore, #tpu.memory_space<semaphore_mem>>)
    %dma_start3A_32 = arith.constant 1 : i32
    %dma_start3A_33 = arith.constant 0 : i32
    %dma_start3A_34 = tpu.memref_slice %arg22[%dma_start3A_32, %dma_start3A_33] : memref<160x128xi32, #tpu.memory_space<vmem>> -> memref<1x128xi32, #tpu.memory_space<vmem>>
    %dma_start3A_35 = tpu.memref_squeeze %dma_start3A_34 : memref<1x128xi32, #tpu.memory_space<vmem>> -> memref<128xi32, #tpu.memory_space<vmem>>
    %dma_start3A_36 = arith.constant 0 : i32
    %dma_start3A_37 = arith.constant 0 : i32
    %dma_start3A_38 = tpu.memref_slice %arg28[%dma_start3A_36, %dma_start3A_37] : memref<10240x16xf32, #tpu.memory_space<vmem_shared>> -> memref<10240x16xf32, #tpu.memory_space<vmem_shared>>
    tpu.enqueue_indirect_dma source(%dma_start3A_38 : memref<10240x16xf32, #tpu.memory_space<vmem_shared>>) target(%arg15 : memref<128x16xf32, #tpu.memory_space<vmem>>) offsets(%dma_start3A_35 : memref<128xi32, #tpu.memory_space<vmem>>) semaphore(%arg32 : memref<!tpu.dma_semaphore, #tpu.memory_space<semaphore_mem>>)
    %dma_start3A_39 = arith.constant 2 : i32
    %dma_start3A_40 = arith.constant 0 : i32
    %dma_start3A_41 = tpu.memref_slice %arg22[%dma_start3A_39, %dma_start3A_40] : memref<160x128xi32, #tpu.memory_space<vmem>> -> memref<1x128xi32, #tpu.memory_space<vmem>>
    %dma_start3A_42 = tpu.memref_squeeze %dma_start3A_41 : memref<1x128xi32, #tpu.memory_space<vmem>> -> memref<128xi32, #tpu.memory_space<vmem>>
    %dma_start3A_43 = arith.constant 0 : i32
    %dma_start3A_44 = arith.constant 0 : i32
    %dma_start3A_45 = tpu.memref_slice %arg28[%dma_start3A_43, %dma_start3A_44] : memref<10240x16xf32, #tpu.memory_space<vmem_shared>> -> memref<10240x16xf32, #tpu.memory_space<vmem_shared>>
    tpu.enqueue_indirect_dma source(%dma_start3A_45 : memref<10240x16xf32, #tpu.memory_space<vmem_shared>>) target(%arg16 : memref<128x16xf32, #tpu.memory_space<vmem>>) offsets(%dma_start3A_42 : memref<128xi32, #tpu.memory_space<vmem>>) semaphore(%arg33 : memref<!tpu.dma_semaphore, #tpu.memory_space<semaphore_mem>>)
    %dma_start3A_46 = arith.constant 3 : i32
    %dma_start3A_47 = arith.constant 0 : i32
    %dma_start3A_48 = tpu.memref_slice %arg22[%dma_start3A_46, %dma_start3A_47] : memref<160x128xi32, #tpu.memory_space<vmem>> -> memref<1x128xi32, #tpu.memory_space<vmem>>
    %dma_start3A_49 = tpu.memref_squeeze %dma_start3A_48 : memref<1x128xi32, #tpu.memory_space<vmem>> -> memref<128xi32, #tpu.memory_space<vmem>>
    %dma_start3A_50 = arith.constant 0 : i32
    %dma_start3A_51 = arith.constant 0 : i32
    %dma_start3A_52 = tpu.memref_slice %arg28[%dma_start3A_50, %dma_start3A_51] : memref<10240x16xf32, #tpu.memory_space<vmem_shared>> -> memref<10240x16xf32, #tpu.memory_space<vmem_shared>>
    tpu.enqueue_indirect_dma source(%dma_start3A_52 : memref<10240x16xf32, #tpu.memory_space<vmem_shared>>) target(%arg17 : memref<128x16xf32, #tpu.memory_space<vmem>>) offsets(%dma_start3A_49 : memref<128xi32, #tpu.memory_space<vmem>>) semaphore(%arg34 : memref<!tpu.dma_semaphore, #tpu.memory_space<semaphore_mem>>)
    %dma_start3A_53 = arith.constant 4 : i32
    %dma_start3A_54 = arith.constant 0 : i32
    %dma_start3A_55 = tpu.memref_slice %arg22[%dma_start3A_53, %dma_start3A_54] : memref<160x128xi32, #tpu.memory_space<vmem>> -> memref<1x128xi32, #tpu.memory_space<vmem>>
    %dma_start3A_56 = tpu.memref_squeeze %dma_start3A_55 : memref<1x128xi32, #tpu.memory_space<vmem>> -> memref<128xi32, #tpu.memory_space<vmem>>
    %dma_start3A_57 = arith.constant 0 : i32
    %dma_start3A_58 = arith.constant 0 : i32
    %dma_start3A_59 = tpu.memref_slice %arg28[%dma_start3A_57, %dma_start3A_58] : memref<10240x16xf32, #tpu.memory_space<vmem_shared>> -> memref<10240x16xf32, #tpu.memory_space<vmem_shared>>
    tpu.enqueue_indirect_dma source(%dma_start3A_59 : memref<10240x16xf32, #tpu.memory_space<vmem_shared>>) target(%arg18 : memref<128x16xf32, #tpu.memory_space<vmem>>) offsets(%dma_start3A_56 : memref<128xi32, #tpu.memory_space<vmem>>) semaphore(%arg35 : memref<!tpu.dma_semaphore, #tpu.memory_space<semaphore_mem>>)
    %dma_start3A_60 = arith.constant 5 : i32
    %dma_start3A_61 = arith.constant 0 : i32
    %dma_start3A_62 = tpu.memref_slice %arg22[%dma_start3A_60, %dma_start3A_61] : memref<160x128xi32, #tpu.memory_space<vmem>> -> memref<1x128xi32, #tpu.memory_space<vmem>>
    %dma_start3A_63 = tpu.memref_squeeze %dma_start3A_62 : memref<1x128xi32, #tpu.memory_space<vmem>> -> memref<128xi32, #tpu.memory_space<vmem>>
    %dma_start3A_64 = arith.constant 0 : i32
    %dma_start3A_65 = arith.constant 0 : i32
    %dma_start3A_66 = tpu.memref_slice %arg28[%dma_start3A_64, %dma_start3A_65] : memref<10240x16xf32, #tpu.memory_space<vmem_shared>> -> memref<10240x16xf32, #tpu.memory_space<vmem_shared>>
    tpu.enqueue_indirect_dma source(%dma_start3A_66 : memref<10240x16xf32, #tpu.memory_space<vmem_shared>>) target(%arg19 : memref<128x16xf32, #tpu.memory_space<vmem>>) offsets(%dma_start3A_63 : memref<128xi32, #tpu.memory_space<vmem>>) semaphore(%arg36 : memref<!tpu.dma_semaphore, #tpu.memory_space<semaphore_mem>>)
    %dma_start3A_67 = arith.constant 6 : i32
    %dma_start3A_68 = arith.constant 0 : i32
    %dma_start3A_69 = tpu.memref_slice %arg22[%dma_start3A_67, %dma_start3A_68] : memref<160x128xi32, #tpu.memory_space<vmem>> -> memref<1x128xi32, #tpu.memory_space<vmem>>
    %dma_start3A_70 = tpu.memref_squeeze %dma_start3A_69 : memref<1x128xi32, #tpu.memory_space<vmem>> -> memref<128xi32, #tpu.memory_space<vmem>>
    %dma_start3A_71 = arith.constant 0 : i32
    %dma_start3A_72 = arith.constant 0 : i32
    %dma_start3A_73 = tpu.memref_slice %arg28[%dma_start3A_71, %dma_start3A_72] : memref<10240x16xf32, #tpu.memory_space<vmem_shared>> -> memref<10240x16xf32, #tpu.memory_space<vmem_shared>>
    tpu.enqueue_indirect_dma source(%dma_start3A_73 : memref<10240x16xf32, #tpu.memory_space<vmem_shared>>) target(%arg20 : memref<128x16xf32, #tpu.memory_space<vmem>>) offsets(%dma_start3A_70 : memref<128xi32, #tpu.memory_space<vmem>>) semaphore(%arg37 : memref<!tpu.dma_semaphore, #tpu.memory_space<semaphore_mem>>)
    %dma_start3A_74 = arith.constant 7 : i32
    %dma_start3A_75 = arith.constant 0 : i32
    %dma_start3A_76 = tpu.memref_slice %arg22[%dma_start3A_74, %dma_start3A_75] : memref<160x128xi32, #tpu.memory_space<vmem>> -> memref<1x128xi32, #tpu.memory_space<vmem>>
    %dma_start3A_77 = tpu.memref_squeeze %dma_start3A_76 : memref<1x128xi32, #tpu.memory_space<vmem>> -> memref<128xi32, #tpu.memory_space<vmem>>
    %dma_start3A_78 = arith.constant 0 : i32
    %dma_start3A_79 = arith.constant 0 : i32
    %dma_start3A_80 = tpu.memref_slice %arg28[%dma_start3A_78, %dma_start3A_79] : memref<10240x16xf32, #tpu.memory_space<vmem_shared>> -> memref<10240x16xf32, #tpu.memory_space<vmem_shared>>
    tpu.enqueue_indirect_dma source(%dma_start3A_80 : memref<10240x16xf32, #tpu.memory_space<vmem_shared>>) target(%arg21 : memref<128x16xf32, #tpu.memory_space<vmem>>) offsets(%dma_start3A_77 : memref<128xi32, #tpu.memory_space<vmem>>) semaphore(%arg38 : memref<!tpu.dma_semaphore, #tpu.memory_space<semaphore_mem>>)
    %scan3A_81 = arith.constant 0 : i32
    %scan3A_82 = arith.constant 0 : i32
    %scan3A_83 = arith.constant 20 : i32
    %scan3A_84 = arith.addi %scan3A_82, %scan3A_83 : i32
    %scan3A_85 = arith.constant 1 : i32
    scf.for %scan3A_335 = %scan3A_82 to %scan3A_84 step %scan3A_85  : i32 {
      %mul3A_336 = arith.constant 8 : i32
      %mul3A_337 = arith.muli %scan3A_335, %mul3A_336 : i32
      %add3A_338 = arith.constant 0 : i32
      %add3A_339 = arith.addi %mul3A_337, %add3A_338 : i32
      %dma_wait3A_340 = arith.constant 0 : i32
      %dma_wait3A_341 = tpu.memref_slice %arg22[%add3A_339, %dma_wait3A_340] : memref<160x128xi32, #tpu.memory_space<vmem>> -> memref<1x128xi32, #tpu.memory_space<vmem>>
      %dma_wait3A_342 = tpu.memref_squeeze %dma_wait3A_341 : memref<1x128xi32, #tpu.memory_space<vmem>> -> memref<128xi32, #tpu.memory_space<vmem>>
      %dma_wait3A_343 = arith.constant 0 : i32
      %dma_wait3A_344 = arith.constant 0 : i32
      %dma_wait3A_345 = tpu.memref_slice %arg28[%dma_wait3A_343, %dma_wait3A_344] : memref<10240x16xf32, #tpu.memory_space<vmem_shared>> -> memref<10240x16xf32, #tpu.memory_space<vmem_shared>>
      tpu.wait_indirect_dma semaphore(%arg31 : memref<!tpu.dma_semaphore, #tpu.memory_space<semaphore_mem>>) src(%dma_wait3A_345 : memref<10240x16xf32, #tpu.memory_space<vmem_shared>>) dst(%arg14 : memref<128x16xf32, #tpu.memory_space<vmem>>)
      %dma_start3A_346 = arith.constant 0 : i32
      %dma_start3A_347 = tpu.memref_slice %arg23[%add3A_339, %dma_start3A_346] : memref<160x128xi32, #tpu.memory_space<vmem>> -> memref<1x128xi32, #tpu.memory_space<vmem>>
      %dma_start3A_348 = tpu.memref_squeeze %dma_start3A_347 : memref<1x128xi32, #tpu.memory_space<vmem>> -> memref<128xi32, #tpu.memory_space<vmem>>
      %dma_start3A_349 = arith.constant 0 : i32
      %dma_start3A_350 = arith.constant 0 : i32
      %dma_start3A_351 = tpu.memref_slice %arg29[%dma_start3A_349, %dma_start3A_350] : memref<10240x16xf32, #tpu.memory_space<vmem_shared>> -> memref<10240x16xf32, #tpu.memory_space<vmem_shared>>
      tpu.enqueue_indirect_dma source(%arg14 : memref<128x16xf32, #tpu.memory_space<vmem>>) target(%dma_start3A_351 : memref<10240x16xf32, #tpu.memory_space<vmem_shared>>) offsets(%dma_start3A_348 : memref<128xi32, #tpu.memory_space<vmem>>) semaphore(%arg39 : memref<!tpu.dma_semaphore, #tpu.memory_space<semaphore_mem>>) {add = true}
      %dma_start3A_352 = arith.constant 0 : i32
      %dma_start3A_353 = tpu.memref_slice %arg23[%add3A_339, %dma_start3A_352] : memref<160x128xi32, #tpu.memory_space<vmem>> -> memref<1x128xi32, #tpu.memory_space<vmem>>
      %dma_start3A_354 = tpu.memref_squeeze %dma_start3A_353 : memref<1x128xi32, #tpu.memory_space<vmem>> -> memref<128xi32, #tpu.memory_space<vmem>>
      %dma_start3A_355 = arith.constant 0 : i32
      %dma_start3A_356 = tpu.memref_slice %arg30[%dma_start3A_355] : memref<10240xf32, #tpu.memory_space<vmem_shared>> -> memref<10240xf32, #tpu.memory_space<vmem_shared>>
      tpu.enqueue_indirect_dma source(%arg26 : memref<128xf32, #tpu.memory_space<vmem>>) target(%dma_start3A_356 : memref<10240xf32, #tpu.memory_space<vmem_shared>>) offsets(%dma_start3A_354 : memref<128xi32, #tpu.memory_space<vmem>>) semaphore(%arg47 : memref<!tpu.dma_semaphore, #tpu.memory_space<semaphore_mem>>) {add = true}
      %ge3A = arith.constant 4 : i32
      %ge3A_357 = arith.cmpi sge, %add3A_339, %ge3A : i32
      %add3A_358 = arith.constant 4 : i32
      %add3A_359 = arith.addi %add3A_339, %add3A_358 : i32
      %lt3A = arith.constant 160 : i32
      %lt3A_360 = arith.cmpi slt, %add3A_359, %lt3A : i32
      %and3A = arith.andi %ge3A_357, %lt3A_360 : i1
      %convert_element_type3A_361 = arith.extui %and3A : i1 to i32
      %cond3A_362 = arith.constant 0 : i32
      %cond3A_363 = arith.cmpi ne, %convert_element_type3A_361, %cond3A_362 : i32
      scf.if %cond3A_363 {
        %sub3A = arith.constant 4 : i32
        %sub3A_581 = arith.subi %add3A_339, %sub3A : i32
        %dma_wait3A_582 = arith.constant 0 : i32
        %dma_wait3A_583 = tpu.memref_slice %arg23[%sub3A_581, %dma_wait3A_582] : memref<160x128xi32, #tpu.memory_space<vmem>> -> memref<1x128xi32, #tpu.memory_space<vmem>>
        %dma_wait3A_584 = tpu.memref_squeeze %dma_wait3A_583 : memref<1x128xi32, #tpu.memory_space<vmem>> -> memref<128xi32, #tpu.memory_space<vmem>>
        %dma_wait3A_585 = arith.constant 0 : i32
        %dma_wait3A_586 = arith.constant 0 : i32
        %dma_wait3A_587 = tpu.memref_slice %arg29[%dma_wait3A_585, %dma_wait3A_586] : memref<10240x16xf32, #tpu.memory_space<vmem_shared>> -> memref<10240x16xf32, #tpu.memory_space<vmem_shared>>
        tpu.wait_indirect_dma semaphore(%arg43 : memref<!tpu.dma_semaphore, #tpu.memory_space<semaphore_mem>>) src(%arg18 : memref<128x16xf32, #tpu.memory_space<vmem>>) dst(%dma_wait3A_587 : memref<10240x16xf32, #tpu.memory_space<vmem_shared>>)
        %dma_wait3A_588 = arith.constant 0 : i32
        %dma_wait3A_589 = tpu.memref_slice %arg23[%sub3A_581, %dma_wait3A_588] : memref<160x128xi32, #tpu.memory_space<vmem>> -> memref<1x128xi32, #tpu.memory_space<vmem>>
        %dma_wait3A_590 = tpu.memref_squeeze %dma_wait3A_589 : memref<1x128xi32, #tpu.memory_space<vmem>> -> memref<128xi32, #tpu.memory_space<vmem>>
        %dma_wait3A_591 = arith.constant 0 : i32
        %dma_wait3A_592 = tpu.memref_slice %arg30[%dma_wait3A_591] : memref<10240xf32, #tpu.memory_space<vmem_shared>> -> memref<10240xf32, #tpu.memory_space<vmem_shared>>
        tpu.wait_indirect_dma semaphore(%arg51 : memref<!tpu.dma_semaphore, #tpu.memory_space<semaphore_mem>>) src(%arg26 : memref<128xf32, #tpu.memory_space<vmem>>) dst(%dma_wait3A_592 : memref<10240xf32, #tpu.memory_space<vmem_shared>>)
        %add3A_593 = arith.constant 4 : i32
        %add3A_594 = arith.addi %add3A_339, %add3A_593 : i32
        %dma_start3A_595 = arith.constant 0 : i32
        %dma_start3A_596 = tpu.memref_slice %arg22[%add3A_594, %dma_start3A_595] : memref<160x128xi32, #tpu.memory_space<vmem>> -> memref<1x128xi32, #tpu.memory_space<vmem>>
        %dma_start3A_597 = tpu.memref_squeeze %dma_start3A_596 : memref<1x128xi32, #tpu.memory_space<vmem>> -> memref<128xi32, #tpu.memory_space<vmem>>
        %dma_start3A_598 = arith.constant 0 : i32
        %dma_start3A_599 = arith.constant 0 : i32
        %dma_start3A_600 = tpu.memref_slice %arg28[%dma_start3A_598, %dma_start3A_599] : memref<10240x16xf32, #tpu.memory_space<vmem_shared>> -> memref<10240x16xf32, #tpu.memory_space<vmem_shared>>
        tpu.enqueue_indirect_dma source(%dma_start3A_600 : memref<10240x16xf32, #tpu.memory_space<vmem_shared>>) target(%arg18 : memref<128x16xf32, #tpu.memory_space<vmem>>) offsets(%dma_start3A_597 : memref<128xi32, #tpu.memory_space<vmem>>) semaphore(%arg35 : memref<!tpu.dma_semaphore, #tpu.memory_space<semaphore_mem>>)
      } else {
      }
      %mul3A_364 = arith.constant 8 : i32
      %mul3A_365 = arith.muli %scan3A_335, %mul3A_364 : i32
      %add3A_366 = arith.constant 1 : i32
      %add3A_367 = arith.addi %mul3A_365, %add3A_366 : i32
      %dma_wait3A_368 = arith.constant 0 : i32
      %dma_wait3A_369 = tpu.memref_slice %arg22[%add3A_367, %dma_wait3A_368] : memref<160x128xi32, #tpu.memory_space<vmem>> -> memref<1x128xi32, #tpu.memory_space<vmem>>
      %dma_wait3A_370 = tpu.memref_squeeze %dma_wait3A_369 : memref<1x128xi32, #tpu.memory_space<vmem>> -> memref<128xi32, #tpu.memory_space<vmem>>
      %dma_wait3A_371 = arith.constant 0 : i32
      %dma_wait3A_372 = arith.constant 0 : i32
      %dma_wait3A_373 = tpu.memref_slice %arg28[%dma_wait3A_371, %dma_wait3A_372] : memref<10240x16xf32, #tpu.memory_space<vmem_shared>> -> memref<10240x16xf32, #tpu.memory_space<vmem_shared>>
      tpu.wait_indirect_dma semaphore(%arg32 : memref<!tpu.dma_semaphore, #tpu.memory_space<semaphore_mem>>) src(%dma_wait3A_373 : memref<10240x16xf32, #tpu.memory_space<vmem_shared>>) dst(%arg15 : memref<128x16xf32, #tpu.memory_space<vmem>>)
      %dma_start3A_374 = arith.constant 0 : i32
      %dma_start3A_375 = tpu.memref_slice %arg23[%add3A_367, %dma_start3A_374] : memref<160x128xi32, #tpu.memory_space<vmem>> -> memref<1x128xi32, #tpu.memory_space<vmem>>
      %dma_start3A_376 = tpu.memref_squeeze %dma_start3A_375 : memref<1x128xi32, #tpu.memory_space<vmem>> -> memref<128xi32, #tpu.memory_space<vmem>>
      %dma_start3A_377 = arith.constant 0 : i32
      %dma_start3A_378 = arith.constant 0 : i32
      %dma_start3A_379 = tpu.memref_slice %arg29[%dma_start3A_377, %dma_start3A_378] : memref<10240x16xf32, #tpu.memory_space<vmem_shared>> -> memref<10240x16xf32, #tpu.memory_space<vmem_shared>>
      tpu.enqueue_indirect_dma source(%arg15 : memref<128x16xf32, #tpu.memory_space<vmem>>) target(%dma_start3A_379 : memref<10240x16xf32, #tpu.memory_space<vmem_shared>>) offsets(%dma_start3A_376 : memref<128xi32, #tpu.memory_space<vmem>>) semaphore(%arg40 : memref<!tpu.dma_semaphore, #tpu.memory_space<semaphore_mem>>) {add = true}
      %dma_start3A_380 = arith.constant 0 : i32
      %dma_start3A_381 = tpu.memref_slice %arg23[%add3A_367, %dma_start3A_380] : memref<160x128xi32, #tpu.memory_space<vmem>> -> memref<1x128xi32, #tpu.memory_space<vmem>>
      %dma_start3A_382 = tpu.memref_squeeze %dma_start3A_381 : memref<1x128xi32, #tpu.memory_space<vmem>> -> memref<128xi32, #tpu.memory_space<vmem>>
      %dma_start3A_383 = arith.constant 0 : i32
      %dma_start3A_384 = tpu.memref_slice %arg30[%dma_start3A_383] : memref<10240xf32, #tpu.memory_space<vmem_shared>> -> memref<10240xf32, #tpu.memory_space<vmem_shared>>
      tpu.enqueue_indirect_dma source(%arg26 : memref<128xf32, #tpu.memory_space<vmem>>) target(%dma_start3A_384 : memref<10240xf32, #tpu.memory_space<vmem_shared>>) offsets(%dma_start3A_382 : memref<128xi32, #tpu.memory_space<vmem>>) semaphore(%arg48 : memref<!tpu.dma_semaphore, #tpu.memory_space<semaphore_mem>>) {add = true}
      %ge3A_385 = arith.constant 4 : i32
      %ge3A_386 = arith.cmpi sge, %add3A_367, %ge3A_385 : i32
      %add3A_387 = arith.constant 4 : i32
      %add3A_388 = arith.addi %add3A_367, %add3A_387 : i32
      %lt3A_389 = arith.constant 160 : i32
      %lt3A_390 = arith.cmpi slt, %add3A_388, %lt3A_389 : i32
      %and3A_391 = arith.andi %ge3A_386, %lt3A_390 : i1
      %convert_element_type3A_392 = arith.extui %and3A_391 : i1 to i32
      %cond3A_393 = arith.constant 0 : i32
      %cond3A_394 = arith.cmpi ne, %convert_element_type3A_392, %cond3A_393 : i32
      scf.if %cond3A_394 {
        %sub3A = arith.constant 4 : i32
        %sub3A_581 = arith.subi %add3A_367, %sub3A : i32
        %dma_wait3A_582 = arith.constant 0 : i32
        %dma_wait3A_583 = tpu.memref_slice %arg23[%sub3A_581, %dma_wait3A_582] : memref<160x128xi32, #tpu.memory_space<vmem>> -> memref<1x128xi32, #tpu.memory_space<vmem>>
        %dma_wait3A_584 = tpu.memref_squeeze %dma_wait3A_583 : memref<1x128xi32, #tpu.memory_space<vmem>> -> memref<128xi32, #tpu.memory_space<vmem>>
        %dma_wait3A_585 = arith.constant 0 : i32
        %dma_wait3A_586 = arith.constant 0 : i32
        %dma_wait3A_587 = tpu.memref_slice %arg29[%dma_wait3A_585, %dma_wait3A_586] : memref<10240x16xf32, #tpu.memory_space<vmem_shared>> -> memref<10240x16xf32, #tpu.memory_space<vmem_shared>>
        tpu.wait_indirect_dma semaphore(%arg44 : memref<!tpu.dma_semaphore, #tpu.memory_space<semaphore_mem>>) src(%arg19 : memref<128x16xf32, #tpu.memory_space<vmem>>) dst(%dma_wait3A_587 : memref<10240x16xf32, #tpu.memory_space<vmem_shared>>)
        %dma_wait3A_588 = arith.constant 0 : i32
        %dma_wait3A_589 = tpu.memref_slice %arg23[%sub3A_581, %dma_wait3A_588] : memref<160x128xi32, #tpu.memory_space<vmem>> -> memref<1x128xi32, #tpu.memory_space<vmem>>
        %dma_wait3A_590 = tpu.memref_squeeze %dma_wait3A_589 : memref<1x128xi32, #tpu.memory_space<vmem>> -> memref<128xi32, #tpu.memory_space<vmem>>
        %dma_wait3A_591 = arith.constant 0 : i32
        %dma_wait3A_592 = tpu.memref_slice %arg30[%dma_wait3A_591] : memref<10240xf32, #tpu.memory_space<vmem_shared>> -> memref<10240xf32, #tpu.memory_space<vmem_shared>>
        tpu.wait_indirect_dma semaphore(%arg52 : memref<!tpu.dma_semaphore, #tpu.memory_space<semaphore_mem>>) src(%arg26 : memref<128xf32, #tpu.memory_space<vmem>>) dst(%dma_wait3A_592 : memref<10240xf32, #tpu.memory_space<vmem_shared>>)
        %add3A_593 = arith.constant 4 : i32
        %add3A_594 = arith.addi %add3A_367, %add3A_593 : i32
        %dma_start3A_595 = arith.constant 0 : i32
        %dma_start3A_596 = tpu.memref_slice %arg22[%add3A_594, %dma_start3A_595] : memref<160x128xi32, #tpu.memory_space<vmem>> -> memref<1x128xi32, #tpu.memory_space<vmem>>
        %dma_start3A_597 = tpu.memref_squeeze %dma_start3A_596 : memref<1x128xi32, #tpu.memory_space<vmem>> -> memref<128xi32, #tpu.memory_space<vmem>>
        %dma_start3A_598 = arith.constant 0 : i32
        %dma_start3A_599 = arith.constant 0 : i32
        %dma_start3A_600 = tpu.memref_slice %arg28[%dma_start3A_598, %dma_start3A_599] : memref<10240x16xf32, #tpu.memory_space<vmem_shared>> -> memref<10240x16xf32, #tpu.memory_space<vmem_shared>>
        tpu.enqueue_indirect_dma source(%dma_start3A_600 : memref<10240x16xf32, #tpu.memory_space<vmem_shared>>) target(%arg19 : memref<128x16xf32, #tpu.memory_space<vmem>>) offsets(%dma_start3A_597 : memref<128xi32, #tpu.memory_space<vmem>>) semaphore(%arg36 : memref<!tpu.dma_semaphore, #tpu.memory_space<semaphore_mem>>)
      } else {
      }
      %mul3A_395 = arith.constant 8 : i32
      %mul3A_396 = arith.muli %scan3A_335, %mul3A_395 : i32
      %add3A_397 = arith.constant 2 : i32
      %add3A_398 = arith.addi %mul3A_396, %add3A_397 : i32
      %dma_wait3A_399 = arith.constant 0 : i32
      %dma_wait3A_400 = tpu.memref_slice %arg22[%add3A_398, %dma_wait3A_399] : memref<160x128xi32, #tpu.memory_space<vmem>> -> memref<1x128xi32, #tpu.memory_space<vmem>>
      %dma_wait3A_401 = tpu.memref_squeeze %dma_wait3A_400 : memref<1x128xi32, #tpu.memory_space<vmem>> -> memref<128xi32, #tpu.memory_space<vmem>>
      %dma_wait3A_402 = arith.constant 0 : i32
      %dma_wait3A_403 = arith.constant 0 : i32
      %dma_wait3A_404 = tpu.memref_slice %arg28[%dma_wait3A_402, %dma_wait3A_403] : memref<10240x16xf32, #tpu.memory_space<vmem_shared>> -> memref<10240x16xf32, #tpu.memory_space<vmem_shared>>
      tpu.wait_indirect_dma semaphore(%arg33 : memref<!tpu.dma_semaphore, #tpu.memory_space<semaphore_mem>>) src(%dma_wait3A_404 : memref<10240x16xf32, #tpu.memory_space<vmem_shared>>) dst(%arg16 : memref<128x16xf32, #tpu.memory_space<vmem>>)
      %dma_start3A_405 = arith.constant 0 : i32
      %dma_start3A_406 = tpu.memref_slice %arg23[%add3A_398, %dma_start3A_405] : memref<160x128xi32, #tpu.memory_space<vmem>> -> memref<1x128xi32, #tpu.memory_space<vmem>>
      %dma_start3A_407 = tpu.memref_squeeze %dma_start3A_406 : memref<1x128xi32, #tpu.memory_space<vmem>> -> memref<128xi32, #tpu.memory_space<vmem>>
      %dma_start3A_408 = arith.constant 0 : i32
      %dma_start3A_409 = arith.constant 0 : i32
      %dma_start3A_410 = tpu.memref_slice %arg29[%dma_start3A_408, %dma_start3A_409] : memref<10240x16xf32, #tpu.memory_space<vmem_shared>> -> memref<10240x16xf32, #tpu.memory_space<vmem_shared>>
      tpu.enqueue_indirect_dma source(%arg16 : memref<128x16xf32, #tpu.memory_space<vmem>>) target(%dma_start3A_410 : memref<10240x16xf32, #tpu.memory_space<vmem_shared>>) offsets(%dma_start3A_407 : memref<128xi32, #tpu.memory_space<vmem>>) semaphore(%arg41 : memref<!tpu.dma_semaphore, #tpu.memory_space<semaphore_mem>>) {add = true}
      %dma_start3A_411 = arith.constant 0 : i32
      %dma_start3A_412 = tpu.memref_slice %arg23[%add3A_398, %dma_start3A_411] : memref<160x128xi32, #tpu.memory_space<vmem>> -> memref<1x128xi32, #tpu.memory_space<vmem>>
      %dma_start3A_413 = tpu.memref_squeeze %dma_start3A_412 : memref<1x128xi32, #tpu.memory_space<vmem>> -> memref<128xi32, #tpu.memory_space<vmem>>
      %dma_start3A_414 = arith.constant 0 : i32
      %dma_start3A_415 = tpu.memref_slice %arg30[%dma_start3A_414] : memref<10240xf32, #tpu.memory_space<vmem_shared>> -> memref<10240xf32, #tpu.memory_space<vmem_shared>>
      tpu.enqueue_indirect_dma source(%arg26 : memref<128xf32, #tpu.memory_space<vmem>>) target(%dma_start3A_415 : memref<10240xf32, #tpu.memory_space<vmem_shared>>) offsets(%dma_start3A_413 : memref<128xi32, #tpu.memory_space<vmem>>) semaphore(%arg49 : memref<!tpu.dma_semaphore, #tpu.memory_space<semaphore_mem>>) {add = true}
      %ge3A_416 = arith.constant 4 : i32
      %ge3A_417 = arith.cmpi sge, %add3A_398, %ge3A_416 : i32
      %add3A_418 = arith.constant 4 : i32
      %add3A_419 = arith.addi %add3A_398, %add3A_418 : i32
      %lt3A_420 = arith.constant 160 : i32
      %lt3A_421 = arith.cmpi slt, %add3A_419, %lt3A_420 : i32
      %and3A_422 = arith.andi %ge3A_417, %lt3A_421 : i1
      %convert_element_type3A_423 = arith.extui %and3A_422 : i1 to i32
      %cond3A_424 = arith.constant 0 : i32
      %cond3A_425 = arith.cmpi ne, %convert_element_type3A_423, %cond3A_424 : i32
      scf.if %cond3A_425 {
        %sub3A = arith.constant 4 : i32
        %sub3A_581 = arith.subi %add3A_398, %sub3A : i32
        %dma_wait3A_582 = arith.constant 0 : i32
        %dma_wait3A_583 = tpu.memref_slice %arg23[%sub3A_581, %dma_wait3A_582] : memref<160x128xi32, #tpu.memory_space<vmem>> -> memref<1x128xi32, #tpu.memory_space<vmem>>
        %dma_wait3A_584 = tpu.memref_squeeze %dma_wait3A_583 : memref<1x128xi32, #tpu.memory_space<vmem>> -> memref<128xi32, #tpu.memory_space<vmem>>
        %dma_wait3A_585 = arith.constant 0 : i32
        %dma_wait3A_586 = arith.constant 0 : i32
        %dma_wait3A_587 = tpu.memref_slice %arg29[%dma_wait3A_585, %dma_wait3A_586] : memref<10240x16xf32, #tpu.memory_space<vmem_shared>> -> memref<10240x16xf32, #tpu.memory_space<vmem_shared>>
        tpu.wait_indirect_dma semaphore(%arg45 : memref<!tpu.dma_semaphore, #tpu.memory_space<semaphore_mem>>) src(%arg20 : memref<128x16xf32, #tpu.memory_space<vmem>>) dst(%dma_wait3A_587 : memref<10240x16xf32, #tpu.memory_space<vmem_shared>>)
        %dma_wait3A_588 = arith.constant 0 : i32
        %dma_wait3A_589 = tpu.memref_slice %arg23[%sub3A_581, %dma_wait3A_588] : memref<160x128xi32, #tpu.memory_space<vmem>> -> memref<1x128xi32, #tpu.memory_space<vmem>>
        %dma_wait3A_590 = tpu.memref_squeeze %dma_wait3A_589 : memref<1x128xi32, #tpu.memory_space<vmem>> -> memref<128xi32, #tpu.memory_space<vmem>>
        %dma_wait3A_591 = arith.constant 0 : i32
        %dma_wait3A_592 = tpu.memref_slice %arg30[%dma_wait3A_591] : memref<10240xf32, #tpu.memory_space<vmem_shared>> -> memref<10240xf32, #tpu.memory_space<vmem_shared>>
        tpu.wait_indirect_dma semaphore(%arg53 : memref<!tpu.dma_semaphore, #tpu.memory_space<semaphore_mem>>) src(%arg26 : memref<128xf32, #tpu.memory_space<vmem>>) dst(%dma_wait3A_592 : memref<10240xf32, #tpu.memory_space<vmem_shared>>)
        %add3A_593 = arith.constant 4 : i32
        %add3A_594 = arith.addi %add3A_398, %add3A_593 : i32
        %dma_start3A_595 = arith.constant 0 : i32
        %dma_start3A_596 = tpu.memref_slice %arg22[%add3A_594, %dma_start3A_595] : memref<160x128xi32, #tpu.memory_space<vmem>> -> memref<1x128xi32, #tpu.memory_space<vmem>>
        %dma_start3A_597 = tpu.memref_squeeze %dma_start3A_596 : memref<1x128xi32, #tpu.memory_space<vmem>> -> memref<128xi32, #tpu.memory_space<vmem>>
        %dma_start3A_598 = arith.constant 0 : i32
        %dma_start3A_599 = arith.constant 0 : i32
        %dma_start3A_600 = tpu.memref_slice %arg28[%dma_start3A_598, %dma_start3A_599] : memref<10240x16xf32, #tpu.memory_space<vmem_shared>> -> memref<10240x16xf32, #tpu.memory_space<vmem_shared>>
        tpu.enqueue_indirect_dma source(%dma_start3A_600 : memref<10240x16xf32, #tpu.memory_space<vmem_shared>>) target(%arg20 : memref<128x16xf32, #tpu.memory_space<vmem>>) offsets(%dma_start3A_597 : memref<128xi32, #tpu.memory_space<vmem>>) semaphore(%arg37 : memref<!tpu.dma_semaphore, #tpu.memory_space<semaphore_mem>>)
      } else {
      }
      %mul3A_426 = arith.constant 8 : i32
      %mul3A_427 = arith.muli %scan3A_335, %mul3A_426 : i32
      %add3A_428 = arith.constant 3 : i32
      %add3A_429 = arith.addi %mul3A_427, %add3A_428 : i32
      %dma_wait3A_430 = arith.constant 0 : i32
      %dma_wait3A_431 = tpu.memref_slice %arg22[%add3A_429, %dma_wait3A_430] : memref<160x128xi32, #tpu.memory_space<vmem>> -> memref<1x128xi32, #tpu.memory_space<vmem>>
      %dma_wait3A_432 = tpu.memref_squeeze %dma_wait3A_431 : memref<1x128xi32, #tpu.memory_space<vmem>> -> memref<128xi32, #tpu.memory_space<vmem>>
      %dma_wait3A_433 = arith.constant 0 : i32
      %dma_wait3A_434 = arith.constant 0 : i32
      %dma_wait3A_435 = tpu.memref_slice %arg28[%dma_wait3A_433, %dma_wait3A_434] : memref<10240x16xf32, #tpu.memory_space<vmem_shared>> -> memref<10240x16xf32, #tpu.memory_space<vmem_shared>>
      tpu.wait_indirect_dma semaphore(%arg34 : memref<!tpu.dma_semaphore, #tpu.memory_space<semaphore_mem>>) src(%dma_wait3A_435 : memref<10240x16xf32, #tpu.memory_space<vmem_shared>>) dst(%arg17 : memref<128x16xf32, #tpu.memory_space<vmem>>)
      %dma_start3A_436 = arith.constant 0 : i32
      %dma_start3A_437 = tpu.memref_slice %arg23[%add3A_429, %dma_start3A_436] : memref<160x128xi32, #tpu.memory_space<vmem>> -> memref<1x128xi32, #tpu.memory_space<vmem>>
      %dma_start3A_438 = tpu.memref_squeeze %dma_start3A_437 : memref<1x128xi32, #tpu.memory_space<vmem>> -> memref<128xi32, #tpu.memory_space<vmem>>
      %dma_start3A_439 = arith.constant 0 : i32
      %dma_start3A_440 = arith.constant 0 : i32
      %dma_start3A_441 = tpu.memref_slice %arg29[%dma_start3A_439, %dma_start3A_440] : memref<10240x16xf32, #tpu.memory_space<vmem_shared>> -> memref<10240x16xf32, #tpu.memory_space<vmem_shared>>
      tpu.enqueue_indirect_dma source(%arg17 : memref<128x16xf32, #tpu.memory_space<vmem>>) target(%dma_start3A_441 : memref<10240x16xf32, #tpu.memory_space<vmem_shared>>) offsets(%dma_start3A_438 : memref<128xi32, #tpu.memory_space<vmem>>) semaphore(%arg42 : memref<!tpu.dma_semaphore, #tpu.memory_space<semaphore_mem>>) {add = true}
      %dma_start3A_442 = arith.constant 0 : i32
      %dma_start3A_443 = tpu.memref_slice %arg23[%add3A_429, %dma_start3A_442] : memref<160x128xi32, #tpu.memory_space<vmem>> -> memref<1x128xi32, #tpu.memory_space<vmem>>
      %dma_start3A_444 = tpu.memref_squeeze %dma_start3A_443 : memref<1x128xi32, #tpu.memory_space<vmem>> -> memref<128xi32, #tpu.memory_space<vmem>>
      %dma_start3A_445 = arith.constant 0 : i32
      %dma_start3A_446 = tpu.memref_slice %arg30[%dma_start3A_445] : memref<10240xf32, #tpu.memory_space<vmem_shared>> -> memref<10240xf32, #tpu.memory_space<vmem_shared>>
      tpu.enqueue_indirect_dma source(%arg26 : memref<128xf32, #tpu.memory_space<vmem>>) target(%dma_start3A_446 : memref<10240xf32, #tpu.memory_space<vmem_shared>>) offsets(%dma_start3A_444 : memref<128xi32, #tpu.memory_space<vmem>>) semaphore(%arg50 : memref<!tpu.dma_semaphore, #tpu.memory_space<semaphore_mem>>) {add = true}
      %ge3A_447 = arith.constant 4 : i32
      %ge3A_448 = arith.cmpi sge, %add3A_429, %ge3A_447 : i32
      %add3A_449 = arith.constant 4 : i32
      %add3A_450 = arith.addi %add3A_429, %add3A_449 : i32
      %lt3A_451 = arith.constant 160 : i32
      %lt3A_452 = arith.cmpi slt, %add3A_450, %lt3A_451 : i32
      %and3A_453 = arith.andi %ge3A_448, %lt3A_452 : i1
      %convert_element_type3A_454 = arith.extui %and3A_453 : i1 to i32
      %cond3A_455 = arith.constant 0 : i32
      %cond3A_456 = arith.cmpi ne, %convert_element_type3A_454, %cond3A_455 : i32
      scf.if %cond3A_456 {
        %sub3A = arith.constant 4 : i32
        %sub3A_581 = arith.subi %add3A_429, %sub3A : i32
        %dma_wait3A_582 = arith.constant 0 : i32
        %dma_wait3A_583 = tpu.memref_slice %arg23[%sub3A_581, %dma_wait3A_582] : memref<160x128xi32, #tpu.memory_space<vmem>> -> memref<1x128xi32, #tpu.memory_space<vmem>>
        %dma_wait3A_584 = tpu.memref_squeeze %dma_wait3A_583 : memref<1x128xi32, #tpu.memory_space<vmem>> -> memref<128xi32, #tpu.memory_space<vmem>>
        %dma_wait3A_585 = arith.constant 0 : i32
        %dma_wait3A_586 = arith.constant 0 : i32
        %dma_wait3A_587 = tpu.memref_slice %arg29[%dma_wait3A_585, %dma_wait3A_586] : memref<10240x16xf32, #tpu.memory_space<vmem_shared>> -> memref<10240x16xf32, #tpu.memory_space<vmem_shared>>
        tpu.wait_indirect_dma semaphore(%arg46 : memref<!tpu.dma_semaphore, #tpu.memory_space<semaphore_mem>>) src(%arg21 : memref<128x16xf32, #tpu.memory_space<vmem>>) dst(%dma_wait3A_587 : memref<10240x16xf32, #tpu.memory_space<vmem_shared>>)
        %dma_wait3A_588 = arith.constant 0 : i32
        %dma_wait3A_589 = tpu.memref_slice %arg23[%sub3A_581, %dma_wait3A_588] : memref<160x128xi32, #tpu.memory_space<vmem>> -> memref<1x128xi32, #tpu.memory_space<vmem>>
        %dma_wait3A_590 = tpu.memref_squeeze %dma_wait3A_589 : memref<1x128xi32, #tpu.memory_space<vmem>> -> memref<128xi32, #tpu.memory_space<vmem>>
        %dma_wait3A_591 = arith.constant 0 : i32
        %dma_wait3A_592 = tpu.memref_slice %arg30[%dma_wait3A_591] : memref<10240xf32, #tpu.memory_space<vmem_shared>> -> memref<10240xf32, #tpu.memory_space<vmem_shared>>
        tpu.wait_indirect_dma semaphore(%arg54 : memref<!tpu.dma_semaphore, #tpu.memory_space<semaphore_mem>>) src(%arg26 : memref<128xf32, #tpu.memory_space<vmem>>) dst(%dma_wait3A_592 : memref<10240xf32, #tpu.memory_space<vmem_shared>>)
        %add3A_593 = arith.constant 4 : i32
        %add3A_594 = arith.addi %add3A_429, %add3A_593 : i32
        %dma_start3A_595 = arith.constant 0 : i32
        %dma_start3A_596 = tpu.memref_slice %arg22[%add3A_594, %dma_start3A_595] : memref<160x128xi32, #tpu.memory_space<vmem>> -> memref<1x128xi32, #tpu.memory_space<vmem>>
        %dma_start3A_597 = tpu.memref_squeeze %dma_start3A_596 : memref<1x128xi32, #tpu.memory_space<vmem>> -> memref<128xi32, #tpu.memory_space<vmem>>
        %dma_start3A_598 = arith.constant 0 : i32
        %dma_start3A_599 = arith.constant 0 : i32
        %dma_start3A_600 = tpu.memref_slice %arg28[%dma_start3A_598, %dma_start3A_599] : memref<10240x16xf32, #tpu.memory_space<vmem_shared>> -> memref<10240x16xf32, #tpu.memory_space<vmem_shared>>
        tpu.enqueue_indirect_dma source(%dma_start3A_600 : memref<10240x16xf32, #tpu.memory_space<vmem_shared>>) target(%arg21 : memref<128x16xf32, #tpu.memory_space<vmem>>) offsets(%dma_start3A_597 : memref<128xi32, #tpu.memory_space<vmem>>) semaphore(%arg38 : memref<!tpu.dma_semaphore, #tpu.memory_space<semaphore_mem>>)
      } else {
      }
      %mul3A_457 = arith.constant 8 : i32
      %mul3A_458 = arith.muli %scan3A_335, %mul3A_457 : i32
      %add3A_459 = arith.constant 4 : i32
      %add3A_460 = arith.addi %mul3A_458, %add3A_459 : i32
      %dma_wait3A_461 = arith.constant 0 : i32
      %dma_wait3A_462 = tpu.memref_slice %arg22[%add3A_460, %dma_wait3A_461] : memref<160x128xi32, #tpu.memory_space<vmem>> -> memref<1x128xi32, #tpu.memory_space<vmem>>
      %dma_wait3A_463 = tpu.memref_squeeze %dma_wait3A_462 : memref<1x128xi32, #tpu.memory_space<vmem>> -> memref<128xi32, #tpu.memory_space<vmem>>
      %dma_wait3A_464 = arith.constant 0 : i32
      %dma_wait3A_465 = arith.constant 0 : i32
      %dma_wait3A_466 = tpu.memref_slice %arg28[%dma_wait3A_464, %dma_wait3A_465] : memref<10240x16xf32, #tpu.memory_space<vmem_shared>> -> memref<10240x16xf32, #tpu.memory_space<vmem_shared>>
      tpu.wait_indirect_dma semaphore(%arg35 : memref<!tpu.dma_semaphore, #tpu.memory_space<semaphore_mem>>) src(%dma_wait3A_466 : memref<10240x16xf32, #tpu.memory_space<vmem_shared>>) dst(%arg18 : memref<128x16xf32, #tpu.memory_space<vmem>>)
      %dma_start3A_467 = arith.constant 0 : i32
      %dma_start3A_468 = tpu.memref_slice %arg23[%add3A_460, %dma_start3A_467] : memref<160x128xi32, #tpu.memory_space<vmem>> -> memref<1x128xi32, #tpu.memory_space<vmem>>
      %dma_start3A_469 = tpu.memref_squeeze %dma_start3A_468 : memref<1x128xi32, #tpu.memory_space<vmem>> -> memref<128xi32, #tpu.memory_space<vmem>>
      %dma_start3A_470 = arith.constant 0 : i32
      %dma_start3A_471 = arith.constant 0 : i32
      %dma_start3A_472 = tpu.memref_slice %arg29[%dma_start3A_470, %dma_start3A_471] : memref<10240x16xf32, #tpu.memory_space<vmem_shared>> -> memref<10240x16xf32, #tpu.memory_space<vmem_shared>>
      tpu.enqueue_indirect_dma source(%arg18 : memref<128x16xf32, #tpu.memory_space<vmem>>) target(%dma_start3A_472 : memref<10240x16xf32, #tpu.memory_space<vmem_shared>>) offsets(%dma_start3A_469 : memref<128xi32, #tpu.memory_space<vmem>>) semaphore(%arg43 : memref<!tpu.dma_semaphore, #tpu.memory_space<semaphore_mem>>) {add = true}
      %dma_start3A_473 = arith.constant 0 : i32
      %dma_start3A_474 = tpu.memref_slice %arg23[%add3A_460, %dma_start3A_473] : memref<160x128xi32, #tpu.memory_space<vmem>> -> memref<1x128xi32, #tpu.memory_space<vmem>>
      %dma_start3A_475 = tpu.memref_squeeze %dma_start3A_474 : memref<1x128xi32, #tpu.memory_space<vmem>> -> memref<128xi32, #tpu.memory_space<vmem>>
      %dma_start3A_476 = arith.constant 0 : i32
      %dma_start3A_477 = tpu.memref_slice %arg30[%dma_start3A_476] : memref<10240xf32, #tpu.memory_space<vmem_shared>> -> memref<10240xf32, #tpu.memory_space<vmem_shared>>
      tpu.enqueue_indirect_dma source(%arg26 : memref<128xf32, #tpu.memory_space<vmem>>) target(%dma_start3A_477 : memref<10240xf32, #tpu.memory_space<vmem_shared>>) offsets(%dma_start3A_475 : memref<128xi32, #tpu.memory_space<vmem>>) semaphore(%arg51 : memref<!tpu.dma_semaphore, #tpu.memory_space<semaphore_mem>>) {add = true}
      %ge3A_478 = arith.constant 4 : i32
      %ge3A_479 = arith.cmpi sge, %add3A_460, %ge3A_478 : i32
      %add3A_480 = arith.constant 4 : i32
      %add3A_481 = arith.addi %add3A_460, %add3A_480 : i32
      %lt3A_482 = arith.constant 160 : i32
      %lt3A_483 = arith.cmpi slt, %add3A_481, %lt3A_482 : i32
      %and3A_484 = arith.andi %ge3A_479, %lt3A_483 : i1
      %convert_element_type3A_485 = arith.extui %and3A_484 : i1 to i32
      %cond3A_486 = arith.constant 0 : i32
      %cond3A_487 = arith.cmpi ne, %convert_element_type3A_485, %cond3A_486 : i32
      scf.if %cond3A_487 {
        %sub3A = arith.constant 4 : i32
        %sub3A_581 = arith.subi %add3A_460, %sub3A : i32
        %dma_wait3A_582 = arith.constant 0 : i32
        %dma_wait3A_583 = tpu.memref_slice %arg23[%sub3A_581, %dma_wait3A_582] : memref<160x128xi32, #tpu.memory_space<vmem>> -> memref<1x128xi32, #tpu.memory_space<vmem>>
        %dma_wait3A_584 = tpu.memref_squeeze %dma_wait3A_583 : memref<1x128xi32, #tpu.memory_space<vmem>> -> memref<128xi32, #tpu.memory_space<vmem>>
        %dma_wait3A_585 = arith.constant 0 : i32
        %dma_wait3A_586 = arith.constant 0 : i32
        %dma_wait3A_587 = tpu.memref_slice %arg29[%dma_wait3A_585, %dma_wait3A_586] : memref<10240x16xf32, #tpu.memory_space<vmem_shared>> -> memref<10240x16xf32, #tpu.memory_space<vmem_shared>>
        tpu.wait_indirect_dma semaphore(%arg39 : memref<!tpu.dma_semaphore, #tpu.memory_space<semaphore_mem>>) src(%arg14 : memref<128x16xf32, #tpu.memory_space<vmem>>) dst(%dma_wait3A_587 : memref<10240x16xf32, #tpu.memory_space<vmem_shared>>)
        %dma_wait3A_588 = arith.constant 0 : i32
        %dma_wait3A_589 = tpu.memref_slice %arg23[%sub3A_581, %dma_wait3A_588] : memref<160x128xi32, #tpu.memory_space<vmem>> -> memref<1x128xi32, #tpu.memory_space<vmem>>
        %dma_wait3A_590 = tpu.memref_squeeze %dma_wait3A_589 : memref<1x128xi32, #tpu.memory_space<vmem>> -> memref<128xi32, #tpu.memory_space<vmem>>
        %dma_wait3A_591 = arith.constant 0 : i32
        %dma_wait3A_592 = tpu.memref_slice %arg30[%dma_wait3A_591] : memref<10240xf32, #tpu.memory_space<vmem_shared>> -> memref<10240xf32, #tpu.memory_space<vmem_shared>>
        tpu.wait_indirect_dma semaphore(%arg47 : memref<!tpu.dma_semaphore, #tpu.memory_space<semaphore_mem>>) src(%arg26 : memref<128xf32, #tpu.memory_space<vmem>>) dst(%dma_wait3A_592 : memref<10240xf32, #tpu.memory_space<vmem_shared>>)
        %add3A_593 = arith.constant 4 : i32
        %add3A_594 = arith.addi %add3A_460, %add3A_593 : i32
        %dma_start3A_595 = arith.constant 0 : i32
        %dma_start3A_596 = tpu.memref_slice %arg22[%add3A_594, %dma_start3A_595] : memref<160x128xi32, #tpu.memory_space<vmem>> -> memref<1x128xi32, #tpu.memory_space<vmem>>
        %dma_start3A_597 = tpu.memref_squeeze %dma_start3A_596 : memref<1x128xi32, #tpu.memory_space<vmem>> -> memref<128xi32, #tpu.memory_space<vmem>>
        %dma_start3A_598 = arith.constant 0 : i32
        %dma_start3A_599 = arith.constant 0 : i32
        %dma_start3A_600 = tpu.memref_slice %arg28[%dma_start3A_598, %dma_start3A_599] : memref<10240x16xf32, #tpu.memory_space<vmem_shared>> -> memref<10240x16xf32, #tpu.memory_space<vmem_shared>>
        tpu.enqueue_indirect_dma source(%dma_start3A_600 : memref<10240x16xf32, #tpu.memory_space<vmem_shared>>) target(%arg14 : memref<128x16xf32, #tpu.memory_space<vmem>>) offsets(%dma_start3A_597 : memref<128xi32, #tpu.memory_space<vmem>>) semaphore(%arg31 : memref<!tpu.dma_semaphore, #tpu.memory_space<semaphore_mem>>)
      } else {
      }
      %mul3A_488 = arith.constant 8 : i32
      %mul3A_489 = arith.muli %scan3A_335, %mul3A_488 : i32
      %add3A_490 = arith.constant 5 : i32
      %add3A_491 = arith.addi %mul3A_489, %add3A_490 : i32
      %dma_wait3A_492 = arith.constant 0 : i32
      %dma_wait3A_493 = tpu.memref_slice %arg22[%add3A_491, %dma_wait3A_492] : memref<160x128xi32, #tpu.memory_space<vmem>> -> memref<1x128xi32, #tpu.memory_space<vmem>>
      %dma_wait3A_494 = tpu.memref_squeeze %dma_wait3A_493 : memref<1x128xi32, #tpu.memory_space<vmem>> -> memref<128xi32, #tpu.memory_space<vmem>>
      %dma_wait3A_495 = arith.constant 0 : i32
      %dma_wait3A_496 = arith.constant 0 : i32
      %dma_wait3A_497 = tpu.memref_slice %arg28[%dma_wait3A_495, %dma_wait3A_496] : memref<10240x16xf32, #tpu.memory_space<vmem_shared>> -> memref<10240x16xf32, #tpu.memory_space<vmem_shared>>
      tpu.wait_indirect_dma semaphore(%arg36 : memref<!tpu.dma_semaphore, #tpu.memory_space<semaphore_mem>>) src(%dma_wait3A_497 : memref<10240x16xf32, #tpu.memory_space<vmem_shared>>) dst(%arg19 : memref<128x16xf32, #tpu.memory_space<vmem>>)
      %dma_start3A_498 = arith.constant 0 : i32
      %dma_start3A_499 = tpu.memref_slice %arg23[%add3A_491, %dma_start3A_498] : memref<160x128xi32, #tpu.memory_space<vmem>> -> memref<1x128xi32, #tpu.memory_space<vmem>>
      %dma_start3A_500 = tpu.memref_squeeze %dma_start3A_499 : memref<1x128xi32, #tpu.memory_space<vmem>> -> memref<128xi32, #tpu.memory_space<vmem>>
      %dma_start3A_501 = arith.constant 0 : i32
      %dma_start3A_502 = arith.constant 0 : i32
      %dma_start3A_503 = tpu.memref_slice %arg29[%dma_start3A_501, %dma_start3A_502] : memref<10240x16xf32, #tpu.memory_space<vmem_shared>> -> memref<10240x16xf32, #tpu.memory_space<vmem_shared>>
      tpu.enqueue_indirect_dma source(%arg19 : memref<128x16xf32, #tpu.memory_space<vmem>>) target(%dma_start3A_503 : memref<10240x16xf32, #tpu.memory_space<vmem_shared>>) offsets(%dma_start3A_500 : memref<128xi32, #tpu.memory_space<vmem>>) semaphore(%arg44 : memref<!tpu.dma_semaphore, #tpu.memory_space<semaphore_mem>>) {add = true}
      %dma_start3A_504 = arith.constant 0 : i32
      %dma_start3A_505 = tpu.memref_slice %arg23[%add3A_491, %dma_start3A_504] : memref<160x128xi32, #tpu.memory_space<vmem>> -> memref<1x128xi32, #tpu.memory_space<vmem>>
      %dma_start3A_506 = tpu.memref_squeeze %dma_start3A_505 : memref<1x128xi32, #tpu.memory_space<vmem>> -> memref<128xi32, #tpu.memory_space<vmem>>
      %dma_start3A_507 = arith.constant 0 : i32
      %dma_start3A_508 = tpu.memref_slice %arg30[%dma_start3A_507] : memref<10240xf32, #tpu.memory_space<vmem_shared>> -> memref<10240xf32, #tpu.memory_space<vmem_shared>>
      tpu.enqueue_indirect_dma source(%arg26 : memref<128xf32, #tpu.memory_space<vmem>>) target(%dma_start3A_508 : memref<10240xf32, #tpu.memory_space<vmem_shared>>) offsets(%dma_start3A_506 : memref<128xi32, #tpu.memory_space<vmem>>) semaphore(%arg52 : memref<!tpu.dma_semaphore, #tpu.memory_space<semaphore_mem>>) {add = true}
      %ge3A_509 = arith.constant 4 : i32
      %ge3A_510 = arith.cmpi sge, %add3A_491, %ge3A_509 : i32
      %add3A_511 = arith.constant 4 : i32
      %add3A_512 = arith.addi %add3A_491, %add3A_511 : i32
      %lt3A_513 = arith.constant 160 : i32
      %lt3A_514 = arith.cmpi slt, %add3A_512, %lt3A_513 : i32
      %and3A_515 = arith.andi %ge3A_510, %lt3A_514 : i1
      %convert_element_type3A_516 = arith.extui %and3A_515 : i1 to i32
      %cond3A_517 = arith.constant 0 : i32
      %cond3A_518 = arith.cmpi ne, %convert_element_type3A_516, %cond3A_517 : i32
      scf.if %cond3A_518 {
        %sub3A = arith.constant 4 : i32
        %sub3A_581 = arith.subi %add3A_491, %sub3A : i32
        %dma_wait3A_582 = arith.constant 0 : i32
        %dma_wait3A_583 = tpu.memref_slice %arg23[%sub3A_581, %dma_wait3A_582] : memref<160x128xi32, #tpu.memory_space<vmem>> -> memref<1x128xi32, #tpu.memory_space<vmem>>
        %dma_wait3A_584 = tpu.memref_squeeze %dma_wait3A_583 : memref<1x128xi32, #tpu.memory_space<vmem>> -> memref<128xi32, #tpu.memory_space<vmem>>
        %dma_wait3A_585 = arith.constant 0 : i32
        %dma_wait3A_586 = arith.constant 0 : i32
        %dma_wait3A_587 = tpu.memref_slice %arg29[%dma_wait3A_585, %dma_wait3A_586] : memref<10240x16xf32, #tpu.memory_space<vmem_shared>> -> memref<10240x16xf32, #tpu.memory_space<vmem_shared>>
        tpu.wait_indirect_dma semaphore(%arg40 : memref<!tpu.dma_semaphore, #tpu.memory_space<semaphore_mem>>) src(%arg15 : memref<128x16xf32, #tpu.memory_space<vmem>>) dst(%dma_wait3A_587 : memref<10240x16xf32, #tpu.memory_space<vmem_shared>>)
        %dma_wait3A_588 = arith.constant 0 : i32
        %dma_wait3A_589 = tpu.memref_slice %arg23[%sub3A_581, %dma_wait3A_588] : memref<160x128xi32, #tpu.memory_space<vmem>> -> memref<1x128xi32, #tpu.memory_space<vmem>>
        %dma_wait3A_590 = tpu.memref_squeeze %dma_wait3A_589 : memref<1x128xi32, #tpu.memory_space<vmem>> -> memref<128xi32, #tpu.memory_space<vmem>>
        %dma_wait3A_591 = arith.constant 0 : i32
        %dma_wait3A_592 = tpu.memref_slice %arg30[%dma_wait3A_591] : memref<10240xf32, #tpu.memory_space<vmem_shared>> -> memref<10240xf32, #tpu.memory_space<vmem_shared>>
        tpu.wait_indirect_dma semaphore(%arg48 : memref<!tpu.dma_semaphore, #tpu.memory_space<semaphore_mem>>) src(%arg26 : memref<128xf32, #tpu.memory_space<vmem>>) dst(%dma_wait3A_592 : memref<10240xf32, #tpu.memory_space<vmem_shared>>)
        %add3A_593 = arith.constant 4 : i32
        %add3A_594 = arith.addi %add3A_491, %add3A_593 : i32
        %dma_start3A_595 = arith.constant 0 : i32
        %dma_start3A_596 = tpu.memref_slice %arg22[%add3A_594, %dma_start3A_595] : memref<160x128xi32, #tpu.memory_space<vmem>> -> memref<1x128xi32, #tpu.memory_space<vmem>>
        %dma_start3A_597 = tpu.memref_squeeze %dma_start3A_596 : memref<1x128xi32, #tpu.memory_space<vmem>> -> memref<128xi32, #tpu.memory_space<vmem>>
        %dma_start3A_598 = arith.constant 0 : i32
        %dma_start3A_599 = arith.constant 0 : i32
        %dma_start3A_600 = tpu.memref_slice %arg28[%dma_start3A_598, %dma_start3A_599] : memref<10240x16xf32, #tpu.memory_space<vmem_shared>> -> memref<10240x16xf32, #tpu.memory_space<vmem_shared>>
        tpu.enqueue_indirect_dma source(%dma_start3A_600 : memref<10240x16xf32, #tpu.memory_space<vmem_shared>>) target(%arg15 : memref<128x16xf32, #tpu.memory_space<vmem>>) offsets(%dma_start3A_597 : memref<128xi32, #tpu.memory_space<vmem>>) semaphore(%arg32 : memref<!tpu.dma_semaphore, #tpu.memory_space<semaphore_mem>>)
      } else {
      }
      %mul3A_519 = arith.constant 8 : i32
      %mul3A_520 = arith.muli %scan3A_335, %mul3A_519 : i32
      %add3A_521 = arith.constant 6 : i32
      %add3A_522 = arith.addi %mul3A_520, %add3A_521 : i32
      %dma_wait3A_523 = arith.constant 0 : i32
      %dma_wait3A_524 = tpu.memref_slice %arg22[%add3A_522, %dma_wait3A_523] : memref<160x128xi32, #tpu.memory_space<vmem>> -> memref<1x128xi32, #tpu.memory_space<vmem>>
      %dma_wait3A_525 = tpu.memref_squeeze %dma_wait3A_524 : memref<1x128xi32, #tpu.memory_space<vmem>> -> memref<128xi32, #tpu.memory_space<vmem>>
      %dma_wait3A_526 = arith.constant 0 : i32
      %dma_wait3A_527 = arith.constant 0 : i32
      %dma_wait3A_528 = tpu.memref_slice %arg28[%dma_wait3A_526, %dma_wait3A_527] : memref<10240x16xf32, #tpu.memory_space<vmem_shared>> -> memref<10240x16xf32, #tpu.memory_space<vmem_shared>>
      tpu.wait_indirect_dma semaphore(%arg37 : memref<!tpu.dma_semaphore, #tpu.memory_space<semaphore_mem>>) src(%dma_wait3A_528 : memref<10240x16xf32, #tpu.memory_space<vmem_shared>>) dst(%arg20 : memref<128x16xf32, #tpu.memory_space<vmem>>)
      %dma_start3A_529 = arith.constant 0 : i32
      %dma_start3A_530 = tpu.memref_slice %arg23[%add3A_522, %dma_start3A_529] : memref<160x128xi32, #tpu.memory_space<vmem>> -> memref<1x128xi32, #tpu.memory_space<vmem>>
      %dma_start3A_531 = tpu.memref_squeeze %dma_start3A_530 : memref<1x128xi32, #tpu.memory_space<vmem>> -> memref<128xi32, #tpu.memory_space<vmem>>
      %dma_start3A_532 = arith.constant 0 : i32
      %dma_start3A_533 = arith.constant 0 : i32
      %dma_start3A_534 = tpu.memref_slice %arg29[%dma_start3A_532, %dma_start3A_533] : memref<10240x16xf32, #tpu.memory_space<vmem_shared>> -> memref<10240x16xf32, #tpu.memory_space<vmem_shared>>
      tpu.enqueue_indirect_dma source(%arg20 : memref<128x16xf32, #tpu.memory_space<vmem>>) target(%dma_start3A_534 : memref<10240x16xf32, #tpu.memory_space<vmem_shared>>) offsets(%dma_start3A_531 : memref<128xi32, #tpu.memory_space<vmem>>) semaphore(%arg45 : memref<!tpu.dma_semaphore, #tpu.memory_space<semaphore_mem>>) {add = true}
      %dma_start3A_535 = arith.constant 0 : i32
      %dma_start3A_536 = tpu.memref_slice %arg23[%add3A_522, %dma_start3A_535] : memref<160x128xi32, #tpu.memory_space<vmem>> -> memref<1x128xi32, #tpu.memory_space<vmem>>
      %dma_start3A_537 = tpu.memref_squeeze %dma_start3A_536 : memref<1x128xi32, #tpu.memory_space<vmem>> -> memref<128xi32, #tpu.memory_space<vmem>>
      %dma_start3A_538 = arith.constant 0 : i32
      %dma_start3A_539 = tpu.memref_slice %arg30[%dma_start3A_538] : memref<10240xf32, #tpu.memory_space<vmem_shared>> -> memref<10240xf32, #tpu.memory_space<vmem_shared>>
      tpu.enqueue_indirect_dma source(%arg26 : memref<128xf32, #tpu.memory_space<vmem>>) target(%dma_start3A_539 : memref<10240xf32, #tpu.memory_space<vmem_shared>>) offsets(%dma_start3A_537 : memref<128xi32, #tpu.memory_space<vmem>>) semaphore(%arg53 : memref<!tpu.dma_semaphore, #tpu.memory_space<semaphore_mem>>) {add = true}
      %ge3A_540 = arith.constant 4 : i32
      %ge3A_541 = arith.cmpi sge, %add3A_522, %ge3A_540 : i32
      %add3A_542 = arith.constant 4 : i32
      %add3A_543 = arith.addi %add3A_522, %add3A_542 : i32
      %lt3A_544 = arith.constant 160 : i32
      %lt3A_545 = arith.cmpi slt, %add3A_543, %lt3A_544 : i32
      %and3A_546 = arith.andi %ge3A_541, %lt3A_545 : i1
      %convert_element_type3A_547 = arith.extui %and3A_546 : i1 to i32
      %cond3A_548 = arith.constant 0 : i32
      %cond3A_549 = arith.cmpi ne, %convert_element_type3A_547, %cond3A_548 : i32
      scf.if %cond3A_549 {
        %sub3A = arith.constant 4 : i32
        %sub3A_581 = arith.subi %add3A_522, %sub3A : i32
        %dma_wait3A_582 = arith.constant 0 : i32
        %dma_wait3A_583 = tpu.memref_slice %arg23[%sub3A_581, %dma_wait3A_582] : memref<160x128xi32, #tpu.memory_space<vmem>> -> memref<1x128xi32, #tpu.memory_space<vmem>>
        %dma_wait3A_584 = tpu.memref_squeeze %dma_wait3A_583 : memref<1x128xi32, #tpu.memory_space<vmem>> -> memref<128xi32, #tpu.memory_space<vmem>>
        %dma_wait3A_585 = arith.constant 0 : i32
        %dma_wait3A_586 = arith.constant 0 : i32
        %dma_wait3A_587 = tpu.memref_slice %arg29[%dma_wait3A_585, %dma_wait3A_586] : memref<10240x16xf32, #tpu.memory_space<vmem_shared>> -> memref<10240x16xf32, #tpu.memory_space<vmem_shared>>
        tpu.wait_indirect_dma semaphore(%arg41 : memref<!tpu.dma_semaphore, #tpu.memory_space<semaphore_mem>>) src(%arg16 : memref<128x16xf32, #tpu.memory_space<vmem>>) dst(%dma_wait3A_587 : memref<10240x16xf32, #tpu.memory_space<vmem_shared>>)
        %dma_wait3A_588 = arith.constant 0 : i32
        %dma_wait3A_589 = tpu.memref_slice %arg23[%sub3A_581, %dma_wait3A_588] : memref<160x128xi32, #tpu.memory_space<vmem>> -> memref<1x128xi32, #tpu.memory_space<vmem>>
        %dma_wait3A_590 = tpu.memref_squeeze %dma_wait3A_589 : memref<1x128xi32, #tpu.memory_space<vmem>> -> memref<128xi32, #tpu.memory_space<vmem>>
        %dma_wait3A_591 = arith.constant 0 : i32
        %dma_wait3A_592 = tpu.memref_slice %arg30[%dma_wait3A_591] : memref<10240xf32, #tpu.memory_space<vmem_shared>> -> memref<10240xf32, #tpu.memory_space<vmem_shared>>
        tpu.wait_indirect_dma semaphore(%arg49 : memref<!tpu.dma_semaphore, #tpu.memory_space<semaphore_mem>>) src(%arg26 : memref<128xf32, #tpu.memory_space<vmem>>) dst(%dma_wait3A_592 : memref<10240xf32, #tpu.memory_space<vmem_shared>>)
        %add3A_593 = arith.constant 4 : i32
        %add3A_594 = arith.addi %add3A_522, %add3A_593 : i32
        %dma_start3A_595 = arith.constant 0 : i32
        %dma_start3A_596 = tpu.memref_slice %arg22[%add3A_594, %dma_start3A_595] : memref<160x128xi32, #tpu.memory_space<vmem>> -> memref<1x128xi32, #tpu.memory_space<vmem>>
        %dma_start3A_597 = tpu.memref_squeeze %dma_start3A_596 : memref<1x128xi32, #tpu.memory_space<vmem>> -> memref<128xi32, #tpu.memory_space<vmem>>
        %dma_start3A_598 = arith.constant 0 : i32
        %dma_start3A_599 = arith.constant 0 : i32
        %dma_start3A_600 = tpu.memref_slice %arg28[%dma_start3A_598, %dma_start3A_599] : memref<10240x16xf32, #tpu.memory_space<vmem_shared>> -> memref<10240x16xf32, #tpu.memory_space<vmem_shared>>
        tpu.enqueue_indirect_dma source(%dma_start3A_600 : memref<10240x16xf32, #tpu.memory_space<vmem_shared>>) target(%arg16 : memref<128x16xf32, #tpu.memory_space<vmem>>) offsets(%dma_start3A_597 : memref<128xi32, #tpu.memory_space<vmem>>) semaphore(%arg33 : memref<!tpu.dma_semaphore, #tpu.memory_space<semaphore_mem>>)
      } else {
      }
      %mul3A_550 = arith.constant 8 : i32
      %mul3A_551 = arith.muli %scan3A_335, %mul3A_550 : i32
      %add3A_552 = arith.constant 7 : i32
      %add3A_553 = arith.addi %mul3A_551, %add3A_552 : i32
      %dma_wait3A_554 = arith.constant 0 : i32
      %dma_wait3A_555 = tpu.memref_slice %arg22[%add3A_553, %dma_wait3A_554] : memref<160x128xi32, #tpu.memory_space<vmem>> -> memref<1x128xi32, #tpu.memory_space<vmem>>
      %dma_wait3A_556 = tpu.memref_squeeze %dma_wait3A_555 : memref<1x128xi32, #tpu.memory_space<vmem>> -> memref<128xi32, #tpu.memory_space<vmem>>
      %dma_wait3A_557 = arith.constant 0 : i32
      %dma_wait3A_558 = arith.constant 0 : i32
      %dma_wait3A_559 = tpu.memref_slice %arg28[%dma_wait3A_557, %dma_wait3A_558] : memref<10240x16xf32, #tpu.memory_space<vmem_shared>> -> memref<10240x16xf32, #tpu.memory_space<vmem_shared>>
      tpu.wait_indirect_dma semaphore(%arg38 : memref<!tpu.dma_semaphore, #tpu.memory_space<semaphore_mem>>) src(%dma_wait3A_559 : memref<10240x16xf32, #tpu.memory_space<vmem_shared>>) dst(%arg21 : memref<128x16xf32, #tpu.memory_space<vmem>>)
      %dma_start3A_560 = arith.constant 0 : i32
      %dma_start3A_561 = tpu.memref_slice %arg23[%add3A_553, %dma_start3A_560] : memref<160x128xi32, #tpu.memory_space<vmem>> -> memref<1x128xi32, #tpu.memory_space<vmem>>
      %dma_start3A_562 = tpu.memref_squeeze %dma_start3A_561 : memref<1x128xi32, #tpu.memory_space<vmem>> -> memref<128xi32, #tpu.memory_space<vmem>>
      %dma_start3A_563 = arith.constant 0 : i32
      %dma_start3A_564 = arith.constant 0 : i32
      %dma_start3A_565 = tpu.memref_slice %arg29[%dma_start3A_563, %dma_start3A_564] : memref<10240x16xf32, #tpu.memory_space<vmem_shared>> -> memref<10240x16xf32, #tpu.memory_space<vmem_shared>>
      tpu.enqueue_indirect_dma source(%arg21 : memref<128x16xf32, #tpu.memory_space<vmem>>) target(%dma_start3A_565 : memref<10240x16xf32, #tpu.memory_space<vmem_shared>>) offsets(%dma_start3A_562 : memref<128xi32, #tpu.memory_space<vmem>>) semaphore(%arg46 : memref<!tpu.dma_semaphore, #tpu.memory_space<semaphore_mem>>) {add = true}
      %dma_start3A_566 = arith.constant 0 : i32
      %dma_start3A_567 = tpu.memref_slice %arg23[%add3A_553, %dma_start3A_566] : memref<160x128xi32, #tpu.memory_space<vmem>> -> memref<1x128xi32, #tpu.memory_space<vmem>>
      %dma_start3A_568 = tpu.memref_squeeze %dma_start3A_567 : memref<1x128xi32, #tpu.memory_space<vmem>> -> memref<128xi32, #tpu.memory_space<vmem>>
      %dma_start3A_569 = arith.constant 0 : i32
      %dma_start3A_570 = tpu.memref_slice %arg30[%dma_start3A_569] : memref<10240xf32, #tpu.memory_space<vmem_shared>> -> memref<10240xf32, #tpu.memory_space<vmem_shared>>
      tpu.enqueue_indirect_dma source(%arg26 : memref<128xf32, #tpu.memory_space<vmem>>) target(%dma_start3A_570 : memref<10240xf32, #tpu.memory_space<vmem_shared>>) offsets(%dma_start3A_568 : memref<128xi32, #tpu.memory_space<vmem>>) semaphore(%arg54 : memref<!tpu.dma_semaphore, #tpu.memory_space<semaphore_mem>>) {add = true}
      %ge3A_571 = arith.constant 4 : i32
      %ge3A_572 = arith.cmpi sge, %add3A_553, %ge3A_571 : i32
      %add3A_573 = arith.constant 4 : i32
      %add3A_574 = arith.addi %add3A_553, %add3A_573 : i32
      %lt3A_575 = arith.constant 160 : i32
      %lt3A_576 = arith.cmpi slt, %add3A_574, %lt3A_575 : i32
      %and3A_577 = arith.andi %ge3A_572, %lt3A_576 : i1
      %convert_element_type3A_578 = arith.extui %and3A_577 : i1 to i32
      %cond3A_579 = arith.constant 0 : i32
      %cond3A_580 = arith.cmpi ne, %convert_element_type3A_578, %cond3A_579 : i32
      scf.if %cond3A_580 {
        %sub3A = arith.constant 4 : i32
        %sub3A_581 = arith.subi %add3A_553, %sub3A : i32
        %dma_wait3A_582 = arith.constant 0 : i32
        %dma_wait3A_583 = tpu.memref_slice %arg23[%sub3A_581, %dma_wait3A_582] : memref<160x128xi32, #tpu.memory_space<vmem>> -> memref<1x128xi32, #tpu.memory_space<vmem>>
        %dma_wait3A_584 = tpu.memref_squeeze %dma_wait3A_583 : memref<1x128xi32, #tpu.memory_space<vmem>> -> memref<128xi32, #tpu.memory_space<vmem>>
        %dma_wait3A_585 = arith.constant 0 : i32
        %dma_wait3A_586 = arith.constant 0 : i32
        %dma_wait3A_587 = tpu.memref_slice %arg29[%dma_wait3A_585, %dma_wait3A_586] : memref<10240x16xf32, #tpu.memory_space<vmem_shared>> -> memref<10240x16xf32, #tpu.memory_space<vmem_shared>>
        tpu.wait_indirect_dma semaphore(%arg42 : memref<!tpu.dma_semaphore, #tpu.memory_space<semaphore_mem>>) src(%arg17 : memref<128x16xf32, #tpu.memory_space<vmem>>) dst(%dma_wait3A_587 : memref<10240x16xf32, #tpu.memory_space<vmem_shared>>)
        %dma_wait3A_588 = arith.constant 0 : i32
        %dma_wait3A_589 = tpu.memref_slice %arg23[%sub3A_581, %dma_wait3A_588] : memref<160x128xi32, #tpu.memory_space<vmem>> -> memref<1x128xi32, #tpu.memory_space<vmem>>
        %dma_wait3A_590 = tpu.memref_squeeze %dma_wait3A_589 : memref<1x128xi32, #tpu.memory_space<vmem>> -> memref<128xi32, #tpu.memory_space<vmem>>
        %dma_wait3A_591 = arith.constant 0 : i32
        %dma_wait3A_592 = tpu.memref_slice %arg30[%dma_wait3A_591] : memref<10240xf32, #tpu.memory_space<vmem_shared>> -> memref<10240xf32, #tpu.memory_space<vmem_shared>>
        tpu.wait_indirect_dma semaphore(%arg50 : memref<!tpu.dma_semaphore, #tpu.memory_space<semaphore_mem>>) src(%arg26 : memref<128xf32, #tpu.memory_space<vmem>>) dst(%dma_wait3A_592 : memref<10240xf32, #tpu.memory_space<vmem_shared>>)
        %add3A_593 = arith.constant 4 : i32
        %add3A_594 = arith.addi %add3A_553, %add3A_593 : i32
        %dma_start3A_595 = arith.constant 0 : i32
        %dma_start3A_596 = tpu.memref_slice %arg22[%add3A_594, %dma_start3A_595] : memref<160x128xi32, #tpu.memory_space<vmem>> -> memref<1x128xi32, #tpu.memory_space<vmem>>
        %dma_start3A_597 = tpu.memref_squeeze %dma_start3A_596 : memref<1x128xi32, #tpu.memory_space<vmem>> -> memref<128xi32, #tpu.memory_space<vmem>>
        %dma_start3A_598 = arith.constant 0 : i32
        %dma_start3A_599 = arith.constant 0 : i32
        %dma_start3A_600 = tpu.memref_slice %arg28[%dma_start3A_598, %dma_start3A_599] : memref<10240x16xf32, #tpu.memory_space<vmem_shared>> -> memref<10240x16xf32, #tpu.memory_space<vmem_shared>>
        tpu.enqueue_indirect_dma source(%dma_start3A_600 : memref<10240x16xf32, #tpu.memory_space<vmem_shared>>) target(%arg17 : memref<128x16xf32, #tpu.memory_space<vmem>>) offsets(%dma_start3A_597 : memref<128xi32, #tpu.memory_space<vmem>>) semaphore(%arg34 : memref<!tpu.dma_semaphore, #tpu.memory_space<semaphore_mem>>)
      } else {
      }
    }
    %scan3A_86 = arith.constant 20 : i32
    %dma_wait3A = arith.constant 152 : i32
    %dma_wait3A_87 = arith.constant 0 : i32
    %dma_wait3A_88 = tpu.memref_slice %arg23[%dma_wait3A, %dma_wait3A_87] : memref<160x128xi32, #tpu.memory_space<vmem>> -> memref<1x128xi32, #tpu.memory_space<vmem>>
    %dma_wait3A_89 = tpu.memref_squeeze %dma_wait3A_88 : memref<1x128xi32, #tpu.memory_space<vmem>> -> memref<128xi32, #tpu.memory_space<vmem>>
    %dma_wait3A_90 = arith.constant 0 : i32
    %dma_wait3A_91 = arith.constant 0 : i32
    %dma_wait3A_92 = tpu.memref_slice %arg29[%dma_wait3A_90, %dma_wait3A_91] : memref<10240x16xf32, #tpu.memory_space<vmem_shared>> -> memref<10240x16xf32, #tpu.memory_space<vmem_shared>>
    tpu.wait_indirect_dma semaphore(%arg39 : memref<!tpu.dma_semaphore, #tpu.memory_space<semaphore_mem>>) src(%arg14 : memref<128x16xf32, #tpu.memory_space<vmem>>) dst(%dma_wait3A_92 : memref<10240x16xf32, #tpu.memory_space<vmem_shared>>)
    %dma_wait3A_93 = arith.constant 152 : i32
    %dma_wait3A_94 = arith.constant 0 : i32
    %dma_wait3A_95 = tpu.memref_slice %arg23[%dma_wait3A_93, %dma_wait3A_94] : memref<160x128xi32, #tpu.memory_space<vmem>> -> memref<1x128xi32, #tpu.memory_space<vmem>>
    %dma_wait3A_96 = tpu.memref_squeeze %dma_wait3A_95 : memref<1x128xi32, #tpu.memory_space<vmem>> -> memref<128xi32, #tpu.memory_space<vmem>>
    %dma_wait3A_97 = arith.constant 0 : i32
    %dma_wait3A_98 = tpu.memref_slice %arg30[%dma_wait3A_97] : memref<10240xf32, #tpu.memory_space<vmem_shared>> -> memref<10240xf32, #tpu.memory_space<vmem_shared>>
    tpu.wait_indirect_dma semaphore(%arg47 : memref<!tpu.dma_semaphore, #tpu.memory_space<semaphore_mem>>) src(%arg26 : memref<128xf32, #tpu.memory_space<vmem>>) dst(%dma_wait3A_98 : memref<10240xf32, #tpu.memory_space<vmem_shared>>)
    %dma_wait3A_99 = arith.constant 153 : i32
    %dma_wait3A_100 = arith.constant 0 : i32
    %dma_wait3A_101 = tpu.memref_slice %arg23[%dma_wait3A_99, %dma_wait3A_100] : memref<160x128xi32, #tpu.memory_space<vmem>> -> memref<1x128xi32, #tpu.memory_space<vmem>>
    %dma_wait3A_102 = tpu.memref_squeeze %dma_wait3A_101 : memref<1x128xi32, #tpu.memory_space<vmem>> -> memref<128xi32, #tpu.memory_space<vmem>>
    %dma_wait3A_103 = arith.constant 0 : i32
    %dma_wait3A_104 = arith.constant 0 : i32
    %dma_wait3A_105 = tpu.memref_slice %arg29[%dma_wait3A_103, %dma_wait3A_104] : memref<10240x16xf32, #tpu.memory_space<vmem_shared>> -> memref<10240x16xf32, #tpu.memory_space<vmem_shared>>
    tpu.wait_indirect_dma semaphore(%arg40 : memref<!tpu.dma_semaphore, #tpu.memory_space<semaphore_mem>>) src(%arg15 : memref<128x16xf32, #tpu.memory_space<vmem>>) dst(%dma_wait3A_105 : memref<10240x16xf32, #tpu.memory_space<vmem_shared>>)
    %dma_wait3A_106 = arith.constant 153 : i32
    %dma_wait3A_107 = arith.constant 0 : i32
    %dma_wait3A_108 = tpu.memref_slice %arg23[%dma_wait3A_106, %dma_wait3A_107] : memref<160x128xi32, #tpu.memory_space<vmem>> -> memref<1x128xi32, #tpu.memory_space<vmem>>
    %dma_wait3A_109 = tpu.memref_squeeze %dma_wait3A_108 : memref<1x128xi32, #tpu.memory_space<vmem>> -> memref<128xi32, #tpu.memory_space<vmem>>
    %dma_wait3A_110 = arith.constant 0 : i32
    %dma_wait3A_111 = tpu.memref_slice %arg30[%dma_wait3A_110] : memref<10240xf32, #tpu.memory_space<vmem_shared>> -> memref<10240xf32, #tpu.memory_space<vmem_shared>>
    tpu.wait_indirect_dma semaphore(%arg48 : memref<!tpu.dma_semaphore, #tpu.memory_space<semaphore_mem>>) src(%arg26 : memref<128xf32, #tpu.memory_space<vmem>>) dst(%dma_wait3A_111 : memref<10240xf32, #tpu.memory_space<vmem_shared>>)
    %dma_wait3A_112 = arith.constant 154 : i32
    %dma_wait3A_113 = arith.constant 0 : i32
    %dma_wait3A_114 = tpu.memref_slice %arg23[%dma_wait3A_112, %dma_wait3A_113] : memref<160x128xi32, #tpu.memory_space<vmem>> -> memref<1x128xi32, #tpu.memory_space<vmem>>
    %dma_wait3A_115 = tpu.memref_squeeze %dma_wait3A_114 : memref<1x128xi32, #tpu.memory_space<vmem>> -> memref<128xi32, #tpu.memory_space<vmem>>
    %dma_wait3A_116 = arith.constant 0 : i32
    %dma_wait3A_117 = arith.constant 0 : i32
    %dma_wait3A_118 = tpu.memref_slice %arg29[%dma_wait3A_116, %dma_wait3A_117] : memref<10240x16xf32, #tpu.memory_space<vmem_shared>> -> memref<10240x16xf32, #tpu.memory_space<vmem_shared>>
    tpu.wait_indirect_dma semaphore(%arg41 : memref<!tpu.dma_semaphore, #tpu.memory_space<semaphore_mem>>) src(%arg16 : memref<128x16xf32, #tpu.memory_space<vmem>>) dst(%dma_wait3A_118 : memref<10240x16xf32, #tpu.memory_space<vmem_shared>>)
    %dma_wait3A_119 = arith.constant 154 : i32
    %dma_wait3A_120 = arith.constant 0 : i32
    %dma_wait3A_121 = tpu.memref_slice %arg23[%dma_wait3A_119, %dma_wait3A_120] : memref<160x128xi32, #tpu.memory_space<vmem>> -> memref<1x128xi32, #tpu.memory_space<vmem>>
    %dma_wait3A_122 = tpu.memref_squeeze %dma_wait3A_121 : memref<1x128xi32, #tpu.memory_space<vmem>> -> memref<128xi32, #tpu.memory_space<vmem>>
    %dma_wait3A_123 = arith.constant 0 : i32
    %dma_wait3A_124 = tpu.memref_slice %arg30[%dma_wait3A_123] : memref<10240xf32, #tpu.memory_space<vmem_shared>> -> memref<10240xf32, #tpu.memory_space<vmem_shared>>
    tpu.wait_indirect_dma semaphore(%arg49 : memref<!tpu.dma_semaphore, #tpu.memory_space<semaphore_mem>>) src(%arg26 : memref<128xf32, #tpu.memory_space<vmem>>) dst(%dma_wait3A_124 : memref<10240xf32, #tpu.memory_space<vmem_shared>>)
    %dma_wait3A_125 = arith.constant 155 : i32
    %dma_wait3A_126 = arith.constant 0 : i32
    %dma_wait3A_127 = tpu.memref_slice %arg23[%dma_wait3A_125, %dma_wait3A_126] : memref<160x128xi32, #tpu.memory_space<vmem>> -> memref<1x128xi32, #tpu.memory_space<vmem>>
    %dma_wait3A_128 = tpu.memref_squeeze %dma_wait3A_127 : memref<1x128xi32, #tpu.memory_space<vmem>> -> memref<128xi32, #tpu.memory_space<vmem>>
    %dma_wait3A_129 = arith.constant 0 : i32
    %dma_wait3A_130 = arith.constant 0 : i32
    %dma_wait3A_131 = tpu.memref_slice %arg29[%dma_wait3A_129, %dma_wait3A_130] : memref<10240x16xf32, #tpu.memory_space<vmem_shared>> -> memref<10240x16xf32, #tpu.memory_space<vmem_shared>>
    tpu.wait_indirect_dma semaphore(%arg42 : memref<!tpu.dma_semaphore, #tpu.memory_space<semaphore_mem>>) src(%arg17 : memref<128x16xf32, #tpu.memory_space<vmem>>) dst(%dma_wait3A_131 : memref<10240x16xf32, #tpu.memory_space<vmem_shared>>)
    %dma_wait3A_132 = arith.constant 155 : i32
    %dma_wait3A_133 = arith.constant 0 : i32
    %dma_wait3A_134 = tpu.memref_slice %arg23[%dma_wait3A_132, %dma_wait3A_133] : memref<160x128xi32, #tpu.memory_space<vmem>> -> memref<1x128xi32, #tpu.memory_space<vmem>>
    %dma_wait3A_135 = tpu.memref_squeeze %dma_wait3A_134 : memref<1x128xi32, #tpu.memory_space<vmem>> -> memref<128xi32, #tpu.memory_space<vmem>>
    %dma_wait3A_136 = arith.constant 0 : i32
    %dma_wait3A_137 = tpu.memref_slice %arg30[%dma_wait3A_136] : memref<10240xf32, #tpu.memory_space<vmem_shared>> -> memref<10240xf32, #tpu.memory_space<vmem_shared>>
    tpu.wait_indirect_dma semaphore(%arg50 : memref<!tpu.dma_semaphore, #tpu.memory_space<semaphore_mem>>) src(%arg26 : memref<128xf32, #tpu.memory_space<vmem>>) dst(%dma_wait3A_137 : memref<10240xf32, #tpu.memory_space<vmem_shared>>)
    %dma_wait3A_138 = arith.constant 156 : i32
    %dma_wait3A_139 = arith.constant 0 : i32
    %dma_wait3A_140 = tpu.memref_slice %arg23[%dma_wait3A_138, %dma_wait3A_139] : memref<160x128xi32, #tpu.memory_space<vmem>> -> memref<1x128xi32, #tpu.memory_space<vmem>>
    %dma_wait3A_141 = tpu.memref_squeeze %dma_wait3A_140 : memref<1x128xi32, #tpu.memory_space<vmem>> -> memref<128xi32, #tpu.memory_space<vmem>>
    %dma_wait3A_142 = arith.constant 0 : i32
    %dma_wait3A_143 = arith.constant 0 : i32
    %dma_wait3A_144 = tpu.memref_slice %arg29[%dma_wait3A_142, %dma_wait3A_143] : memref<10240x16xf32, #tpu.memory_space<vmem_shared>> -> memref<10240x16xf32, #tpu.memory_space<vmem_shared>>
    tpu.wait_indirect_dma semaphore(%arg43 : memref<!tpu.dma_semaphore, #tpu.memory_space<semaphore_mem>>) src(%arg18 : memref<128x16xf32, #tpu.memory_space<vmem>>) dst(%dma_wait3A_144 : memref<10240x16xf32, #tpu.memory_space<vmem_shared>>)
    %dma_wait3A_145 = arith.constant 156 : i32
    %dma_wait3A_146 = arith.constant 0 : i32
    %dma_wait3A_147 = tpu.memref_slice %arg23[%dma_wait3A_145, %dma_wait3A_146] : memref<160x128xi32, #tpu.memory_space<vmem>> -> memref<1x128xi32, #tpu.memory_space<vmem>>
    %dma_wait3A_148 = tpu.memref_squeeze %dma_wait3A_147 : memref<1x128xi32, #tpu.memory_space<vmem>> -> memref<128xi32, #tpu.memory_space<vmem>>
    %dma_wait3A_149 = arith.constant 0 : i32
    %dma_wait3A_150 = tpu.memref_slice %arg30[%dma_wait3A_149] : memref<10240xf32, #tpu.memory_space<vmem_shared>> -> memref<10240xf32, #tpu.memory_space<vmem_shared>>
    tpu.wait_indirect_dma semaphore(%arg51 : memref<!tpu.dma_semaphore, #tpu.memory_space<semaphore_mem>>) src(%arg26 : memref<128xf32, #tpu.memory_space<vmem>>) dst(%dma_wait3A_150 : memref<10240xf32, #tpu.memory_space<vmem_shared>>)
    %dma_wait3A_151 = arith.constant 157 : i32
    %dma_wait3A_152 = arith.constant 0 : i32
    %dma_wait3A_153 = tpu.memref_slice %arg23[%dma_wait3A_151, %dma_wait3A_152] : memref<160x128xi32, #tpu.memory_space<vmem>> -> memref<1x128xi32, #tpu.memory_space<vmem>>
    %dma_wait3A_154 = tpu.memref_squeeze %dma_wait3A_153 : memref<1x128xi32, #tpu.memory_space<vmem>> -> memref<128xi32, #tpu.memory_space<vmem>>
    %dma_wait3A_155 = arith.constant 0 : i32
    %dma_wait3A_156 = arith.constant 0 : i32
    %dma_wait3A_157 = tpu.memref_slice %arg29[%dma_wait3A_155, %dma_wait3A_156] : memref<10240x16xf32, #tpu.memory_space<vmem_shared>> -> memref<10240x16xf32, #tpu.memory_space<vmem_shared>>
    tpu.wait_indirect_dma semaphore(%arg44 : memref<!tpu.dma_semaphore, #tpu.memory_space<semaphore_mem>>) src(%arg19 : memref<128x16xf32, #tpu.memory_space<vmem>>) dst(%dma_wait3A_157 : memref<10240x16xf32, #tpu.memory_space<vmem_shared>>)
    %dma_wait3A_158 = arith.constant 157 : i32
    %dma_wait3A_159 = arith.constant 0 : i32
    %dma_wait3A_160 = tpu.memref_slice %arg23[%dma_wait3A_158, %dma_wait3A_159] : memref<160x128xi32, #tpu.memory_space<vmem>> -> memref<1x128xi32, #tpu.memory_space<vmem>>
    %dma_wait3A_161 = tpu.memref_squeeze %dma_wait3A_160 : memref<1x128xi32, #tpu.memory_space<vmem>> -> memref<128xi32, #tpu.memory_space<vmem>>
    %dma_wait3A_162 = arith.constant 0 : i32
    %dma_wait3A_163 = tpu.memref_slice %arg30[%dma_wait3A_162] : memref<10240xf32, #tpu.memory_space<vmem_shared>> -> memref<10240xf32, #tpu.memory_space<vmem_shared>>
    tpu.wait_indirect_dma semaphore(%arg52 : memref<!tpu.dma_semaphore, #tpu.memory_space<semaphore_mem>>) src(%arg26 : memref<128xf32, #tpu.memory_space<vmem>>) dst(%dma_wait3A_163 : memref<10240xf32, #tpu.memory_space<vmem_shared>>)
    %dma_wait3A_164 = arith.constant 158 : i32
    %dma_wait3A_165 = arith.constant 0 : i32
    %dma_wait3A_166 = tpu.memref_slice %arg23[%dma_wait3A_164, %dma_wait3A_165] : memref<160x128xi32, #tpu.memory_space<vmem>> -> memref<1x128xi32, #tpu.memory_space<vmem>>
    %dma_wait3A_167 = tpu.memref_squeeze %dma_wait3A_166 : memref<1x128xi32, #tpu.memory_space<vmem>> -> memref<128xi32, #tpu.memory_space<vmem>>
    %dma_wait3A_168 = arith.constant 0 : i32
    %dma_wait3A_169 = arith.constant 0 : i32
    %dma_wait3A_170 = tpu.memref_slice %arg29[%dma_wait3A_168, %dma_wait3A_169] : memref<10240x16xf32, #tpu.memory_space<vmem_shared>> -> memref<10240x16xf32, #tpu.memory_space<vmem_shared>>
    tpu.wait_indirect_dma semaphore(%arg45 : memref<!tpu.dma_semaphore, #tpu.memory_space<semaphore_mem>>) src(%arg20 : memref<128x16xf32, #tpu.memory_space<vmem>>) dst(%dma_wait3A_170 : memref<10240x16xf32, #tpu.memory_space<vmem_shared>>)
    %dma_wait3A_171 = arith.constant 158 : i32
    %dma_wait3A_172 = arith.constant 0 : i32
    %dma_wait3A_173 = tpu.memref_slice %arg23[%dma_wait3A_171, %dma_wait3A_172] : memref<160x128xi32, #tpu.memory_space<vmem>> -> memref<1x128xi32, #tpu.memory_space<vmem>>
    %dma_wait3A_174 = tpu.memref_squeeze %dma_wait3A_173 : memref<1x128xi32, #tpu.memory_space<vmem>> -> memref<128xi32, #tpu.memory_space<vmem>>
    %dma_wait3A_175 = arith.constant 0 : i32
    %dma_wait3A_176 = tpu.memref_slice %arg30[%dma_wait3A_175] : memref<10240xf32, #tpu.memory_space<vmem_shared>> -> memref<10240xf32, #tpu.memory_space<vmem_shared>>
    tpu.wait_indirect_dma semaphore(%arg53 : memref<!tpu.dma_semaphore, #tpu.memory_space<semaphore_mem>>) src(%arg26 : memref<128xf32, #tpu.memory_space<vmem>>) dst(%dma_wait3A_176 : memref<10240xf32, #tpu.memory_space<vmem_shared>>)
    %dma_wait3A_177 = arith.constant 159 : i32
    %dma_wait3A_178 = arith.constant 0 : i32
    %dma_wait3A_179 = tpu.memref_slice %arg23[%dma_wait3A_177, %dma_wait3A_178] : memref<160x128xi32, #tpu.memory_space<vmem>> -> memref<1x128xi32, #tpu.memory_space<vmem>>
    %dma_wait3A_180 = tpu.memref_squeeze %dma_wait3A_179 : memref<1x128xi32, #tpu.memory_space<vmem>> -> memref<128xi32, #tpu.memory_space<vmem>>
    %dma_wait3A_181 = arith.constant 0 : i32
    %dma_wait3A_182 = arith.constant 0 : i32
    %dma_wait3A_183 = tpu.memref_slice %arg29[%dma_wait3A_181, %dma_wait3A_182] : memref<10240x16xf32, #tpu.memory_space<vmem_shared>> -> memref<10240x16xf32, #tpu.memory_space<vmem_shared>>
    tpu.wait_indirect_dma semaphore(%arg46 : memref<!tpu.dma_semaphore, #tpu.memory_space<semaphore_mem>>) src(%arg21 : memref<128x16xf32, #tpu.memory_space<vmem>>) dst(%dma_wait3A_183 : memref<10240x16xf32, #tpu.memory_space<vmem_shared>>)
    %dma_wait3A_184 = arith.constant 159 : i32
    %dma_wait3A_185 = arith.constant 0 : i32
    %dma_wait3A_186 = tpu.memref_slice %arg23[%dma_wait3A_184, %dma_wait3A_185] : memref<160x128xi32, #tpu.memory_space<vmem>> -> memref<1x128xi32, #tpu.memory_space<vmem>>
    %dma_wait3A_187 = tpu.memref_squeeze %dma_wait3A_186 : memref<1x128xi32, #tpu.memory_space<vmem>> -> memref<128xi32, #tpu.memory_space<vmem>>
    %dma_wait3A_188 = arith.constant 0 : i32
    %dma_wait3A_189 = tpu.memref_slice %arg30[%dma_wait3A_188] : memref<10240xf32, #tpu.memory_space<vmem_shared>> -> memref<10240xf32, #tpu.memory_space<vmem_shared>>
    tpu.wait_indirect_dma semaphore(%arg54 : memref<!tpu.dma_semaphore, #tpu.memory_space<semaphore_mem>>) src(%arg26 : memref<128xf32, #tpu.memory_space<vmem>>) dst(%dma_wait3A_189 : memref<10240xf32, #tpu.memory_space<vmem_shared>>)
    %barrier3A_190 = arith.constant 0 : index
    tpu.barrier barrier_id(%barrier3A_190)
    %mul3A_191 = arith.constant 640 : i32
    %mul3A_192 = arith.muli %arg1, %mul3A_191 : i32
    "tpu.region"() ({
      %run_scoped3A = tpu.sem_alloc : memref<!tpu.dma_semaphore, #tpu.memory_space<semaphore_mem>>
      %dma_start3A_335 = arith.constant 0 : i32
      %dma_start3A_336 = tpu.memref_slice %arg29[%mul3A_192, %dma_start3A_335] : memref<10240x16xf32, #tpu.memory_space<vmem_shared>> -> memref<640x16xf32, #tpu.memory_space<vmem_shared>>
      %dma_start3A_337 = arith.constant 0 : i32
      %dma_start3A_338 = tpu.memref_slice %arg29[%mul3A_192, %dma_start3A_337] : memref<10240x16xf32, #tpu.memory_space<vmem_shared>> -> memref<640x16xf32, #tpu.memory_space<vmem_shared>>
      tpu.enqueue_dma source(%dma_start3A_338 : memref<640x16xf32, #tpu.memory_space<vmem_shared>>) target(%arg11 : memref<640x16xf32, #tpu.memory_space<vmem>>) target_semaphore(%run_scoped3A : memref<!tpu.dma_semaphore, #tpu.memory_space<semaphore_mem>>)
      %dma_wait3A_339 = arith.constant 0 : i32
      %dma_wait3A_340 = tpu.memref_slice %arg29[%mul3A_192, %dma_wait3A_339] : memref<10240x16xf32, #tpu.memory_space<vmem_shared>> -> memref<640x16xf32, #tpu.memory_space<vmem_shared>>
      %dma_wait3A_341 = arith.constant 0 : i32
      %dma_wait3A_342 = tpu.memref_slice %arg29[%mul3A_192, %dma_wait3A_341] : memref<10240x16xf32, #tpu.memory_space<vmem_shared>> -> memref<640x16xf32, #tpu.memory_space<vmem_shared>>
      tpu.wait_dma2 semaphore(%run_scoped3A : memref<!tpu.dma_semaphore, #tpu.memory_space<semaphore_mem>>) src(%dma_wait3A_342 : memref<640x16xf32, #tpu.memory_space<vmem_shared>>) dst(%arg11 : memref<640x16xf32, #tpu.memory_space<vmem>>)
      tpu.yield
    }) : () -> ()
    %mul3A_193 = arith.constant 640 : i32
    %mul3A_194 = arith.muli %arg1, %mul3A_193 : i32
    "tpu.region"() ({
      %run_scoped3A = tpu.sem_alloc : memref<!tpu.dma_semaphore, #tpu.memory_space<semaphore_mem>>
      %dma_start3A_335 = tpu.memref_slice %arg30[%mul3A_194] : memref<10240xf32, #tpu.memory_space<vmem_shared>> -> memref<640xf32, #tpu.memory_space<vmem_shared>>
      %dma_start3A_336 = tpu.memref_slice %arg30[%mul3A_194] : memref<10240xf32, #tpu.memory_space<vmem_shared>> -> memref<640xf32, #tpu.memory_space<vmem_shared>>
      tpu.enqueue_dma source(%dma_start3A_336 : memref<640xf32, #tpu.memory_space<vmem_shared>>) target(%arg27 : memref<640xf32, #tpu.memory_space<vmem>>) target_semaphore(%run_scoped3A : memref<!tpu.dma_semaphore, #tpu.memory_space<semaphore_mem>>)
      %dma_wait3A_337 = tpu.memref_slice %arg30[%mul3A_194] : memref<10240xf32, #tpu.memory_space<vmem_shared>> -> memref<640xf32, #tpu.memory_space<vmem_shared>>
      %dma_wait3A_338 = tpu.memref_slice %arg30[%mul3A_194] : memref<10240xf32, #tpu.memory_space<vmem_shared>> -> memref<640xf32, #tpu.memory_space<vmem_shared>>
      tpu.wait_dma2 semaphore(%run_scoped3A : memref<!tpu.dma_semaphore, #tpu.memory_space<semaphore_mem>>) src(%dma_wait3A_338 : memref<640xf32, #tpu.memory_space<vmem_shared>>) dst(%arg27 : memref<640xf32, #tpu.memory_space<vmem>>)
      tpu.yield
    }) : () -> ()
    %mul3A_195 = arith.constant 640 : i32
    %mul3A_196 = arith.muli %arg1, %mul3A_195 : i32
    "tpu.region"() ({
      %run_scoped3A = tpu.sem_alloc : memref<!tpu.dma_semaphore, #tpu.memory_space<semaphore_mem>>
      %dma_start3A_335 = arith.constant 0 : i32
      %dma_start3A_336 = tpu.memref_slice %arg3[%mul3A_196, %dma_start3A_335] : memref<10240x16xf32, #tpu.memory_space<hbm>> -> memref<640x16xf32, #tpu.memory_space<hbm>>
      %dma_start3A_337 = arith.constant 0 : i32
      %dma_start3A_338 = tpu.memref_slice %arg3[%mul3A_196, %dma_start3A_337] : memref<10240x16xf32, #tpu.memory_space<hbm>> -> memref<640x16xf32, #tpu.memory_space<hbm>>
      tpu.enqueue_dma source(%dma_start3A_338 : memref<640x16xf32, #tpu.memory_space<hbm>>) target(%arg12 : memref<640x16xf32, #tpu.memory_space<vmem>>) target_semaphore(%run_scoped3A : memref<!tpu.dma_semaphore, #tpu.memory_space<semaphore_mem>>)
      %dma_wait3A_339 = arith.constant 0 : i32
      %dma_wait3A_340 = tpu.memref_slice %arg3[%mul3A_196, %dma_wait3A_339] : memref<10240x16xf32, #tpu.memory_space<hbm>> -> memref<640x16xf32, #tpu.memory_space<hbm>>
      %dma_wait3A_341 = arith.constant 0 : i32
      %dma_wait3A_342 = tpu.memref_slice %arg3[%mul3A_196, %dma_wait3A_341] : memref<10240x16xf32, #tpu.memory_space<hbm>> -> memref<640x16xf32, #tpu.memory_space<hbm>>
      tpu.wait_dma2 semaphore(%run_scoped3A : memref<!tpu.dma_semaphore, #tpu.memory_space<semaphore_mem>>) src(%dma_wait3A_342 : memref<640x16xf32, #tpu.memory_space<hbm>>) dst(%arg12 : memref<640x16xf32, #tpu.memory_space<vmem>>)
      tpu.yield
    }) : () -> ()
    %scan3A_197 = arith.constant 0 : i32
    %scan3A_198 = arith.constant 0 : i32
    %scan3A_199 = arith.constant 40 : i32
    %scan3A_200 = arith.addi %scan3A_198, %scan3A_199 : i32
    %scan3A_201 = arith.constant 1 : i32
    scf.for %scan3A_335 = %scan3A_198 to %scan3A_200 step %scan3A_201  : i32 {
      %mul3A_336 = arith.constant 16 : i32
      %mul3A_337 = arith.muli %scan3A_335, %mul3A_336 : i32
      %get3A = arith.index_cast %mul3A_337 : i32 to index
      %get3A_338 = tpu.vector_load %arg27[%get3A] {strides = array<i32>} : memref<640xf32, #tpu.memory_space<vmem>>, vector<16xf32>,
      %get3A_339 = vector.shape_cast %get3A_338 : vector<16xf32> to vector<16xf32>
      %mul3A_340 = arith.constant 16 : i32
      %mul3A_341 = arith.muli %scan3A_335, %mul3A_340 : i32
      %add3A_342 = arith.constant 0 : i32
      %add3A_343 = arith.addi %mul3A_341, %add3A_342 : i32
      %slice3A = vector.extract_strided_slice %get3A_339 {offsets = [0], sizes = [1], strides = [1]} : vector<16xf32> to vector<1xf32>
      %squeeze3A = vector.extract %slice3A[0] : f32 from vector<1xf32>
      %max3A = arith.constant 1.000000e+00 : f32
      %max3A_344 = arith.maximumf %squeeze3A, %max3A : f32
      %get3A_345 = arith.index_cast %add3A_343 : i32 to index
      %get3A_346 = arith.constant 0 : index
      %get3A_347 = tpu.vector_load %arg11[%get3A_345, %get3A_346] {strides = array<i32>} : memref<640x16xf32, #tpu.memory_space<vmem>>, vector<1x16xf32>,
      %get3A_348 = vector.shape_cast %get3A_347 : vector<1x16xf32> to vector<16xf32>
      %div3A = vector.broadcast %max3A_344 : f32 to vector<16xf32>
      %div3A_349 = arith.divf %get3A_348, %div3A : vector<16xf32>
      %get3A_350 = arith.index_cast %add3A_343 : i32 to index
      %get3A_351 = arith.constant 0 : index
      %get3A_352 = tpu.vector_load %arg12[%get3A_350, %get3A_351] {strides = array<i32>} : memref<640x16xf32, #tpu.memory_space<vmem>>, vector<1x16xf32>,
      %get3A_353 = vector.shape_cast %get3A_352 : vector<1x16xf32> to vector<16xf32>
      %add3A_354 = arith.addf %div3A_349, %get3A_353 : vector<16xf32>
      %max3A_355 = arith.constant 0.000000e+00 : f32
      %max3A_356 = vector.broadcast %max3A_355 : f32 to vector<16xf32>
      %max3A_357 = arith.maximumf %add3A_354, %max3A_356 : vector<16xf32>
      %swap3A = arith.index_cast %add3A_343 : i32 to index
      %swap3A_358 = arith.constant 0 : index
      %swap3A_359 = tpu.vector_load %arg11[%swap3A, %swap3A_358] {strides = array<i32>} : memref<640x16xf32, #tpu.memory_space<vmem>>, vector<1x16xf32>,
      %swap3A_360 = vector.shape_cast %swap3A_359 : vector<1x16xf32> to vector<16xf32>
      %swap3A_361 = vector.shape_cast %max3A_357 : vector<16xf32> to vector<1x16xf32>
      tpu.vector_store %arg11[%swap3A, %swap3A_358], %swap3A_361 {strides = array<i32>} : memref<640x16xf32, #tpu.memory_space<vmem>>, vector<1x16xf32>,
      %mul3A_362 = arith.constant 16 : i32
      %mul3A_363 = arith.muli %scan3A_335, %mul3A_362 : i32
      %add3A_364 = arith.constant 1 : i32
      %add3A_365 = arith.addi %mul3A_363, %add3A_364 : i32
      %slice3A_366 = vector.extract_strided_slice %get3A_339 {offsets = [1], sizes = [1], strides = [1]} : vector<16xf32> to vector<1xf32>
      %squeeze3A_367 = vector.extract %slice3A_366[0] : f32 from vector<1xf32>
      %max3A_368 = arith.constant 1.000000e+00 : f32
      %max3A_369 = arith.maximumf %squeeze3A_367, %max3A_368 : f32
      %get3A_370 = arith.index_cast %add3A_365 : i32 to index
      %get3A_371 = arith.constant 0 : index
      %get3A_372 = tpu.vector_load %arg11[%get3A_370, %get3A_371] {strides = array<i32>} : memref<640x16xf32, #tpu.memory_space<vmem>>, vector<1x16xf32>,
      %get3A_373 = vector.shape_cast %get3A_372 : vector<1x16xf32> to vector<16xf32>
      %div3A_374 = vector.broadcast %max3A_369 : f32 to vector<16xf32>
      %div3A_375 = arith.divf %get3A_373, %div3A_374 : vector<16xf32>
      %get3A_376 = arith.index_cast %add3A_365 : i32 to index
      %get3A_377 = arith.constant 0 : index
      %get3A_378 = tpu.vector_load %arg12[%get3A_376, %get3A_377] {strides = array<i32>} : memref<640x16xf32, #tpu.memory_space<vmem>>, vector<1x16xf32>,
      %get3A_379 = vector.shape_cast %get3A_378 : vector<1x16xf32> to vector<16xf32>
      %add3A_380 = arith.addf %div3A_375, %get3A_379 : vector<16xf32>
      %max3A_381 = arith.constant 0.000000e+00 : f32
      %max3A_382 = vector.broadcast %max3A_381 : f32 to vector<16xf32>
      %max3A_383 = arith.maximumf %add3A_380, %max3A_382 : vector<16xf32>
      %swap3A_384 = arith.index_cast %add3A_365 : i32 to index
      %swap3A_385 = arith.constant 0 : index
      %swap3A_386 = tpu.vector_load %arg11[%swap3A_384, %swap3A_385] {strides = array<i32>} : memref<640x16xf32, #tpu.memory_space<vmem>>, vector<1x16xf32>,
      %swap3A_387 = vector.shape_cast %swap3A_386 : vector<1x16xf32> to vector<16xf32>
      %swap3A_388 = vector.shape_cast %max3A_383 : vector<16xf32> to vector<1x16xf32>
      tpu.vector_store %arg11[%swap3A_384, %swap3A_385], %swap3A_388 {strides = array<i32>} : memref<640x16xf32, #tpu.memory_space<vmem>>, vector<1x16xf32>,
      %mul3A_389 = arith.constant 16 : i32
      %mul3A_390 = arith.muli %scan3A_335, %mul3A_389 : i32
      %add3A_391 = arith.constant 2 : i32
      %add3A_392 = arith.addi %mul3A_390, %add3A_391 : i32
      %slice3A_393 = vector.extract_strided_slice %get3A_339 {offsets = [2], sizes = [1], strides = [1]} : vector<16xf32> to vector<1xf32>
      %squeeze3A_394 = vector.extract %slice3A_393[0] : f32 from vector<1xf32>
      %max3A_395 = arith.constant 1.000000e+00 : f32
      %max3A_396 = arith.maximumf %squeeze3A_394, %max3A_395 : f32
      %get3A_397 = arith.index_cast %add3A_392 : i32 to index
      %get3A_398 = arith.constant 0 : index
      %get3A_399 = tpu.vector_load %arg11[%get3A_397, %get3A_398] {strides = array<i32>} : memref<640x16xf32, #tpu.memory_space<vmem>>, vector<1x16xf32>,
      %get3A_400 = vector.shape_cast %get3A_399 : vector<1x16xf32> to vector<16xf32>
      %div3A_401 = vector.broadcast %max3A_396 : f32 to vector<16xf32>
      %div3A_402 = arith.divf %get3A_400, %div3A_401 : vector<16xf32>
      %get3A_403 = arith.index_cast %add3A_392 : i32 to index
      %get3A_404 = arith.constant 0 : index
      %get3A_405 = tpu.vector_load %arg12[%get3A_403, %get3A_404] {strides = array<i32>} : memref<640x16xf32, #tpu.memory_space<vmem>>, vector<1x16xf32>,
      %get3A_406 = vector.shape_cast %get3A_405 : vector<1x16xf32> to vector<16xf32>
      %add3A_407 = arith.addf %div3A_402, %get3A_406 : vector<16xf32>
      %max3A_408 = arith.constant 0.000000e+00 : f32
      %max3A_409 = vector.broadcast %max3A_408 : f32 to vector<16xf32>
      %max3A_410 = arith.maximumf %add3A_407, %max3A_409 : vector<16xf32>
      %swap3A_411 = arith.index_cast %add3A_392 : i32 to index
      %swap3A_412 = arith.constant 0 : index
      %swap3A_413 = tpu.vector_load %arg11[%swap3A_411, %swap3A_412] {strides = array<i32>} : memref<640x16xf32, #tpu.memory_space<vmem>>, vector<1x16xf32>,
      %swap3A_414 = vector.shape_cast %swap3A_413 : vector<1x16xf32> to vector<16xf32>
      %swap3A_415 = vector.shape_cast %max3A_410 : vector<16xf32> to vector<1x16xf32>
      tpu.vector_store %arg11[%swap3A_411, %swap3A_412], %swap3A_415 {strides = array<i32>} : memref<640x16xf32, #tpu.memory_space<vmem>>, vector<1x16xf32>,
      %mul3A_416 = arith.constant 16 : i32
      %mul3A_417 = arith.muli %scan3A_335, %mul3A_416 : i32
      %add3A_418 = arith.constant 3 : i32
      %add3A_419 = arith.addi %mul3A_417, %add3A_418 : i32
      %slice3A_420 = vector.extract_strided_slice %get3A_339 {offsets = [3], sizes = [1], strides = [1]} : vector<16xf32> to vector<1xf32>
      %squeeze3A_421 = vector.extract %slice3A_420[0] : f32 from vector<1xf32>
      %max3A_422 = arith.constant 1.000000e+00 : f32
      %max3A_423 = arith.maximumf %squeeze3A_421, %max3A_422 : f32
      %get3A_424 = arith.index_cast %add3A_419 : i32 to index
      %get3A_425 = arith.constant 0 : index
      %get3A_426 = tpu.vector_load %arg11[%get3A_424, %get3A_425] {strides = array<i32>} : memref<640x16xf32, #tpu.memory_space<vmem>>, vector<1x16xf32>,
      %get3A_427 = vector.shape_cast %get3A_426 : vector<1x16xf32> to vector<16xf32>
      %div3A_428 = vector.broadcast %max3A_423 : f32 to vector<16xf32>
      %div3A_429 = arith.divf %get3A_427, %div3A_428 : vector<16xf32>
      %get3A_430 = arith.index_cast %add3A_419 : i32 to index
      %get3A_431 = arith.constant 0 : index
      %get3A_432 = tpu.vector_load %arg12[%get3A_430, %get3A_431] {strides = array<i32>} : memref<640x16xf32, #tpu.memory_space<vmem>>, vector<1x16xf32>,
      %get3A_433 = vector.shape_cast %get3A_432 : vector<1x16xf32> to vector<16xf32>
      %add3A_434 = arith.addf %div3A_429, %get3A_433 : vector<16xf32>
      %max3A_435 = arith.constant 0.000000e+00 : f32
      %max3A_436 = vector.broadcast %max3A_435 : f32 to vector<16xf32>
      %max3A_437 = arith.maximumf %add3A_434, %max3A_436 : vector<16xf32>
      %swap3A_438 = arith.index_cast %add3A_419 : i32 to index
      %swap3A_439 = arith.constant 0 : index
      %swap3A_440 = tpu.vector_load %arg11[%swap3A_438, %swap3A_439] {strides = array<i32>} : memref<640x16xf32, #tpu.memory_space<vmem>>, vector<1x16xf32>,
      %swap3A_441 = vector.shape_cast %swap3A_440 : vector<1x16xf32> to vector<16xf32>
      %swap3A_442 = vector.shape_cast %max3A_437 : vector<16xf32> to vector<1x16xf32>
      tpu.vector_store %arg11[%swap3A_438, %swap3A_439], %swap3A_442 {strides = array<i32>} : memref<640x16xf32, #tpu.memory_space<vmem>>, vector<1x16xf32>,
      %mul3A_443 = arith.constant 16 : i32
      %mul3A_444 = arith.muli %scan3A_335, %mul3A_443 : i32
      %add3A_445 = arith.constant 4 : i32
      %add3A_446 = arith.addi %mul3A_444, %add3A_445 : i32
      %slice3A_447 = vector.extract_strided_slice %get3A_339 {offsets = [4], sizes = [1], strides = [1]} : vector<16xf32> to vector<1xf32>
      %squeeze3A_448 = vector.extract %slice3A_447[0] : f32 from vector<1xf32>
      %max3A_449 = arith.constant 1.000000e+00 : f32
      %max3A_450 = arith.maximumf %squeeze3A_448, %max3A_449 : f32
      %get3A_451 = arith.index_cast %add3A_446 : i32 to index
      %get3A_452 = arith.constant 0 : index
      %get3A_453 = tpu.vector_load %arg11[%get3A_451, %get3A_452] {strides = array<i32>} : memref<640x16xf32, #tpu.memory_space<vmem>>, vector<1x16xf32>,
      %get3A_454 = vector.shape_cast %get3A_453 : vector<1x16xf32> to vector<16xf32>
      %div3A_455 = vector.broadcast %max3A_450 : f32 to vector<16xf32>
      %div3A_456 = arith.divf %get3A_454, %div3A_455 : vector<16xf32>
      %get3A_457 = arith.index_cast %add3A_446 : i32 to index
      %get3A_458 = arith.constant 0 : index
      %get3A_459 = tpu.vector_load %arg12[%get3A_457, %get3A_458] {strides = array<i32>} : memref<640x16xf32, #tpu.memory_space<vmem>>, vector<1x16xf32>,
      %get3A_460 = vector.shape_cast %get3A_459 : vector<1x16xf32> to vector<16xf32>
      %add3A_461 = arith.addf %div3A_456, %get3A_460 : vector<16xf32>
      %max3A_462 = arith.constant 0.000000e+00 : f32
      %max3A_463 = vector.broadcast %max3A_462 : f32 to vector<16xf32>
      %max3A_464 = arith.maximumf %add3A_461, %max3A_463 : vector<16xf32>
      %swap3A_465 = arith.index_cast %add3A_446 : i32 to index
      %swap3A_466 = arith.constant 0 : index
      %swap3A_467 = tpu.vector_load %arg11[%swap3A_465, %swap3A_466] {strides = array<i32>} : memref<640x16xf32, #tpu.memory_space<vmem>>, vector<1x16xf32>,
      %swap3A_468 = vector.shape_cast %swap3A_467 : vector<1x16xf32> to vector<16xf32>
      %swap3A_469 = vector.shape_cast %max3A_464 : vector<16xf32> to vector<1x16xf32>
      tpu.vector_store %arg11[%swap3A_465, %swap3A_466], %swap3A_469 {strides = array<i32>} : memref<640x16xf32, #tpu.memory_space<vmem>>, vector<1x16xf32>,
      %mul3A_470 = arith.constant 16 : i32
      %mul3A_471 = arith.muli %scan3A_335, %mul3A_470 : i32
      %add3A_472 = arith.constant 5 : i32
      %add3A_473 = arith.addi %mul3A_471, %add3A_472 : i32
      %slice3A_474 = vector.extract_strided_slice %get3A_339 {offsets = [5], sizes = [1], strides = [1]} : vector<16xf32> to vector<1xf32>
      %squeeze3A_475 = vector.extract %slice3A_474[0] : f32 from vector<1xf32>
      %max3A_476 = arith.constant 1.000000e+00 : f32
      %max3A_477 = arith.maximumf %squeeze3A_475, %max3A_476 : f32
      %get3A_478 = arith.index_cast %add3A_473 : i32 to index
      %get3A_479 = arith.constant 0 : index
      %get3A_480 = tpu.vector_load %arg11[%get3A_478, %get3A_479] {strides = array<i32>} : memref<640x16xf32, #tpu.memory_space<vmem>>, vector<1x16xf32>,
      %get3A_481 = vector.shape_cast %get3A_480 : vector<1x16xf32> to vector<16xf32>
      %div3A_482 = vector.broadcast %max3A_477 : f32 to vector<16xf32>
      %div3A_483 = arith.divf %get3A_481, %div3A_482 : vector<16xf32>
      %get3A_484 = arith.index_cast %add3A_473 : i32 to index
      %get3A_485 = arith.constant 0 : index
      %get3A_486 = tpu.vector_load %arg12[%get3A_484, %get3A_485] {strides = array<i32>} : memref<640x16xf32, #tpu.memory_space<vmem>>, vector<1x16xf32>,
      %get3A_487 = vector.shape_cast %get3A_486 : vector<1x16xf32> to vector<16xf32>
      %add3A_488 = arith.addf %div3A_483, %get3A_487 : vector<16xf32>
      %max3A_489 = arith.constant 0.000000e+00 : f32
      %max3A_490 = vector.broadcast %max3A_489 : f32 to vector<16xf32>
      %max3A_491 = arith.maximumf %add3A_488, %max3A_490 : vector<16xf32>
      %swap3A_492 = arith.index_cast %add3A_473 : i32 to index
      %swap3A_493 = arith.constant 0 : index
      %swap3A_494 = tpu.vector_load %arg11[%swap3A_492, %swap3A_493] {strides = array<i32>} : memref<640x16xf32, #tpu.memory_space<vmem>>, vector<1x16xf32>,
      %swap3A_495 = vector.shape_cast %swap3A_494 : vector<1x16xf32> to vector<16xf32>
      %swap3A_496 = vector.shape_cast %max3A_491 : vector<16xf32> to vector<1x16xf32>
      tpu.vector_store %arg11[%swap3A_492, %swap3A_493], %swap3A_496 {strides = array<i32>} : memref<640x16xf32, #tpu.memory_space<vmem>>, vector<1x16xf32>,
      %mul3A_497 = arith.constant 16 : i32
      %mul3A_498 = arith.muli %scan3A_335, %mul3A_497 : i32
      %add3A_499 = arith.constant 6 : i32
      %add3A_500 = arith.addi %mul3A_498, %add3A_499 : i32
      %slice3A_501 = vector.extract_strided_slice %get3A_339 {offsets = [6], sizes = [1], strides = [1]} : vector<16xf32> to vector<1xf32>
      %squeeze3A_502 = vector.extract %slice3A_501[0] : f32 from vector<1xf32>
      %max3A_503 = arith.constant 1.000000e+00 : f32
      %max3A_504 = arith.maximumf %squeeze3A_502, %max3A_503 : f32
      %get3A_505 = arith.index_cast %add3A_500 : i32 to index
      %get3A_506 = arith.constant 0 : index
      %get3A_507 = tpu.vector_load %arg11[%get3A_505, %get3A_506] {strides = array<i32>} : memref<640x16xf32, #tpu.memory_space<vmem>>, vector<1x16xf32>,
      %get3A_508 = vector.shape_cast %get3A_507 : vector<1x16xf32> to vector<16xf32>
      %div3A_509 = vector.broadcast %max3A_504 : f32 to vector<16xf32>
      %div3A_510 = arith.divf %get3A_508, %div3A_509 : vector<16xf32>
      %get3A_511 = arith.index_cast %add3A_500 : i32 to index
      %get3A_512 = arith.constant 0 : index
      %get3A_513 = tpu.vector_load %arg12[%get3A_511, %get3A_512] {strides = array<i32>} : memref<640x16xf32, #tpu.memory_space<vmem>>, vector<1x16xf32>,
      %get3A_514 = vector.shape_cast %get3A_513 : vector<1x16xf32> to vector<16xf32>
      %add3A_515 = arith.addf %div3A_510, %get3A_514 : vector<16xf32>
      %max3A_516 = arith.constant 0.000000e+00 : f32
      %max3A_517 = vector.broadcast %max3A_516 : f32 to vector<16xf32>
      %max3A_518 = arith.maximumf %add3A_515, %max3A_517 : vector<16xf32>
      %swap3A_519 = arith.index_cast %add3A_500 : i32 to index
      %swap3A_520 = arith.constant 0 : index
      %swap3A_521 = tpu.vector_load %arg11[%swap3A_519, %swap3A_520] {strides = array<i32>} : memref<640x16xf32, #tpu.memory_space<vmem>>, vector<1x16xf32>,
      %swap3A_522 = vector.shape_cast %swap3A_521 : vector<1x16xf32> to vector<16xf32>
      %swap3A_523 = vector.shape_cast %max3A_518 : vector<16xf32> to vector<1x16xf32>
      tpu.vector_store %arg11[%swap3A_519, %swap3A_520], %swap3A_523 {strides = array<i32>} : memref<640x16xf32, #tpu.memory_space<vmem>>, vector<1x16xf32>,
      %mul3A_524 = arith.constant 16 : i32
      %mul3A_525 = arith.muli %scan3A_335, %mul3A_524 : i32
      %add3A_526 = arith.constant 7 : i32
      %add3A_527 = arith.addi %mul3A_525, %add3A_526 : i32
      %slice3A_528 = vector.extract_strided_slice %get3A_339 {offsets = [7], sizes = [1], strides = [1]} : vector<16xf32> to vector<1xf32>
      %squeeze3A_529 = vector.extract %slice3A_528[0] : f32 from vector<1xf32>
      %max3A_530 = arith.constant 1.000000e+00 : f32
      %max3A_531 = arith.maximumf %squeeze3A_529, %max3A_530 : f32
      %get3A_532 = arith.index_cast %add3A_527 : i32 to index
      %get3A_533 = arith.constant 0 : index
      %get3A_534 = tpu.vector_load %arg11[%get3A_532, %get3A_533] {strides = array<i32>} : memref<640x16xf32, #tpu.memory_space<vmem>>, vector<1x16xf32>,
      %get3A_535 = vector.shape_cast %get3A_534 : vector<1x16xf32> to vector<16xf32>
      %div3A_536 = vector.broadcast %max3A_531 : f32 to vector<16xf32>
      %div3A_537 = arith.divf %get3A_535, %div3A_536 : vector<16xf32>
      %get3A_538 = arith.index_cast %add3A_527 : i32 to index
      %get3A_539 = arith.constant 0 : index
      %get3A_540 = tpu.vector_load %arg12[%get3A_538, %get3A_539] {strides = array<i32>} : memref<640x16xf32, #tpu.memory_space<vmem>>, vector<1x16xf32>,
      %get3A_541 = vector.shape_cast %get3A_540 : vector<1x16xf32> to vector<16xf32>
      %add3A_542 = arith.addf %div3A_537, %get3A_541 : vector<16xf32>
      %max3A_543 = arith.constant 0.000000e+00 : f32
      %max3A_544 = vector.broadcast %max3A_543 : f32 to vector<16xf32>
      %max3A_545 = arith.maximumf %add3A_542, %max3A_544 : vector<16xf32>
      %swap3A_546 = arith.index_cast %add3A_527 : i32 to index
      %swap3A_547 = arith.constant 0 : index
      %swap3A_548 = tpu.vector_load %arg11[%swap3A_546, %swap3A_547] {strides = array<i32>} : memref<640x16xf32, #tpu.memory_space<vmem>>, vector<1x16xf32>,
      %swap3A_549 = vector.shape_cast %swap3A_548 : vector<1x16xf32> to vector<16xf32>
      %swap3A_550 = vector.shape_cast %max3A_545 : vector<16xf32> to vector<1x16xf32>
      tpu.vector_store %arg11[%swap3A_546, %swap3A_547], %swap3A_550 {strides = array<i32>} : memref<640x16xf32, #tpu.memory_space<vmem>>, vector<1x16xf32>,
      %mul3A_551 = arith.constant 16 : i32
      %mul3A_552 = arith.muli %scan3A_335, %mul3A_551 : i32
      %add3A_553 = arith.constant 8 : i32
      %add3A_554 = arith.addi %mul3A_552, %add3A_553 : i32
      %slice3A_555 = vector.extract_strided_slice %get3A_339 {offsets = [8], sizes = [1], strides = [1]} : vector<16xf32> to vector<1xf32>
      %squeeze3A_556 = vector.extract %slice3A_555[0] : f32 from vector<1xf32>
      %max3A_557 = arith.constant 1.000000e+00 : f32
      %max3A_558 = arith.maximumf %squeeze3A_556, %max3A_557 : f32
      %get3A_559 = arith.index_cast %add3A_554 : i32 to index
      %get3A_560 = arith.constant 0 : index
      %get3A_561 = tpu.vector_load %arg11[%get3A_559, %get3A_560] {strides = array<i32>} : memref<640x16xf32, #tpu.memory_space<vmem>>, vector<1x16xf32>,
      %get3A_562 = vector.shape_cast %get3A_561 : vector<1x16xf32> to vector<16xf32>
      %div3A_563 = vector.broadcast %max3A_558 : f32 to vector<16xf32>
      %div3A_564 = arith.divf %get3A_562, %div3A_563 : vector<16xf32>
      %get3A_565 = arith.index_cast %add3A_554 : i32 to index
      %get3A_566 = arith.constant 0 : index
      %get3A_567 = tpu.vector_load %arg12[%get3A_565, %get3A_566] {strides = array<i32>} : memref<640x16xf32, #tpu.memory_space<vmem>>, vector<1x16xf32>,
      %get3A_568 = vector.shape_cast %get3A_567 : vector<1x16xf32> to vector<16xf32>
      %add3A_569 = arith.addf %div3A_564, %get3A_568 : vector<16xf32>
      %max3A_570 = arith.constant 0.000000e+00 : f32
      %max3A_571 = vector.broadcast %max3A_570 : f32 to vector<16xf32>
      %max3A_572 = arith.maximumf %add3A_569, %max3A_571 : vector<16xf32>
      %swap3A_573 = arith.index_cast %add3A_554 : i32 to index
      %swap3A_574 = arith.constant 0 : index
      %swap3A_575 = tpu.vector_load %arg11[%swap3A_573, %swap3A_574] {strides = array<i32>} : memref<640x16xf32, #tpu.memory_space<vmem>>, vector<1x16xf32>,
      %swap3A_576 = vector.shape_cast %swap3A_575 : vector<1x16xf32> to vector<16xf32>
      %swap3A_577 = vector.shape_cast %max3A_572 : vector<16xf32> to vector<1x16xf32>
      tpu.vector_store %arg11[%swap3A_573, %swap3A_574], %swap3A_577 {strides = array<i32>} : memref<640x16xf32, #tpu.memory_space<vmem>>, vector<1x16xf32>,
      %mul3A_578 = arith.constant 16 : i32
      %mul3A_579 = arith.muli %scan3A_335, %mul3A_578 : i32
      %add3A_580 = arith.constant 9 : i32
      %add3A_581 = arith.addi %mul3A_579, %add3A_580 : i32
      %slice3A_582 = vector.extract_strided_slice %get3A_339 {offsets = [9], sizes = [1], strides = [1]} : vector<16xf32> to vector<1xf32>
      %squeeze3A_583 = vector.extract %slice3A_582[0] : f32 from vector<1xf32>
      %max3A_584 = arith.constant 1.000000e+00 : f32
      %max3A_585 = arith.maximumf %squeeze3A_583, %max3A_584 : f32
      %get3A_586 = arith.index_cast %add3A_581 : i32 to index
      %get3A_587 = arith.constant 0 : index
      %get3A_588 = tpu.vector_load %arg11[%get3A_586, %get3A_587] {strides = array<i32>} : memref<640x16xf32, #tpu.memory_space<vmem>>, vector<1x16xf32>,
      %get3A_589 = vector.shape_cast %get3A_588 : vector<1x16xf32> to vector<16xf32>
      %div3A_590 = vector.broadcast %max3A_585 : f32 to vector<16xf32>
      %div3A_591 = arith.divf %get3A_589, %div3A_590 : vector<16xf32>
      %get3A_592 = arith.index_cast %add3A_581 : i32 to index
      %get3A_593 = arith.constant 0 : index
      %get3A_594 = tpu.vector_load %arg12[%get3A_592, %get3A_593] {strides = array<i32>} : memref<640x16xf32, #tpu.memory_space<vmem>>, vector<1x16xf32>,
      %get3A_595 = vector.shape_cast %get3A_594 : vector<1x16xf32> to vector<16xf32>
      %add3A_596 = arith.addf %div3A_591, %get3A_595 : vector<16xf32>
      %max3A_597 = arith.constant 0.000000e+00 : f32
      %max3A_598 = vector.broadcast %max3A_597 : f32 to vector<16xf32>
      %max3A_599 = arith.maximumf %add3A_596, %max3A_598 : vector<16xf32>
      %swap3A_600 = arith.index_cast %add3A_581 : i32 to index
      %swap3A_601 = arith.constant 0 : index
      %swap3A_602 = tpu.vector_load %arg11[%swap3A_600, %swap3A_601] {strides = array<i32>} : memref<640x16xf32, #tpu.memory_space<vmem>>, vector<1x16xf32>,
      %swap3A_603 = vector.shape_cast %swap3A_602 : vector<1x16xf32> to vector<16xf32>
      %swap3A_604 = vector.shape_cast %max3A_599 : vector<16xf32> to vector<1x16xf32>
      tpu.vector_store %arg11[%swap3A_600, %swap3A_601], %swap3A_604 {strides = array<i32>} : memref<640x16xf32, #tpu.memory_space<vmem>>, vector<1x16xf32>,
      %mul3A_605 = arith.constant 16 : i32
      %mul3A_606 = arith.muli %scan3A_335, %mul3A_605 : i32
      %add3A_607 = arith.constant 10 : i32
      %add3A_608 = arith.addi %mul3A_606, %add3A_607 : i32
      %slice3A_609 = vector.extract_strided_slice %get3A_339 {offsets = [10], sizes = [1], strides = [1]} : vector<16xf32> to vector<1xf32>
      %squeeze3A_610 = vector.extract %slice3A_609[0] : f32 from vector<1xf32>
      %max3A_611 = arith.constant 1.000000e+00 : f32
      %max3A_612 = arith.maximumf %squeeze3A_610, %max3A_611 : f32
      %get3A_613 = arith.index_cast %add3A_608 : i32 to index
      %get3A_614 = arith.constant 0 : index
      %get3A_615 = tpu.vector_load %arg11[%get3A_613, %get3A_614] {strides = array<i32>} : memref<640x16xf32, #tpu.memory_space<vmem>>, vector<1x16xf32>,
      %get3A_616 = vector.shape_cast %get3A_615 : vector<1x16xf32> to vector<16xf32>
      %div3A_617 = vector.broadcast %max3A_612 : f32 to vector<16xf32>
      %div3A_618 = arith.divf %get3A_616, %div3A_617 : vector<16xf32>
      %get3A_619 = arith.index_cast %add3A_608 : i32 to index
      %get3A_620 = arith.constant 0 : index
      %get3A_621 = tpu.vector_load %arg12[%get3A_619, %get3A_620] {strides = array<i32>} : memref<640x16xf32, #tpu.memory_space<vmem>>, vector<1x16xf32>,
      %get3A_622 = vector.shape_cast %get3A_621 : vector<1x16xf32> to vector<16xf32>
      %add3A_623 = arith.addf %div3A_618, %get3A_622 : vector<16xf32>
      %max3A_624 = arith.constant 0.000000e+00 : f32
      %max3A_625 = vector.broadcast %max3A_624 : f32 to vector<16xf32>
      %max3A_626 = arith.maximumf %add3A_623, %max3A_625 : vector<16xf32>
      %swap3A_627 = arith.index_cast %add3A_608 : i32 to index
      %swap3A_628 = arith.constant 0 : index
      %swap3A_629 = tpu.vector_load %arg11[%swap3A_627, %swap3A_628] {strides = array<i32>} : memref<640x16xf32, #tpu.memory_space<vmem>>, vector<1x16xf32>,
      %swap3A_630 = vector.shape_cast %swap3A_629 : vector<1x16xf32> to vector<16xf32>
      %swap3A_631 = vector.shape_cast %max3A_626 : vector<16xf32> to vector<1x16xf32>
      tpu.vector_store %arg11[%swap3A_627, %swap3A_628], %swap3A_631 {strides = array<i32>} : memref<640x16xf32, #tpu.memory_space<vmem>>, vector<1x16xf32>,
      %mul3A_632 = arith.constant 16 : i32
      %mul3A_633 = arith.muli %scan3A_335, %mul3A_632 : i32
      %add3A_634 = arith.constant 11 : i32
      %add3A_635 = arith.addi %mul3A_633, %add3A_634 : i32
      %slice3A_636 = vector.extract_strided_slice %get3A_339 {offsets = [11], sizes = [1], strides = [1]} : vector<16xf32> to vector<1xf32>
      %squeeze3A_637 = vector.extract %slice3A_636[0] : f32 from vector<1xf32>
      %max3A_638 = arith.constant 1.000000e+00 : f32
      %max3A_639 = arith.maximumf %squeeze3A_637, %max3A_638 : f32
      %get3A_640 = arith.index_cast %add3A_635 : i32 to index
      %get3A_641 = arith.constant 0 : index
      %get3A_642 = tpu.vector_load %arg11[%get3A_640, %get3A_641] {strides = array<i32>} : memref<640x16xf32, #tpu.memory_space<vmem>>, vector<1x16xf32>,
      %get3A_643 = vector.shape_cast %get3A_642 : vector<1x16xf32> to vector<16xf32>
      %div3A_644 = vector.broadcast %max3A_639 : f32 to vector<16xf32>
      %div3A_645 = arith.divf %get3A_643, %div3A_644 : vector<16xf32>
      %get3A_646 = arith.index_cast %add3A_635 : i32 to index
      %get3A_647 = arith.constant 0 : index
      %get3A_648 = tpu.vector_load %arg12[%get3A_646, %get3A_647] {strides = array<i32>} : memref<640x16xf32, #tpu.memory_space<vmem>>, vector<1x16xf32>,
      %get3A_649 = vector.shape_cast %get3A_648 : vector<1x16xf32> to vector<16xf32>
      %add3A_650 = arith.addf %div3A_645, %get3A_649 : vector<16xf32>
      %max3A_651 = arith.constant 0.000000e+00 : f32
      %max3A_652 = vector.broadcast %max3A_651 : f32 to vector<16xf32>
      %max3A_653 = arith.maximumf %add3A_650, %max3A_652 : vector<16xf32>
      %swap3A_654 = arith.index_cast %add3A_635 : i32 to index
      %swap3A_655 = arith.constant 0 : index
      %swap3A_656 = tpu.vector_load %arg11[%swap3A_654, %swap3A_655] {strides = array<i32>} : memref<640x16xf32, #tpu.memory_space<vmem>>, vector<1x16xf32>,
      %swap3A_657 = vector.shape_cast %swap3A_656 : vector<1x16xf32> to vector<16xf32>
      %swap3A_658 = vector.shape_cast %max3A_653 : vector<16xf32> to vector<1x16xf32>
      tpu.vector_store %arg11[%swap3A_654, %swap3A_655], %swap3A_658 {strides = array<i32>} : memref<640x16xf32, #tpu.memory_space<vmem>>, vector<1x16xf32>,
      %mul3A_659 = arith.constant 16 : i32
      %mul3A_660 = arith.muli %scan3A_335, %mul3A_659 : i32
      %add3A_661 = arith.constant 12 : i32
      %add3A_662 = arith.addi %mul3A_660, %add3A_661 : i32
      %slice3A_663 = vector.extract_strided_slice %get3A_339 {offsets = [12], sizes = [1], strides = [1]} : vector<16xf32> to vector<1xf32>
      %squeeze3A_664 = vector.extract %slice3A_663[0] : f32 from vector<1xf32>
      %max3A_665 = arith.constant 1.000000e+00 : f32
      %max3A_666 = arith.maximumf %squeeze3A_664, %max3A_665 : f32
      %get3A_667 = arith.index_cast %add3A_662 : i32 to index
      %get3A_668 = arith.constant 0 : index
      %get3A_669 = tpu.vector_load %arg11[%get3A_667, %get3A_668] {strides = array<i32>} : memref<640x16xf32, #tpu.memory_space<vmem>>, vector<1x16xf32>,
      %get3A_670 = vector.shape_cast %get3A_669 : vector<1x16xf32> to vector<16xf32>
      %div3A_671 = vector.broadcast %max3A_666 : f32 to vector<16xf32>
      %div3A_672 = arith.divf %get3A_670, %div3A_671 : vector<16xf32>
      %get3A_673 = arith.index_cast %add3A_662 : i32 to index
      %get3A_674 = arith.constant 0 : index
      %get3A_675 = tpu.vector_load %arg12[%get3A_673, %get3A_674] {strides = array<i32>} : memref<640x16xf32, #tpu.memory_space<vmem>>, vector<1x16xf32>,
      %get3A_676 = vector.shape_cast %get3A_675 : vector<1x16xf32> to vector<16xf32>
      %add3A_677 = arith.addf %div3A_672, %get3A_676 : vector<16xf32>
      %max3A_678 = arith.constant 0.000000e+00 : f32
      %max3A_679 = vector.broadcast %max3A_678 : f32 to vector<16xf32>
      %max3A_680 = arith.maximumf %add3A_677, %max3A_679 : vector<16xf32>
      %swap3A_681 = arith.index_cast %add3A_662 : i32 to index
      %swap3A_682 = arith.constant 0 : index
      %swap3A_683 = tpu.vector_load %arg11[%swap3A_681, %swap3A_682] {strides = array<i32>} : memref<640x16xf32, #tpu.memory_space<vmem>>, vector<1x16xf32>,
      %swap3A_684 = vector.shape_cast %swap3A_683 : vector<1x16xf32> to vector<16xf32>
      %swap3A_685 = vector.shape_cast %max3A_680 : vector<16xf32> to vector<1x16xf32>
      tpu.vector_store %arg11[%swap3A_681, %swap3A_682], %swap3A_685 {strides = array<i32>} : memref<640x16xf32, #tpu.memory_space<vmem>>, vector<1x16xf32>,
      %mul3A_686 = arith.constant 16 : i32
      %mul3A_687 = arith.muli %scan3A_335, %mul3A_686 : i32
      %add3A_688 = arith.constant 13 : i32
      %add3A_689 = arith.addi %mul3A_687, %add3A_688 : i32
      %slice3A_690 = vector.extract_strided_slice %get3A_339 {offsets = [13], sizes = [1], strides = [1]} : vector<16xf32> to vector<1xf32>
      %squeeze3A_691 = vector.extract %slice3A_690[0] : f32 from vector<1xf32>
      %max3A_692 = arith.constant 1.000000e+00 : f32
      %max3A_693 = arith.maximumf %squeeze3A_691, %max3A_692 : f32
      %get3A_694 = arith.index_cast %add3A_689 : i32 to index
      %get3A_695 = arith.constant 0 : index
      %get3A_696 = tpu.vector_load %arg11[%get3A_694, %get3A_695] {strides = array<i32>} : memref<640x16xf32, #tpu.memory_space<vmem>>, vector<1x16xf32>,
      %get3A_697 = vector.shape_cast %get3A_696 : vector<1x16xf32> to vector<16xf32>
      %div3A_698 = vector.broadcast %max3A_693 : f32 to vector<16xf32>
      %div3A_699 = arith.divf %get3A_697, %div3A_698 : vector<16xf32>
      %get3A_700 = arith.index_cast %add3A_689 : i32 to index
      %get3A_701 = arith.constant 0 : index
      %get3A_702 = tpu.vector_load %arg12[%get3A_700, %get3A_701] {strides = array<i32>} : memref<640x16xf32, #tpu.memory_space<vmem>>, vector<1x16xf32>,
      %get3A_703 = vector.shape_cast %get3A_702 : vector<1x16xf32> to vector<16xf32>
      %add3A_704 = arith.addf %div3A_699, %get3A_703 : vector<16xf32>
      %max3A_705 = arith.constant 0.000000e+00 : f32
      %max3A_706 = vector.broadcast %max3A_705 : f32 to vector<16xf32>
      %max3A_707 = arith.maximumf %add3A_704, %max3A_706 : vector<16xf32>
      %swap3A_708 = arith.index_cast %add3A_689 : i32 to index
      %swap3A_709 = arith.constant 0 : index
      %swap3A_710 = tpu.vector_load %arg11[%swap3A_708, %swap3A_709] {strides = array<i32>} : memref<640x16xf32, #tpu.memory_space<vmem>>, vector<1x16xf32>,
      %swap3A_711 = vector.shape_cast %swap3A_710 : vector<1x16xf32> to vector<16xf32>
      %swap3A_712 = vector.shape_cast %max3A_707 : vector<16xf32> to vector<1x16xf32>
      tpu.vector_store %arg11[%swap3A_708, %swap3A_709], %swap3A_712 {strides = array<i32>} : memref<640x16xf32, #tpu.memory_space<vmem>>, vector<1x16xf32>,
      %mul3A_713 = arith.constant 16 : i32
      %mul3A_714 = arith.muli %scan3A_335, %mul3A_713 : i32
      %add3A_715 = arith.constant 14 : i32
      %add3A_716 = arith.addi %mul3A_714, %add3A_715 : i32
      %slice3A_717 = vector.extract_strided_slice %get3A_339 {offsets = [14], sizes = [1], strides = [1]} : vector<16xf32> to vector<1xf32>
      %squeeze3A_718 = vector.extract %slice3A_717[0] : f32 from vector<1xf32>
      %max3A_719 = arith.constant 1.000000e+00 : f32
      %max3A_720 = arith.maximumf %squeeze3A_718, %max3A_719 : f32
      %get3A_721 = arith.index_cast %add3A_716 : i32 to index
      %get3A_722 = arith.constant 0 : index
      %get3A_723 = tpu.vector_load %arg11[%get3A_721, %get3A_722] {strides = array<i32>} : memref<640x16xf32, #tpu.memory_space<vmem>>, vector<1x16xf32>,
      %get3A_724 = vector.shape_cast %get3A_723 : vector<1x16xf32> to vector<16xf32>
      %div3A_725 = vector.broadcast %max3A_720 : f32 to vector<16xf32>
      %div3A_726 = arith.divf %get3A_724, %div3A_725 : vector<16xf32>
      %get3A_727 = arith.index_cast %add3A_716 : i32 to index
      %get3A_728 = arith.constant 0 : index
      %get3A_729 = tpu.vector_load %arg12[%get3A_727, %get3A_728] {strides = array<i32>} : memref<640x16xf32, #tpu.memory_space<vmem>>, vector<1x16xf32>,
      %get3A_730 = vector.shape_cast %get3A_729 : vector<1x16xf32> to vector<16xf32>
      %add3A_731 = arith.addf %div3A_726, %get3A_730 : vector<16xf32>
      %max3A_732 = arith.constant 0.000000e+00 : f32
      %max3A_733 = vector.broadcast %max3A_732 : f32 to vector<16xf32>
      %max3A_734 = arith.maximumf %add3A_731, %max3A_733 : vector<16xf32>
      %swap3A_735 = arith.index_cast %add3A_716 : i32 to index
      %swap3A_736 = arith.constant 0 : index
      %swap3A_737 = tpu.vector_load %arg11[%swap3A_735, %swap3A_736] {strides = array<i32>} : memref<640x16xf32, #tpu.memory_space<vmem>>, vector<1x16xf32>,
      %swap3A_738 = vector.shape_cast %swap3A_737 : vector<1x16xf32> to vector<16xf32>
      %swap3A_739 = vector.shape_cast %max3A_734 : vector<16xf32> to vector<1x16xf32>
      tpu.vector_store %arg11[%swap3A_735, %swap3A_736], %swap3A_739 {strides = array<i32>} : memref<640x16xf32, #tpu.memory_space<vmem>>, vector<1x16xf32>,
      %mul3A_740 = arith.constant 16 : i32
      %mul3A_741 = arith.muli %scan3A_335, %mul3A_740 : i32
      %add3A_742 = arith.constant 15 : i32
      %add3A_743 = arith.addi %mul3A_741, %add3A_742 : i32
      %slice3A_744 = vector.extract_strided_slice %get3A_339 {offsets = [15], sizes = [1], strides = [1]} : vector<16xf32> to vector<1xf32>
      %squeeze3A_745 = vector.extract %slice3A_744[0] : f32 from vector<1xf32>
      %max3A_746 = arith.constant 1.000000e+00 : f32
      %max3A_747 = arith.maximumf %squeeze3A_745, %max3A_746 : f32
      %get3A_748 = arith.index_cast %add3A_743 : i32 to index
      %get3A_749 = arith.constant 0 : index
      %get3A_750 = tpu.vector_load %arg11[%get3A_748, %get3A_749] {strides = array<i32>} : memref<640x16xf32, #tpu.memory_space<vmem>>, vector<1x16xf32>,
      %get3A_751 = vector.shape_cast %get3A_750 : vector<1x16xf32> to vector<16xf32>
      %div3A_752 = vector.broadcast %max3A_747 : f32 to vector<16xf32>
      %div3A_753 = arith.divf %get3A_751, %div3A_752 : vector<16xf32>
      %get3A_754 = arith.index_cast %add3A_743 : i32 to index
      %get3A_755 = arith.constant 0 : index
      %get3A_756 = tpu.vector_load %arg12[%get3A_754, %get3A_755] {strides = array<i32>} : memref<640x16xf32, #tpu.memory_space<vmem>>, vector<1x16xf32>,
      %get3A_757 = vector.shape_cast %get3A_756 : vector<1x16xf32> to vector<16xf32>
      %add3A_758 = arith.addf %div3A_753, %get3A_757 : vector<16xf32>
      %max3A_759 = arith.constant 0.000000e+00 : f32
      %max3A_760 = vector.broadcast %max3A_759 : f32 to vector<16xf32>
      %max3A_761 = arith.maximumf %add3A_758, %max3A_760 : vector<16xf32>
      %swap3A_762 = arith.index_cast %add3A_743 : i32 to index
      %swap3A_763 = arith.constant 0 : index
      %swap3A_764 = tpu.vector_load %arg11[%swap3A_762, %swap3A_763] {strides = array<i32>} : memref<640x16xf32, #tpu.memory_space<vmem>>, vector<1x16xf32>,
      %swap3A_765 = vector.shape_cast %swap3A_764 : vector<1x16xf32> to vector<16xf32>
      %swap3A_766 = vector.shape_cast %max3A_761 : vector<16xf32> to vector<1x16xf32>
      tpu.vector_store %arg11[%swap3A_762, %swap3A_763], %swap3A_766 {strides = array<i32>} : memref<640x16xf32, #tpu.memory_space<vmem>>, vector<1x16xf32>,
    }
    %scan3A_202 = arith.constant 40 : i32
    %mul3A_203 = arith.constant 640 : i32
    %mul3A_204 = arith.muli %arg1, %mul3A_203 : i32
    "tpu.region"() ({
      %run_scoped3A = tpu.sem_alloc : memref<!tpu.dma_semaphore, #tpu.memory_space<semaphore_mem>>
      %dma_start3A_335 = arith.constant 0 : i32
      %dma_start3A_336 = tpu.memref_slice %arg28[%mul3A_204, %dma_start3A_335] : memref<10240x16xf32, #tpu.memory_space<vmem_shared>> -> memref<640x16xf32, #tpu.memory_space<vmem_shared>>
      %dma_start3A_337 = arith.constant 0 : i32
      %dma_start3A_338 = tpu.memref_slice %arg28[%mul3A_204, %dma_start3A_337] : memref<10240x16xf32, #tpu.memory_space<vmem_shared>> -> memref<640x16xf32, #tpu.memory_space<vmem_shared>>
      tpu.enqueue_dma source(%arg11 : memref<640x16xf32, #tpu.memory_space<vmem>>) target(%dma_start3A_338 : memref<640x16xf32, #tpu.memory_space<vmem_shared>>) target_semaphore(%run_scoped3A : memref<!tpu.dma_semaphore, #tpu.memory_space<semaphore_mem>>)
      %dma_wait3A_339 = arith.constant 0 : i32
      %dma_wait3A_340 = tpu.memref_slice %arg28[%mul3A_204, %dma_wait3A_339] : memref<10240x16xf32, #tpu.memory_space<vmem_shared>> -> memref<640x16xf32, #tpu.memory_space<vmem_shared>>
      %dma_wait3A_341 = arith.constant 0 : i32
      %dma_wait3A_342 = tpu.memref_slice %arg28[%mul3A_204, %dma_wait3A_341] : memref<10240x16xf32, #tpu.memory_space<vmem_shared>> -> memref<640x16xf32, #tpu.memory_space<vmem_shared>>
      tpu.wait_dma2 semaphore(%run_scoped3A : memref<!tpu.dma_semaphore, #tpu.memory_space<semaphore_mem>>) src(%arg11 : memref<640x16xf32, #tpu.memory_space<vmem>>) dst(%dma_wait3A_342 : memref<640x16xf32, #tpu.memory_space<vmem_shared>>)
      tpu.yield
    }) : () -> ()
    %eq3A = arith.constant 0 : i32
    %eq3A_205 = arith.cmpi eq, %arg0, %eq3A : i32
    %convert_element_type3A = arith.extui %eq3A_205 : i1 to i32
    %cond3A = arith.constant 0 : i32
    %cond3A_206 = arith.cmpi ne, %convert_element_type3A, %cond3A : i32
    scf.if %cond3A_206 {
      %mul3A_335 = arith.constant 640 : i32
      %mul3A_336 = arith.muli %arg1, %mul3A_335 : i32
      "tpu.region"() ({
        %run_scoped3A = tpu.sem_alloc : memref<!tpu.dma_semaphore, #tpu.memory_space<semaphore_mem>>
        %dma_start3A_337 = arith.constant 0 : i32
        %dma_start3A_338 = tpu.memref_slice %arg10[%mul3A_336, %dma_start3A_337] : memref<10240x16xf32, #tpu.memory_space<hbm>> -> memref<640x16xf32, #tpu.memory_space<hbm>>
        %dma_start3A_339 = arith.constant 0 : i32
        %dma_start3A_340 = tpu.memref_slice %arg10[%mul3A_336, %dma_start3A_339] : memref<10240x16xf32, #tpu.memory_space<hbm>> -> memref<640x16xf32, #tpu.memory_space<hbm>>
        tpu.enqueue_dma source(%arg11 : memref<640x16xf32, #tpu.memory_space<vmem>>) target(%dma_start3A_340 : memref<640x16xf32, #tpu.memory_space<hbm>>) target_semaphore(%run_scoped3A : memref<!tpu.dma_semaphore, #tpu.memory_space<semaphore_mem>>)
        %dma_wait3A_341 = arith.constant 0 : i32
        %dma_wait3A_342 = tpu.memref_slice %arg10[%mul3A_336, %dma_wait3A_341] : memref<10240x16xf32, #tpu.memory_space<hbm>> -> memref<640x16xf32, #tpu.memory_space<hbm>>
        %dma_wait3A_343 = arith.constant 0 : i32
        %dma_wait3A_344 = tpu.memref_slice %arg10[%mul3A_336, %dma_wait3A_343] : memref<10240x16xf32, #tpu.memory_space<hbm>> -> memref<640x16xf32, #tpu.memory_space<hbm>>
        tpu.wait_dma2 semaphore(%run_scoped3A : memref<!tpu.dma_semaphore, #tpu.memory_space<semaphore_mem>>) src(%arg11 : memref<640x16xf32, #tpu.memory_space<vmem>>) dst(%dma_wait3A_344 : memref<640x16xf32, #tpu.memory_space<hbm>>)
        tpu.yield
      }) : () -> ()
    } else {
    }
    %mul3A_207 = arith.constant 640 : i32
    %mul3A_208 = arith.muli %arg1, %mul3A_207 : i32
    "tpu.region"() ({
      %run_scoped3A = tpu.sem_alloc : memref<!tpu.dma_semaphore, #tpu.memory_space<semaphore_mem>>
      %dma_start3A_335 = tpu.memref_slice %arg9[%arg0, %mul3A_208] : memref<2x10240xf32, #tpu.memory_space<hbm>> -> memref<1x640xf32, #tpu.memory_space<hbm>>
      %dma_start3A_336 = tpu.memref_squeeze %dma_start3A_335 : memref<1x640xf32, #tpu.memory_space<hbm>> -> memref<640xf32, #tpu.memory_space<hbm>>
      %dma_start3A_337 = tpu.memref_slice %arg9[%arg0, %mul3A_208] : memref<2x10240xf32, #tpu.memory_space<hbm>> -> memref<1x640xf32, #tpu.memory_space<hbm>>
      %dma_start3A_338 = tpu.memref_squeeze %dma_start3A_337 : memref<1x640xf32, #tpu.memory_space<hbm>> -> memref<640xf32, #tpu.memory_space<hbm>>
      tpu.enqueue_dma source(%arg27 : memref<640xf32, #tpu.memory_space<vmem>>) target(%dma_start3A_338 : memref<640xf32, #tpu.memory_space<hbm>>) target_semaphore(%run_scoped3A : memref<!tpu.dma_semaphore, #tpu.memory_space<semaphore_mem>>)
      %dma_wait3A_339 = tpu.memref_slice %arg9[%arg0, %mul3A_208] : memref<2x10240xf32, #tpu.memory_space<hbm>> -> memref<1x640xf32, #tpu.memory_space<hbm>>
      %dma_wait3A_340 = tpu.memref_squeeze %dma_wait3A_339 : memref<1x640xf32, #tpu.memory_space<hbm>> -> memref<640xf32, #tpu.memory_space<hbm>>
      %dma_wait3A_341 = tpu.memref_slice %arg9[%arg0, %mul3A_208] : memref<2x10240xf32, #tpu.memory_space<hbm>> -> memref<1x640xf32, #tpu.memory_space<hbm>>
      %dma_wait3A_342 = tpu.memref_squeeze %dma_wait3A_341 : memref<1x640xf32, #tpu.memory_space<hbm>> -> memref<640xf32, #tpu.memory_space<hbm>>
      tpu.wait_dma2 semaphore(%run_scoped3A : memref<!tpu.dma_semaphore, #tpu.memory_space<semaphore_mem>>) src(%arg27 : memref<640xf32, #tpu.memory_space<vmem>>) dst(%dma_wait3A_342 : memref<640xf32, #tpu.memory_space<hbm>>)
      tpu.yield
    }) : () -> ()
    %mul3A_209 = arith.constant 640 : i32
    %mul3A_210 = arith.muli %arg1, %mul3A_209 : i32
    "tpu.region"() ({
      %run_scoped3A = tpu.sem_alloc : memref<!tpu.dma_semaphore, #tpu.memory_space<semaphore_mem>>
      %dma_start3A_335 = arith.constant 0 : i32
      %dma_start3A_336 = tpu.memref_slice %arg29[%mul3A_210, %dma_start3A_335] : memref<10240x16xf32, #tpu.memory_space<vmem_shared>> -> memref<640x16xf32, #tpu.memory_space<vmem_shared>>
      %dma_start3A_337 = arith.constant 0 : i32
      %dma_start3A_338 = tpu.memref_slice %arg29[%mul3A_210, %dma_start3A_337] : memref<10240x16xf32, #tpu.memory_space<vmem_shared>> -> memref<640x16xf32, #tpu.memory_space<vmem_shared>>
      tpu.enqueue_dma source(%arg13 : memref<640x16xf32, #tpu.memory_space<vmem>>) target(%dma_start3A_338 : memref<640x16xf32, #tpu.memory_space<vmem_shared>>) target_semaphore(%run_scoped3A : memref<!tpu.dma_semaphore, #tpu.memory_space<semaphore_mem>>)
      %dma_wait3A_339 = arith.constant 0 : i32
      %dma_wait3A_340 = tpu.memref_slice %arg29[%mul3A_210, %dma_wait3A_339] : memref<10240x16xf32, #tpu.memory_space<vmem_shared>> -> memref<640x16xf32, #tpu.memory_space<vmem_shared>>
      %dma_wait3A_341 = arith.constant 0 : i32
      %dma_wait3A_342 = tpu.memref_slice %arg29[%mul3A_210, %dma_wait3A_341] : memref<10240x16xf32, #tpu.memory_space<vmem_shared>> -> memref<640x16xf32, #tpu.memory_space<vmem_shared>>
      tpu.wait_dma2 semaphore(%run_scoped3A : memref<!tpu.dma_semaphore, #tpu.memory_space<semaphore_mem>>) src(%arg13 : memref<640x16xf32, #tpu.memory_space<vmem>>) dst(%dma_wait3A_342 : memref<640x16xf32, #tpu.memory_space<vmem_shared>>)
      tpu.yield
    }) : () -> ()
    %barrier3A_211 = arith.constant 0 : index
    tpu.barrier barrier_id(%barrier3A_211)
    "tpu.region"() ({
      %run_scoped3A = tpu.sem_alloc : memref<!tpu.dma_semaphore, #tpu.memory_space<semaphore_mem>>
      %dma_start3A_335 = arith.constant 0 : i32
      %dma_start3A_336 = arith.constant 0 : i32
      %dma_start3A_337 = tpu.memref_slice %arg6[%add3A, %dma_start3A_335, %dma_start3A_336] : memref<32x80x128xi32, #tpu.memory_space<hbm>> -> memref<1x80x128xi32, #tpu.memory_space<hbm>>
      %dma_start3A_338 = tpu.memref_squeeze %dma_start3A_337 : memref<1x80x128xi32, #tpu.memory_space<hbm>> -> memref<80x128xi32, #tpu.memory_space<hbm>>
      %dma_start3A_339 = arith.constant 0 : i32
      %dma_start3A_340 = arith.constant 0 : i32
      %dma_start3A_341 = tpu.memref_slice %arg6[%add3A, %dma_start3A_339, %dma_start3A_340] : memref<32x80x128xi32, #tpu.memory_space<hbm>> -> memref<1x80x128xi32, #tpu.memory_space<hbm>>
      %dma_start3A_342 = tpu.memref_squeeze %dma_start3A_341 : memref<1x80x128xi32, #tpu.memory_space<hbm>> -> memref<80x128xi32, #tpu.memory_space<hbm>>
      tpu.enqueue_dma source(%dma_start3A_342 : memref<80x128xi32, #tpu.memory_space<hbm>>) target(%arg24 : memref<80x128xi32, #tpu.memory_space<vmem>>) target_semaphore(%run_scoped3A : memref<!tpu.dma_semaphore, #tpu.memory_space<semaphore_mem>>)
      %dma_wait3A_343 = arith.constant 0 : i32
      %dma_wait3A_344 = arith.constant 0 : i32
      %dma_wait3A_345 = tpu.memref_slice %arg6[%add3A, %dma_wait3A_343, %dma_wait3A_344] : memref<32x80x128xi32, #tpu.memory_space<hbm>> -> memref<1x80x128xi32, #tpu.memory_space<hbm>>
      %dma_wait3A_346 = tpu.memref_squeeze %dma_wait3A_345 : memref<1x80x128xi32, #tpu.memory_space<hbm>> -> memref<80x128xi32, #tpu.memory_space<hbm>>
      %dma_wait3A_347 = arith.constant 0 : i32
      %dma_wait3A_348 = arith.constant 0 : i32
      %dma_wait3A_349 = tpu.memref_slice %arg6[%add3A, %dma_wait3A_347, %dma_wait3A_348] : memref<32x80x128xi32, #tpu.memory_space<hbm>> -> memref<1x80x128xi32, #tpu.memory_space<hbm>>
      %dma_wait3A_350 = tpu.memref_squeeze %dma_wait3A_349 : memref<1x80x128xi32, #tpu.memory_space<hbm>> -> memref<80x128xi32, #tpu.memory_space<hbm>>
      tpu.wait_dma2 semaphore(%run_scoped3A : memref<!tpu.dma_semaphore, #tpu.memory_space<semaphore_mem>>) src(%dma_wait3A_350 : memref<80x128xi32, #tpu.memory_space<hbm>>) dst(%arg24 : memref<80x128xi32, #tpu.memory_space<vmem>>)
      tpu.yield
    }) : () -> ()
    "tpu.region"() ({
      %run_scoped3A = tpu.sem_alloc : memref<!tpu.dma_semaphore, #tpu.memory_space<semaphore_mem>>
      %dma_start3A_335 = arith.constant 0 : i32
      %dma_start3A_336 = arith.constant 0 : i32
      %dma_start3A_337 = tpu.memref_slice %arg7[%add3A, %dma_start3A_335, %dma_start3A_336] : memref<32x80x128xi32, #tpu.memory_space<hbm>> -> memref<1x80x128xi32, #tpu.memory_space<hbm>>
      %dma_start3A_338 = tpu.memref_squeeze %dma_start3A_337 : memref<1x80x128xi32, #tpu.memory_space<hbm>> -> memref<80x128xi32, #tpu.memory_space<hbm>>
      %dma_start3A_339 = arith.constant 0 : i32
      %dma_start3A_340 = arith.constant 0 : i32
      %dma_start3A_341 = tpu.memref_slice %arg7[%add3A, %dma_start3A_339, %dma_start3A_340] : memref<32x80x128xi32, #tpu.memory_space<hbm>> -> memref<1x80x128xi32, #tpu.memory_space<hbm>>
      %dma_start3A_342 = tpu.memref_squeeze %dma_start3A_341 : memref<1x80x128xi32, #tpu.memory_space<hbm>> -> memref<80x128xi32, #tpu.memory_space<hbm>>
      tpu.enqueue_dma source(%dma_start3A_342 : memref<80x128xi32, #tpu.memory_space<hbm>>) target(%arg25 : memref<80x128xi32, #tpu.memory_space<vmem>>) target_semaphore(%run_scoped3A : memref<!tpu.dma_semaphore, #tpu.memory_space<semaphore_mem>>)
      %dma_wait3A_343 = arith.constant 0 : i32
      %dma_wait3A_344 = arith.constant 0 : i32
      %dma_wait3A_345 = tpu.memref_slice %arg7[%add3A, %dma_wait3A_343, %dma_wait3A_344] : memref<32x80x128xi32, #tpu.memory_space<hbm>> -> memref<1x80x128xi32, #tpu.memory_space<hbm>>
      %dma_wait3A_346 = tpu.memref_squeeze %dma_wait3A_345 : memref<1x80x128xi32, #tpu.memory_space<hbm>> -> memref<80x128xi32, #tpu.memory_space<hbm>>
      %dma_wait3A_347 = arith.constant 0 : i32
      %dma_wait3A_348 = arith.constant 0 : i32
      %dma_wait3A_349 = tpu.memref_slice %arg7[%add3A, %dma_wait3A_347, %dma_wait3A_348] : memref<32x80x128xi32, #tpu.memory_space<hbm>> -> memref<1x80x128xi32, #tpu.memory_space<hbm>>
      %dma_wait3A_350 = tpu.memref_squeeze %dma_wait3A_349 : memref<1x80x128xi32, #tpu.memory_space<hbm>> -> memref<80x128xi32, #tpu.memory_space<hbm>>
      tpu.wait_dma2 semaphore(%run_scoped3A : memref<!tpu.dma_semaphore, #tpu.memory_space<semaphore_mem>>) src(%dma_wait3A_350 : memref<80x128xi32, #tpu.memory_space<hbm>>) dst(%arg25 : memref<80x128xi32, #tpu.memory_space<vmem>>)
      tpu.yield
    }) : () -> ()
    %dma_start3A_212 = arith.constant 0 : i32
    %dma_start3A_213 = arith.constant 0 : i32
    %dma_start3A_214 = tpu.memref_slice %arg24[%dma_start3A_212, %dma_start3A_213] : memref<80x128xi32, #tpu.memory_space<vmem>> -> memref<1x128xi32, #tpu.memory_space<vmem>>
    %dma_start3A_215 = tpu.memref_squeeze %dma_start3A_214 : memref<1x128xi32, #tpu.memory_space<vmem>> -> memref<128xi32, #tpu.memory_space<vmem>>
    %dma_start3A_216 = arith.constant 0 : i32
    %dma_start3A_217 = arith.constant 0 : i32
    %dma_start3A_218 = tpu.memref_slice %arg28[%dma_start3A_216, %dma_start3A_217] : memref<10240x16xf32, #tpu.memory_space<vmem_shared>> -> memref<10240x16xf32, #tpu.memory_space<vmem_shared>>
    tpu.enqueue_indirect_dma source(%dma_start3A_218 : memref<10240x16xf32, #tpu.memory_space<vmem_shared>>) target(%arg14 : memref<128x16xf32, #tpu.memory_space<vmem>>) offsets(%dma_start3A_215 : memref<128xi32, #tpu.memory_space<vmem>>) semaphore(%arg31 : memref<!tpu.dma_semaphore, #tpu.memory_space<semaphore_mem>>)
    %dma_start3A_219 = arith.constant 1 : i32
    %dma_start3A_220 = arith.constant 0 : i32
    %dma_start3A_221 = tpu.memref_slice %arg24[%dma_start3A_219, %dma_start3A_220] : memref<80x128xi32, #tpu.memory_space<vmem>> -> memref<1x128xi32, #tpu.memory_space<vmem>>
    %dma_start3A_222 = tpu.memref_squeeze %dma_start3A_221 : memref<1x128xi32, #tpu.memory_space<vmem>> -> memref<128xi32, #tpu.memory_space<vmem>>
    %dma_start3A_223 = arith.constant 0 : i32
    %dma_start3A_224 = arith.constant 0 : i32
    %dma_start3A_225 = tpu.memref_slice %arg28[%dma_start3A_223, %dma_start3A_224] : memref<10240x16xf32, #tpu.memory_space<vmem_shared>> -> memref<10240x16xf32, #tpu.memory_space<vmem_shared>>
    tpu.enqueue_indirect_dma source(%dma_start3A_225 : memref<10240x16xf32, #tpu.memory_space<vmem_shared>>) target(%arg15 : memref<128x16xf32, #tpu.memory_space<vmem>>) offsets(%dma_start3A_222 : memref<128xi32, #tpu.memory_space<vmem>>) semaphore(%arg32 : memref<!tpu.dma_semaphore, #tpu.memory_space<semaphore_mem>>)
    %dma_start3A_226 = arith.constant 2 : i32
    %dma_start3A_227 = arith.constant 0 : i32
    %dma_start3A_228 = tpu.memref_slice %arg24[%dma_start3A_226, %dma_start3A_227] : memref<80x128xi32, #tpu.memory_space<vmem>> -> memref<1x128xi32, #tpu.memory_space<vmem>>
    %dma_start3A_229 = tpu.memref_squeeze %dma_start3A_228 : memref<1x128xi32, #tpu.memory_space<vmem>> -> memref<128xi32, #tpu.memory_space<vmem>>
    %dma_start3A_230 = arith.constant 0 : i32
    %dma_start3A_231 = arith.constant 0 : i32
    %dma_start3A_232 = tpu.memref_slice %arg28[%dma_start3A_230, %dma_start3A_231] : memref<10240x16xf32, #tpu.memory_space<vmem_shared>> -> memref<10240x16xf32, #tpu.memory_space<vmem_shared>>
    tpu.enqueue_indirect_dma source(%dma_start3A_232 : memref<10240x16xf32, #tpu.memory_space<vmem_shared>>) target(%arg16 : memref<128x16xf32, #tpu.memory_space<vmem>>) offsets(%dma_start3A_229 : memref<128xi32, #tpu.memory_space<vmem>>) semaphore(%arg33 : memref<!tpu.dma_semaphore, #tpu.memory_space<semaphore_mem>>)
    %dma_start3A_233 = arith.constant 3 : i32
    %dma_start3A_234 = arith.constant 0 : i32
    %dma_start3A_235 = tpu.memref_slice %arg24[%dma_start3A_233, %dma_start3A_234] : memref<80x128xi32, #tpu.memory_space<vmem>> -> memref<1x128xi32, #tpu.memory_space<vmem>>
    %dma_start3A_236 = tpu.memref_squeeze %dma_start3A_235 : memref<1x128xi32, #tpu.memory_space<vmem>> -> memref<128xi32, #tpu.memory_space<vmem>>
    %dma_start3A_237 = arith.constant 0 : i32
    %dma_start3A_238 = arith.constant 0 : i32
    %dma_start3A_239 = tpu.memref_slice %arg28[%dma_start3A_237, %dma_start3A_238] : memref<10240x16xf32, #tpu.memory_space<vmem_shared>> -> memref<10240x16xf32, #tpu.memory_space<vmem_shared>>
    tpu.enqueue_indirect_dma source(%dma_start3A_239 : memref<10240x16xf32, #tpu.memory_space<vmem_shared>>) target(%arg17 : memref<128x16xf32, #tpu.memory_space<vmem>>) offsets(%dma_start3A_236 : memref<128xi32, #tpu.memory_space<vmem>>) semaphore(%arg34 : memref<!tpu.dma_semaphore, #tpu.memory_space<semaphore_mem>>)
    %dma_start3A_240 = arith.constant 4 : i32
    %dma_start3A_241 = arith.constant 0 : i32
    %dma_start3A_242 = tpu.memref_slice %arg24[%dma_start3A_240, %dma_start3A_241] : memref<80x128xi32, #tpu.memory_space<vmem>> -> memref<1x128xi32, #tpu.memory_space<vmem>>
    %dma_start3A_243 = tpu.memref_squeeze %dma_start3A_242 : memref<1x128xi32, #tpu.memory_space<vmem>> -> memref<128xi32, #tpu.memory_space<vmem>>
    %dma_start3A_244 = arith.constant 0 : i32
    %dma_start3A_245 = arith.constant 0 : i32
    %dma_start3A_246 = tpu.memref_slice %arg28[%dma_start3A_244, %dma_start3A_245] : memref<10240x16xf32, #tpu.memory_space<vmem_shared>> -> memref<10240x16xf32, #tpu.memory_space<vmem_shared>>
    tpu.enqueue_indirect_dma source(%dma_start3A_246 : memref<10240x16xf32, #tpu.memory_space<vmem_shared>>) target(%arg18 : memref<128x16xf32, #tpu.memory_space<vmem>>) offsets(%dma_start3A_243 : memref<128xi32, #tpu.memory_space<vmem>>) semaphore(%arg35 : memref<!tpu.dma_semaphore, #tpu.memory_space<semaphore_mem>>)
    %dma_start3A_247 = arith.constant 5 : i32
    %dma_start3A_248 = arith.constant 0 : i32
    %dma_start3A_249 = tpu.memref_slice %arg24[%dma_start3A_247, %dma_start3A_248] : memref<80x128xi32, #tpu.memory_space<vmem>> -> memref<1x128xi32, #tpu.memory_space<vmem>>
    %dma_start3A_250 = tpu.memref_squeeze %dma_start3A_249 : memref<1x128xi32, #tpu.memory_space<vmem>> -> memref<128xi32, #tpu.memory_space<vmem>>
    %dma_start3A_251 = arith.constant 0 : i32
    %dma_start3A_252 = arith.constant 0 : i32
    %dma_start3A_253 = tpu.memref_slice %arg28[%dma_start3A_251, %dma_start3A_252] : memref<10240x16xf32, #tpu.memory_space<vmem_shared>> -> memref<10240x16xf32, #tpu.memory_space<vmem_shared>>
    tpu.enqueue_indirect_dma source(%dma_start3A_253 : memref<10240x16xf32, #tpu.memory_space<vmem_shared>>) target(%arg19 : memref<128x16xf32, #tpu.memory_space<vmem>>) offsets(%dma_start3A_250 : memref<128xi32, #tpu.memory_space<vmem>>) semaphore(%arg36 : memref<!tpu.dma_semaphore, #tpu.memory_space<semaphore_mem>>)
    %dma_start3A_254 = arith.constant 6 : i32
    %dma_start3A_255 = arith.constant 0 : i32
    %dma_start3A_256 = tpu.memref_slice %arg24[%dma_start3A_254, %dma_start3A_255] : memref<80x128xi32, #tpu.memory_space<vmem>> -> memref<1x128xi32, #tpu.memory_space<vmem>>
    %dma_start3A_257 = tpu.memref_squeeze %dma_start3A_256 : memref<1x128xi32, #tpu.memory_space<vmem>> -> memref<128xi32, #tpu.memory_space<vmem>>
    %dma_start3A_258 = arith.constant 0 : i32
    %dma_start3A_259 = arith.constant 0 : i32
    %dma_start3A_260 = tpu.memref_slice %arg28[%dma_start3A_258, %dma_start3A_259] : memref<10240x16xf32, #tpu.memory_space<vmem_shared>> -> memref<10240x16xf32, #tpu.memory_space<vmem_shared>>
    tpu.enqueue_indirect_dma source(%dma_start3A_260 : memref<10240x16xf32, #tpu.memory_space<vmem_shared>>) target(%arg20 : memref<128x16xf32, #tpu.memory_space<vmem>>) offsets(%dma_start3A_257 : memref<128xi32, #tpu.memory_space<vmem>>) semaphore(%arg37 : memref<!tpu.dma_semaphore, #tpu.memory_space<semaphore_mem>>)
    %dma_start3A_261 = arith.constant 7 : i32
    %dma_start3A_262 = arith.constant 0 : i32
    %dma_start3A_263 = tpu.memref_slice %arg24[%dma_start3A_261, %dma_start3A_262] : memref<80x128xi32, #tpu.memory_space<vmem>> -> memref<1x128xi32, #tpu.memory_space<vmem>>
    %dma_start3A_264 = tpu.memref_squeeze %dma_start3A_263 : memref<1x128xi32, #tpu.memory_space<vmem>> -> memref<128xi32, #tpu.memory_space<vmem>>
    %dma_start3A_265 = arith.constant 0 : i32
    %dma_start3A_266 = arith.constant 0 : i32
    %dma_start3A_267 = tpu.memref_slice %arg28[%dma_start3A_265, %dma_start3A_266] : memref<10240x16xf32, #tpu.memory_space<vmem_shared>> -> memref<10240x16xf32, #tpu.memory_space<vmem_shared>>
    tpu.enqueue_indirect_dma source(%dma_start3A_267 : memref<10240x16xf32, #tpu.memory_space<vmem_shared>>) target(%arg21 : memref<128x16xf32, #tpu.memory_space<vmem>>) offsets(%dma_start3A_264 : memref<128xi32, #tpu.memory_space<vmem>>) semaphore(%arg38 : memref<!tpu.dma_semaphore, #tpu.memory_space<semaphore_mem>>)
    %scan3A_268 = arith.constant 0 : i32
    %scan3A_269 = arith.constant 0 : i32
    %scan3A_270 = arith.constant 10 : i32
    %scan3A_271 = arith.addi %scan3A_269, %scan3A_270 : i32
    %scan3A_272 = arith.constant 1 : i32
    scf.for %scan3A_335 = %scan3A_269 to %scan3A_271 step %scan3A_272  : i32 {
      %mul3A_336 = arith.constant 8 : i32
      %mul3A_337 = arith.muli %scan3A_335, %mul3A_336 : i32
      %add3A_338 = arith.constant 0 : i32
      %add3A_339 = arith.addi %mul3A_337, %add3A_338 : i32
      %dma_wait3A_340 = arith.constant 0 : i32
      %dma_wait3A_341 = tpu.memref_slice %arg24[%add3A_339, %dma_wait3A_340] : memref<80x128xi32, #tpu.memory_space<vmem>> -> memref<1x128xi32, #tpu.memory_space<vmem>>
      %dma_wait3A_342 = tpu.memref_squeeze %dma_wait3A_341 : memref<1x128xi32, #tpu.memory_space<vmem>> -> memref<128xi32, #tpu.memory_space<vmem>>
      %dma_wait3A_343 = arith.constant 0 : i32
      %dma_wait3A_344 = arith.constant 0 : i32
      %dma_wait3A_345 = tpu.memref_slice %arg28[%dma_wait3A_343, %dma_wait3A_344] : memref<10240x16xf32, #tpu.memory_space<vmem_shared>> -> memref<10240x16xf32, #tpu.memory_space<vmem_shared>>
      tpu.wait_indirect_dma semaphore(%arg31 : memref<!tpu.dma_semaphore, #tpu.memory_space<semaphore_mem>>) src(%dma_wait3A_345 : memref<10240x16xf32, #tpu.memory_space<vmem_shared>>) dst(%arg14 : memref<128x16xf32, #tpu.memory_space<vmem>>)
      %dma_start3A_346 = arith.constant 0 : i32
      %dma_start3A_347 = tpu.memref_slice %arg25[%add3A_339, %dma_start3A_346] : memref<80x128xi32, #tpu.memory_space<vmem>> -> memref<1x128xi32, #tpu.memory_space<vmem>>
      %dma_start3A_348 = tpu.memref_squeeze %dma_start3A_347 : memref<1x128xi32, #tpu.memory_space<vmem>> -> memref<128xi32, #tpu.memory_space<vmem>>
      %dma_start3A_349 = arith.constant 0 : i32
      %dma_start3A_350 = arith.constant 0 : i32
      %dma_start3A_351 = tpu.memref_slice %arg29[%dma_start3A_349, %dma_start3A_350] : memref<10240x16xf32, #tpu.memory_space<vmem_shared>> -> memref<10240x16xf32, #tpu.memory_space<vmem_shared>>
      tpu.enqueue_indirect_dma source(%arg14 : memref<128x16xf32, #tpu.memory_space<vmem>>) target(%dma_start3A_351 : memref<10240x16xf32, #tpu.memory_space<vmem_shared>>) offsets(%dma_start3A_348 : memref<128xi32, #tpu.memory_space<vmem>>) semaphore(%arg39 : memref<!tpu.dma_semaphore, #tpu.memory_space<semaphore_mem>>) {add = true}
      %ge3A = arith.constant 4 : i32
      %ge3A_352 = arith.cmpi sge, %add3A_339, %ge3A : i32
      %add3A_353 = arith.constant 4 : i32
      %add3A_354 = arith.addi %add3A_339, %add3A_353 : i32
      %lt3A = arith.constant 80 : i32
      %lt3A_355 = arith.cmpi slt, %add3A_354, %lt3A : i32
      %and3A = arith.andi %ge3A_352, %lt3A_355 : i1
      %convert_element_type3A_356 = arith.extui %and3A : i1 to i32
      %cond3A_357 = arith.constant 0 : i32
      %cond3A_358 = arith.cmpi ne, %convert_element_type3A_356, %cond3A_357 : i32
      scf.if %cond3A_358 {
        %sub3A = arith.constant 4 : i32
        %sub3A_541 = arith.subi %add3A_339, %sub3A : i32
        %dma_wait3A_542 = arith.constant 0 : i32
        %dma_wait3A_543 = tpu.memref_slice %arg25[%sub3A_541, %dma_wait3A_542] : memref<80x128xi32, #tpu.memory_space<vmem>> -> memref<1x128xi32, #tpu.memory_space<vmem>>
        %dma_wait3A_544 = tpu.memref_squeeze %dma_wait3A_543 : memref<1x128xi32, #tpu.memory_space<vmem>> -> memref<128xi32, #tpu.memory_space<vmem>>
        %dma_wait3A_545 = arith.constant 0 : i32
        %dma_wait3A_546 = arith.constant 0 : i32
        %dma_wait3A_547 = tpu.memref_slice %arg29[%dma_wait3A_545, %dma_wait3A_546] : memref<10240x16xf32, #tpu.memory_space<vmem_shared>> -> memref<10240x16xf32, #tpu.memory_space<vmem_shared>>
        tpu.wait_indirect_dma semaphore(%arg43 : memref<!tpu.dma_semaphore, #tpu.memory_space<semaphore_mem>>) src(%arg18 : memref<128x16xf32, #tpu.memory_space<vmem>>) dst(%dma_wait3A_547 : memref<10240x16xf32, #tpu.memory_space<vmem_shared>>)
        %add3A_548 = arith.constant 4 : i32
        %add3A_549 = arith.addi %add3A_339, %add3A_548 : i32
        %dma_start3A_550 = arith.constant 0 : i32
        %dma_start3A_551 = tpu.memref_slice %arg24[%add3A_549, %dma_start3A_550] : memref<80x128xi32, #tpu.memory_space<vmem>> -> memref<1x128xi32, #tpu.memory_space<vmem>>
        %dma_start3A_552 = tpu.memref_squeeze %dma_start3A_551 : memref<1x128xi32, #tpu.memory_space<vmem>> -> memref<128xi32, #tpu.memory_space<vmem>>
        %dma_start3A_553 = arith.constant 0 : i32
        %dma_start3A_554 = arith.constant 0 : i32
        %dma_start3A_555 = tpu.memref_slice %arg28[%dma_start3A_553, %dma_start3A_554] : memref<10240x16xf32, #tpu.memory_space<vmem_shared>> -> memref<10240x16xf32, #tpu.memory_space<vmem_shared>>
        tpu.enqueue_indirect_dma source(%dma_start3A_555 : memref<10240x16xf32, #tpu.memory_space<vmem_shared>>) target(%arg18 : memref<128x16xf32, #tpu.memory_space<vmem>>) offsets(%dma_start3A_552 : memref<128xi32, #tpu.memory_space<vmem>>) semaphore(%arg35 : memref<!tpu.dma_semaphore, #tpu.memory_space<semaphore_mem>>)
      } else {
      }
      %mul3A_359 = arith.constant 8 : i32
      %mul3A_360 = arith.muli %scan3A_335, %mul3A_359 : i32
      %add3A_361 = arith.constant 1 : i32
      %add3A_362 = arith.addi %mul3A_360, %add3A_361 : i32
      %dma_wait3A_363 = arith.constant 0 : i32
      %dma_wait3A_364 = tpu.memref_slice %arg24[%add3A_362, %dma_wait3A_363] : memref<80x128xi32, #tpu.memory_space<vmem>> -> memref<1x128xi32, #tpu.memory_space<vmem>>
      %dma_wait3A_365 = tpu.memref_squeeze %dma_wait3A_364 : memref<1x128xi32, #tpu.memory_space<vmem>> -> memref<128xi32, #tpu.memory_space<vmem>>
      %dma_wait3A_366 = arith.constant 0 : i32
      %dma_wait3A_367 = arith.constant 0 : i32
      %dma_wait3A_368 = tpu.memref_slice %arg28[%dma_wait3A_366, %dma_wait3A_367] : memref<10240x16xf32, #tpu.memory_space<vmem_shared>> -> memref<10240x16xf32, #tpu.memory_space<vmem_shared>>
      tpu.wait_indirect_dma semaphore(%arg32 : memref<!tpu.dma_semaphore, #tpu.memory_space<semaphore_mem>>) src(%dma_wait3A_368 : memref<10240x16xf32, #tpu.memory_space<vmem_shared>>) dst(%arg15 : memref<128x16xf32, #tpu.memory_space<vmem>>)
      %dma_start3A_369 = arith.constant 0 : i32
      %dma_start3A_370 = tpu.memref_slice %arg25[%add3A_362, %dma_start3A_369] : memref<80x128xi32, #tpu.memory_space<vmem>> -> memref<1x128xi32, #tpu.memory_space<vmem>>
      %dma_start3A_371 = tpu.memref_squeeze %dma_start3A_370 : memref<1x128xi32, #tpu.memory_space<vmem>> -> memref<128xi32, #tpu.memory_space<vmem>>
      %dma_start3A_372 = arith.constant 0 : i32
      %dma_start3A_373 = arith.constant 0 : i32
      %dma_start3A_374 = tpu.memref_slice %arg29[%dma_start3A_372, %dma_start3A_373] : memref<10240x16xf32, #tpu.memory_space<vmem_shared>> -> memref<10240x16xf32, #tpu.memory_space<vmem_shared>>
      tpu.enqueue_indirect_dma source(%arg15 : memref<128x16xf32, #tpu.memory_space<vmem>>) target(%dma_start3A_374 : memref<10240x16xf32, #tpu.memory_space<vmem_shared>>) offsets(%dma_start3A_371 : memref<128xi32, #tpu.memory_space<vmem>>) semaphore(%arg40 : memref<!tpu.dma_semaphore, #tpu.memory_space<semaphore_mem>>) {add = true}
      %ge3A_375 = arith.constant 4 : i32
      %ge3A_376 = arith.cmpi sge, %add3A_362, %ge3A_375 : i32
      %add3A_377 = arith.constant 4 : i32
      %add3A_378 = arith.addi %add3A_362, %add3A_377 : i32
      %lt3A_379 = arith.constant 80 : i32
      %lt3A_380 = arith.cmpi slt, %add3A_378, %lt3A_379 : i32
      %and3A_381 = arith.andi %ge3A_376, %lt3A_380 : i1
      %convert_element_type3A_382 = arith.extui %and3A_381 : i1 to i32
      %cond3A_383 = arith.constant 0 : i32
      %cond3A_384 = arith.cmpi ne, %convert_element_type3A_382, %cond3A_383 : i32
      scf.if %cond3A_384 {
        %sub3A = arith.constant 4 : i32
        %sub3A_541 = arith.subi %add3A_362, %sub3A : i32
        %dma_wait3A_542 = arith.constant 0 : i32
        %dma_wait3A_543 = tpu.memref_slice %arg25[%sub3A_541, %dma_wait3A_542] : memref<80x128xi32, #tpu.memory_space<vmem>> -> memref<1x128xi32, #tpu.memory_space<vmem>>
        %dma_wait3A_544 = tpu.memref_squeeze %dma_wait3A_543 : memref<1x128xi32, #tpu.memory_space<vmem>> -> memref<128xi32, #tpu.memory_space<vmem>>
        %dma_wait3A_545 = arith.constant 0 : i32
        %dma_wait3A_546 = arith.constant 0 : i32
        %dma_wait3A_547 = tpu.memref_slice %arg29[%dma_wait3A_545, %dma_wait3A_546] : memref<10240x16xf32, #tpu.memory_space<vmem_shared>> -> memref<10240x16xf32, #tpu.memory_space<vmem_shared>>
        tpu.wait_indirect_dma semaphore(%arg44 : memref<!tpu.dma_semaphore, #tpu.memory_space<semaphore_mem>>) src(%arg19 : memref<128x16xf32, #tpu.memory_space<vmem>>) dst(%dma_wait3A_547 : memref<10240x16xf32, #tpu.memory_space<vmem_shared>>)
        %add3A_548 = arith.constant 4 : i32
        %add3A_549 = arith.addi %add3A_362, %add3A_548 : i32
        %dma_start3A_550 = arith.constant 0 : i32
        %dma_start3A_551 = tpu.memref_slice %arg24[%add3A_549, %dma_start3A_550] : memref<80x128xi32, #tpu.memory_space<vmem>> -> memref<1x128xi32, #tpu.memory_space<vmem>>
        %dma_start3A_552 = tpu.memref_squeeze %dma_start3A_551 : memref<1x128xi32, #tpu.memory_space<vmem>> -> memref<128xi32, #tpu.memory_space<vmem>>
        %dma_start3A_553 = arith.constant 0 : i32
        %dma_start3A_554 = arith.constant 0 : i32
        %dma_start3A_555 = tpu.memref_slice %arg28[%dma_start3A_553, %dma_start3A_554] : memref<10240x16xf32, #tpu.memory_space<vmem_shared>> -> memref<10240x16xf32, #tpu.memory_space<vmem_shared>>
        tpu.enqueue_indirect_dma source(%dma_start3A_555 : memref<10240x16xf32, #tpu.memory_space<vmem_shared>>) target(%arg19 : memref<128x16xf32, #tpu.memory_space<vmem>>) offsets(%dma_start3A_552 : memref<128xi32, #tpu.memory_space<vmem>>) semaphore(%arg36 : memref<!tpu.dma_semaphore, #tpu.memory_space<semaphore_mem>>)
      } else {
      }
      %mul3A_385 = arith.constant 8 : i32
      %mul3A_386 = arith.muli %scan3A_335, %mul3A_385 : i32
      %add3A_387 = arith.constant 2 : i32
      %add3A_388 = arith.addi %mul3A_386, %add3A_387 : i32
      %dma_wait3A_389 = arith.constant 0 : i32
      %dma_wait3A_390 = tpu.memref_slice %arg24[%add3A_388, %dma_wait3A_389] : memref<80x128xi32, #tpu.memory_space<vmem>> -> memref<1x128xi32, #tpu.memory_space<vmem>>
      %dma_wait3A_391 = tpu.memref_squeeze %dma_wait3A_390 : memref<1x128xi32, #tpu.memory_space<vmem>> -> memref<128xi32, #tpu.memory_space<vmem>>
      %dma_wait3A_392 = arith.constant 0 : i32
      %dma_wait3A_393 = arith.constant 0 : i32
      %dma_wait3A_394 = tpu.memref_slice %arg28[%dma_wait3A_392, %dma_wait3A_393] : memref<10240x16xf32, #tpu.memory_space<vmem_shared>> -> memref<10240x16xf32, #tpu.memory_space<vmem_shared>>
      tpu.wait_indirect_dma semaphore(%arg33 : memref<!tpu.dma_semaphore, #tpu.memory_space<semaphore_mem>>) src(%dma_wait3A_394 : memref<10240x16xf32, #tpu.memory_space<vmem_shared>>) dst(%arg16 : memref<128x16xf32, #tpu.memory_space<vmem>>)
      %dma_start3A_395 = arith.constant 0 : i32
      %dma_start3A_396 = tpu.memref_slice %arg25[%add3A_388, %dma_start3A_395] : memref<80x128xi32, #tpu.memory_space<vmem>> -> memref<1x128xi32, #tpu.memory_space<vmem>>
      %dma_start3A_397 = tpu.memref_squeeze %dma_start3A_396 : memref<1x128xi32, #tpu.memory_space<vmem>> -> memref<128xi32, #tpu.memory_space<vmem>>
      %dma_start3A_398 = arith.constant 0 : i32
      %dma_start3A_399 = arith.constant 0 : i32
      %dma_start3A_400 = tpu.memref_slice %arg29[%dma_start3A_398, %dma_start3A_399] : memref<10240x16xf32, #tpu.memory_space<vmem_shared>> -> memref<10240x16xf32, #tpu.memory_space<vmem_shared>>
      tpu.enqueue_indirect_dma source(%arg16 : memref<128x16xf32, #tpu.memory_space<vmem>>) target(%dma_start3A_400 : memref<10240x16xf32, #tpu.memory_space<vmem_shared>>) offsets(%dma_start3A_397 : memref<128xi32, #tpu.memory_space<vmem>>) semaphore(%arg41 : memref<!tpu.dma_semaphore, #tpu.memory_space<semaphore_mem>>) {add = true}
      %ge3A_401 = arith.constant 4 : i32
      %ge3A_402 = arith.cmpi sge, %add3A_388, %ge3A_401 : i32
      %add3A_403 = arith.constant 4 : i32
      %add3A_404 = arith.addi %add3A_388, %add3A_403 : i32
      %lt3A_405 = arith.constant 80 : i32
      %lt3A_406 = arith.cmpi slt, %add3A_404, %lt3A_405 : i32
      %and3A_407 = arith.andi %ge3A_402, %lt3A_406 : i1
      %convert_element_type3A_408 = arith.extui %and3A_407 : i1 to i32
      %cond3A_409 = arith.constant 0 : i32
      %cond3A_410 = arith.cmpi ne, %convert_element_type3A_408, %cond3A_409 : i32
      scf.if %cond3A_410 {
        %sub3A = arith.constant 4 : i32
        %sub3A_541 = arith.subi %add3A_388, %sub3A : i32
        %dma_wait3A_542 = arith.constant 0 : i32
        %dma_wait3A_543 = tpu.memref_slice %arg25[%sub3A_541, %dma_wait3A_542] : memref<80x128xi32, #tpu.memory_space<vmem>> -> memref<1x128xi32, #tpu.memory_space<vmem>>
        %dma_wait3A_544 = tpu.memref_squeeze %dma_wait3A_543 : memref<1x128xi32, #tpu.memory_space<vmem>> -> memref<128xi32, #tpu.memory_space<vmem>>
        %dma_wait3A_545 = arith.constant 0 : i32
        %dma_wait3A_546 = arith.constant 0 : i32
        %dma_wait3A_547 = tpu.memref_slice %arg29[%dma_wait3A_545, %dma_wait3A_546] : memref<10240x16xf32, #tpu.memory_space<vmem_shared>> -> memref<10240x16xf32, #tpu.memory_space<vmem_shared>>
        tpu.wait_indirect_dma semaphore(%arg45 : memref<!tpu.dma_semaphore, #tpu.memory_space<semaphore_mem>>) src(%arg20 : memref<128x16xf32, #tpu.memory_space<vmem>>) dst(%dma_wait3A_547 : memref<10240x16xf32, #tpu.memory_space<vmem_shared>>)
        %add3A_548 = arith.constant 4 : i32
        %add3A_549 = arith.addi %add3A_388, %add3A_548 : i32
        %dma_start3A_550 = arith.constant 0 : i32
        %dma_start3A_551 = tpu.memref_slice %arg24[%add3A_549, %dma_start3A_550] : memref<80x128xi32, #tpu.memory_space<vmem>> -> memref<1x128xi32, #tpu.memory_space<vmem>>
        %dma_start3A_552 = tpu.memref_squeeze %dma_start3A_551 : memref<1x128xi32, #tpu.memory_space<vmem>> -> memref<128xi32, #tpu.memory_space<vmem>>
        %dma_start3A_553 = arith.constant 0 : i32
        %dma_start3A_554 = arith.constant 0 : i32
        %dma_start3A_555 = tpu.memref_slice %arg28[%dma_start3A_553, %dma_start3A_554] : memref<10240x16xf32, #tpu.memory_space<vmem_shared>> -> memref<10240x16xf32, #tpu.memory_space<vmem_shared>>
        tpu.enqueue_indirect_dma source(%dma_start3A_555 : memref<10240x16xf32, #tpu.memory_space<vmem_shared>>) target(%arg20 : memref<128x16xf32, #tpu.memory_space<vmem>>) offsets(%dma_start3A_552 : memref<128xi32, #tpu.memory_space<vmem>>) semaphore(%arg37 : memref<!tpu.dma_semaphore, #tpu.memory_space<semaphore_mem>>)
      } else {
      }
      %mul3A_411 = arith.constant 8 : i32
      %mul3A_412 = arith.muli %scan3A_335, %mul3A_411 : i32
      %add3A_413 = arith.constant 3 : i32
      %add3A_414 = arith.addi %mul3A_412, %add3A_413 : i32
      %dma_wait3A_415 = arith.constant 0 : i32
      %dma_wait3A_416 = tpu.memref_slice %arg24[%add3A_414, %dma_wait3A_415] : memref<80x128xi32, #tpu.memory_space<vmem>> -> memref<1x128xi32, #tpu.memory_space<vmem>>
      %dma_wait3A_417 = tpu.memref_squeeze %dma_wait3A_416 : memref<1x128xi32, #tpu.memory_space<vmem>> -> memref<128xi32, #tpu.memory_space<vmem>>
      %dma_wait3A_418 = arith.constant 0 : i32
      %dma_wait3A_419 = arith.constant 0 : i32
      %dma_wait3A_420 = tpu.memref_slice %arg28[%dma_wait3A_418, %dma_wait3A_419] : memref<10240x16xf32, #tpu.memory_space<vmem_shared>> -> memref<10240x16xf32, #tpu.memory_space<vmem_shared>>
      tpu.wait_indirect_dma semaphore(%arg34 : memref<!tpu.dma_semaphore, #tpu.memory_space<semaphore_mem>>) src(%dma_wait3A_420 : memref<10240x16xf32, #tpu.memory_space<vmem_shared>>) dst(%arg17 : memref<128x16xf32, #tpu.memory_space<vmem>>)
      %dma_start3A_421 = arith.constant 0 : i32
      %dma_start3A_422 = tpu.memref_slice %arg25[%add3A_414, %dma_start3A_421] : memref<80x128xi32, #tpu.memory_space<vmem>> -> memref<1x128xi32, #tpu.memory_space<vmem>>
      %dma_start3A_423 = tpu.memref_squeeze %dma_start3A_422 : memref<1x128xi32, #tpu.memory_space<vmem>> -> memref<128xi32, #tpu.memory_space<vmem>>
      %dma_start3A_424 = arith.constant 0 : i32
      %dma_start3A_425 = arith.constant 0 : i32
      %dma_start3A_426 = tpu.memref_slice %arg29[%dma_start3A_424, %dma_start3A_425] : memref<10240x16xf32, #tpu.memory_space<vmem_shared>> -> memref<10240x16xf32, #tpu.memory_space<vmem_shared>>
      tpu.enqueue_indirect_dma source(%arg17 : memref<128x16xf32, #tpu.memory_space<vmem>>) target(%dma_start3A_426 : memref<10240x16xf32, #tpu.memory_space<vmem_shared>>) offsets(%dma_start3A_423 : memref<128xi32, #tpu.memory_space<vmem>>) semaphore(%arg42 : memref<!tpu.dma_semaphore, #tpu.memory_space<semaphore_mem>>) {add = true}
      %ge3A_427 = arith.constant 4 : i32
      %ge3A_428 = arith.cmpi sge, %add3A_414, %ge3A_427 : i32
      %add3A_429 = arith.constant 4 : i32
      %add3A_430 = arith.addi %add3A_414, %add3A_429 : i32
      %lt3A_431 = arith.constant 80 : i32
      %lt3A_432 = arith.cmpi slt, %add3A_430, %lt3A_431 : i32
      %and3A_433 = arith.andi %ge3A_428, %lt3A_432 : i1
      %convert_element_type3A_434 = arith.extui %and3A_433 : i1 to i32
      %cond3A_435 = arith.constant 0 : i32
      %cond3A_436 = arith.cmpi ne, %convert_element_type3A_434, %cond3A_435 : i32
      scf.if %cond3A_436 {
        %sub3A = arith.constant 4 : i32
        %sub3A_541 = arith.subi %add3A_414, %sub3A : i32
        %dma_wait3A_542 = arith.constant 0 : i32
        %dma_wait3A_543 = tpu.memref_slice %arg25[%sub3A_541, %dma_wait3A_542] : memref<80x128xi32, #tpu.memory_space<vmem>> -> memref<1x128xi32, #tpu.memory_space<vmem>>
        %dma_wait3A_544 = tpu.memref_squeeze %dma_wait3A_543 : memref<1x128xi32, #tpu.memory_space<vmem>> -> memref<128xi32, #tpu.memory_space<vmem>>
        %dma_wait3A_545 = arith.constant 0 : i32
        %dma_wait3A_546 = arith.constant 0 : i32
        %dma_wait3A_547 = tpu.memref_slice %arg29[%dma_wait3A_545, %dma_wait3A_546] : memref<10240x16xf32, #tpu.memory_space<vmem_shared>> -> memref<10240x16xf32, #tpu.memory_space<vmem_shared>>
        tpu.wait_indirect_dma semaphore(%arg46 : memref<!tpu.dma_semaphore, #tpu.memory_space<semaphore_mem>>) src(%arg21 : memref<128x16xf32, #tpu.memory_space<vmem>>) dst(%dma_wait3A_547 : memref<10240x16xf32, #tpu.memory_space<vmem_shared>>)
        %add3A_548 = arith.constant 4 : i32
        %add3A_549 = arith.addi %add3A_414, %add3A_548 : i32
        %dma_start3A_550 = arith.constant 0 : i32
        %dma_start3A_551 = tpu.memref_slice %arg24[%add3A_549, %dma_start3A_550] : memref<80x128xi32, #tpu.memory_space<vmem>> -> memref<1x128xi32, #tpu.memory_space<vmem>>
        %dma_start3A_552 = tpu.memref_squeeze %dma_start3A_551 : memref<1x128xi32, #tpu.memory_space<vmem>> -> memref<128xi32, #tpu.memory_space<vmem>>
        %dma_start3A_553 = arith.constant 0 : i32
        %dma_start3A_554 = arith.constant 0 : i32
        %dma_start3A_555 = tpu.memref_slice %arg28[%dma_start3A_553, %dma_start3A_554] : memref<10240x16xf32, #tpu.memory_space<vmem_shared>> -> memref<10240x16xf32, #tpu.memory_space<vmem_shared>>
        tpu.enqueue_indirect_dma source(%dma_start3A_555 : memref<10240x16xf32, #tpu.memory_space<vmem_shared>>) target(%arg21 : memref<128x16xf32, #tpu.memory_space<vmem>>) offsets(%dma_start3A_552 : memref<128xi32, #tpu.memory_space<vmem>>) semaphore(%arg38 : memref<!tpu.dma_semaphore, #tpu.memory_space<semaphore_mem>>)
      } else {
      }
      %mul3A_437 = arith.constant 8 : i32
      %mul3A_438 = arith.muli %scan3A_335, %mul3A_437 : i32
      %add3A_439 = arith.constant 4 : i32
      %add3A_440 = arith.addi %mul3A_438, %add3A_439 : i32
      %dma_wait3A_441 = arith.constant 0 : i32
      %dma_wait3A_442 = tpu.memref_slice %arg24[%add3A_440, %dma_wait3A_441] : memref<80x128xi32, #tpu.memory_space<vmem>> -> memref<1x128xi32, #tpu.memory_space<vmem>>
      %dma_wait3A_443 = tpu.memref_squeeze %dma_wait3A_442 : memref<1x128xi32, #tpu.memory_space<vmem>> -> memref<128xi32, #tpu.memory_space<vmem>>
      %dma_wait3A_444 = arith.constant 0 : i32
      %dma_wait3A_445 = arith.constant 0 : i32
      %dma_wait3A_446 = tpu.memref_slice %arg28[%dma_wait3A_444, %dma_wait3A_445] : memref<10240x16xf32, #tpu.memory_space<vmem_shared>> -> memref<10240x16xf32, #tpu.memory_space<vmem_shared>>
      tpu.wait_indirect_dma semaphore(%arg35 : memref<!tpu.dma_semaphore, #tpu.memory_space<semaphore_mem>>) src(%dma_wait3A_446 : memref<10240x16xf32, #tpu.memory_space<vmem_shared>>) dst(%arg18 : memref<128x16xf32, #tpu.memory_space<vmem>>)
      %dma_start3A_447 = arith.constant 0 : i32
      %dma_start3A_448 = tpu.memref_slice %arg25[%add3A_440, %dma_start3A_447] : memref<80x128xi32, #tpu.memory_space<vmem>> -> memref<1x128xi32, #tpu.memory_space<vmem>>
      %dma_start3A_449 = tpu.memref_squeeze %dma_start3A_448 : memref<1x128xi32, #tpu.memory_space<vmem>> -> memref<128xi32, #tpu.memory_space<vmem>>
      %dma_start3A_450 = arith.constant 0 : i32
      %dma_start3A_451 = arith.constant 0 : i32
      %dma_start3A_452 = tpu.memref_slice %arg29[%dma_start3A_450, %dma_start3A_451] : memref<10240x16xf32, #tpu.memory_space<vmem_shared>> -> memref<10240x16xf32, #tpu.memory_space<vmem_shared>>
      tpu.enqueue_indirect_dma source(%arg18 : memref<128x16xf32, #tpu.memory_space<vmem>>) target(%dma_start3A_452 : memref<10240x16xf32, #tpu.memory_space<vmem_shared>>) offsets(%dma_start3A_449 : memref<128xi32, #tpu.memory_space<vmem>>) semaphore(%arg43 : memref<!tpu.dma_semaphore, #tpu.memory_space<semaphore_mem>>) {add = true}
      %ge3A_453 = arith.constant 4 : i32
      %ge3A_454 = arith.cmpi sge, %add3A_440, %ge3A_453 : i32
      %add3A_455 = arith.constant 4 : i32
      %add3A_456 = arith.addi %add3A_440, %add3A_455 : i32
      %lt3A_457 = arith.constant 80 : i32
      %lt3A_458 = arith.cmpi slt, %add3A_456, %lt3A_457 : i32
      %and3A_459 = arith.andi %ge3A_454, %lt3A_458 : i1
      %convert_element_type3A_460 = arith.extui %and3A_459 : i1 to i32
      %cond3A_461 = arith.constant 0 : i32
      %cond3A_462 = arith.cmpi ne, %convert_element_type3A_460, %cond3A_461 : i32
      scf.if %cond3A_462 {
        %sub3A = arith.constant 4 : i32
        %sub3A_541 = arith.subi %add3A_440, %sub3A : i32
        %dma_wait3A_542 = arith.constant 0 : i32
        %dma_wait3A_543 = tpu.memref_slice %arg25[%sub3A_541, %dma_wait3A_542] : memref<80x128xi32, #tpu.memory_space<vmem>> -> memref<1x128xi32, #tpu.memory_space<vmem>>
        %dma_wait3A_544 = tpu.memref_squeeze %dma_wait3A_543 : memref<1x128xi32, #tpu.memory_space<vmem>> -> memref<128xi32, #tpu.memory_space<vmem>>
        %dma_wait3A_545 = arith.constant 0 : i32
        %dma_wait3A_546 = arith.constant 0 : i32
        %dma_wait3A_547 = tpu.memref_slice %arg29[%dma_wait3A_545, %dma_wait3A_546] : memref<10240x16xf32, #tpu.memory_space<vmem_shared>> -> memref<10240x16xf32, #tpu.memory_space<vmem_shared>>
        tpu.wait_indirect_dma semaphore(%arg39 : memref<!tpu.dma_semaphore, #tpu.memory_space<semaphore_mem>>) src(%arg14 : memref<128x16xf32, #tpu.memory_space<vmem>>) dst(%dma_wait3A_547 : memref<10240x16xf32, #tpu.memory_space<vmem_shared>>)
        %add3A_548 = arith.constant 4 : i32
        %add3A_549 = arith.addi %add3A_440, %add3A_548 : i32
        %dma_start3A_550 = arith.constant 0 : i32
        %dma_start3A_551 = tpu.memref_slice %arg24[%add3A_549, %dma_start3A_550] : memref<80x128xi32, #tpu.memory_space<vmem>> -> memref<1x128xi32, #tpu.memory_space<vmem>>
        %dma_start3A_552 = tpu.memref_squeeze %dma_start3A_551 : memref<1x128xi32, #tpu.memory_space<vmem>> -> memref<128xi32, #tpu.memory_space<vmem>>
        %dma_start3A_553 = arith.constant 0 : i32
        %dma_start3A_554 = arith.constant 0 : i32
        %dma_start3A_555 = tpu.memref_slice %arg28[%dma_start3A_553, %dma_start3A_554] : memref<10240x16xf32, #tpu.memory_space<vmem_shared>> -> memref<10240x16xf32, #tpu.memory_space<vmem_shared>>
        tpu.enqueue_indirect_dma source(%dma_start3A_555 : memref<10240x16xf32, #tpu.memory_space<vmem_shared>>) target(%arg14 : memref<128x16xf32, #tpu.memory_space<vmem>>) offsets(%dma_start3A_552 : memref<128xi32, #tpu.memory_space<vmem>>) semaphore(%arg31 : memref<!tpu.dma_semaphore, #tpu.memory_space<semaphore_mem>>)
      } else {
      }
      %mul3A_463 = arith.constant 8 : i32
      %mul3A_464 = arith.muli %scan3A_335, %mul3A_463 : i32
      %add3A_465 = arith.constant 5 : i32
      %add3A_466 = arith.addi %mul3A_464, %add3A_465 : i32
      %dma_wait3A_467 = arith.constant 0 : i32
      %dma_wait3A_468 = tpu.memref_slice %arg24[%add3A_466, %dma_wait3A_467] : memref<80x128xi32, #tpu.memory_space<vmem>> -> memref<1x128xi32, #tpu.memory_space<vmem>>
      %dma_wait3A_469 = tpu.memref_squeeze %dma_wait3A_468 : memref<1x128xi32, #tpu.memory_space<vmem>> -> memref<128xi32, #tpu.memory_space<vmem>>
      %dma_wait3A_470 = arith.constant 0 : i32
      %dma_wait3A_471 = arith.constant 0 : i32
      %dma_wait3A_472 = tpu.memref_slice %arg28[%dma_wait3A_470, %dma_wait3A_471] : memref<10240x16xf32, #tpu.memory_space<vmem_shared>> -> memref<10240x16xf32, #tpu.memory_space<vmem_shared>>
      tpu.wait_indirect_dma semaphore(%arg36 : memref<!tpu.dma_semaphore, #tpu.memory_space<semaphore_mem>>) src(%dma_wait3A_472 : memref<10240x16xf32, #tpu.memory_space<vmem_shared>>) dst(%arg19 : memref<128x16xf32, #tpu.memory_space<vmem>>)
      %dma_start3A_473 = arith.constant 0 : i32
      %dma_start3A_474 = tpu.memref_slice %arg25[%add3A_466, %dma_start3A_473] : memref<80x128xi32, #tpu.memory_space<vmem>> -> memref<1x128xi32, #tpu.memory_space<vmem>>
      %dma_start3A_475 = tpu.memref_squeeze %dma_start3A_474 : memref<1x128xi32, #tpu.memory_space<vmem>> -> memref<128xi32, #tpu.memory_space<vmem>>
      %dma_start3A_476 = arith.constant 0 : i32
      %dma_start3A_477 = arith.constant 0 : i32
      %dma_start3A_478 = tpu.memref_slice %arg29[%dma_start3A_476, %dma_start3A_477] : memref<10240x16xf32, #tpu.memory_space<vmem_shared>> -> memref<10240x16xf32, #tpu.memory_space<vmem_shared>>
      tpu.enqueue_indirect_dma source(%arg19 : memref<128x16xf32, #tpu.memory_space<vmem>>) target(%dma_start3A_478 : memref<10240x16xf32, #tpu.memory_space<vmem_shared>>) offsets(%dma_start3A_475 : memref<128xi32, #tpu.memory_space<vmem>>) semaphore(%arg44 : memref<!tpu.dma_semaphore, #tpu.memory_space<semaphore_mem>>) {add = true}
      %ge3A_479 = arith.constant 4 : i32
      %ge3A_480 = arith.cmpi sge, %add3A_466, %ge3A_479 : i32
      %add3A_481 = arith.constant 4 : i32
      %add3A_482 = arith.addi %add3A_466, %add3A_481 : i32
      %lt3A_483 = arith.constant 80 : i32
      %lt3A_484 = arith.cmpi slt, %add3A_482, %lt3A_483 : i32
      %and3A_485 = arith.andi %ge3A_480, %lt3A_484 : i1
      %convert_element_type3A_486 = arith.extui %and3A_485 : i1 to i32
      %cond3A_487 = arith.constant 0 : i32
      %cond3A_488 = arith.cmpi ne, %convert_element_type3A_486, %cond3A_487 : i32
      scf.if %cond3A_488 {
        %sub3A = arith.constant 4 : i32
        %sub3A_541 = arith.subi %add3A_466, %sub3A : i32
        %dma_wait3A_542 = arith.constant 0 : i32
        %dma_wait3A_543 = tpu.memref_slice %arg25[%sub3A_541, %dma_wait3A_542] : memref<80x128xi32, #tpu.memory_space<vmem>> -> memref<1x128xi32, #tpu.memory_space<vmem>>
        %dma_wait3A_544 = tpu.memref_squeeze %dma_wait3A_543 : memref<1x128xi32, #tpu.memory_space<vmem>> -> memref<128xi32, #tpu.memory_space<vmem>>
        %dma_wait3A_545 = arith.constant 0 : i32
        %dma_wait3A_546 = arith.constant 0 : i32
        %dma_wait3A_547 = tpu.memref_slice %arg29[%dma_wait3A_545, %dma_wait3A_546] : memref<10240x16xf32, #tpu.memory_space<vmem_shared>> -> memref<10240x16xf32, #tpu.memory_space<vmem_shared>>
        tpu.wait_indirect_dma semaphore(%arg40 : memref<!tpu.dma_semaphore, #tpu.memory_space<semaphore_mem>>) src(%arg15 : memref<128x16xf32, #tpu.memory_space<vmem>>) dst(%dma_wait3A_547 : memref<10240x16xf32, #tpu.memory_space<vmem_shared>>)
        %add3A_548 = arith.constant 4 : i32
        %add3A_549 = arith.addi %add3A_466, %add3A_548 : i32
        %dma_start3A_550 = arith.constant 0 : i32
        %dma_start3A_551 = tpu.memref_slice %arg24[%add3A_549, %dma_start3A_550] : memref<80x128xi32, #tpu.memory_space<vmem>> -> memref<1x128xi32, #tpu.memory_space<vmem>>
        %dma_start3A_552 = tpu.memref_squeeze %dma_start3A_551 : memref<1x128xi32, #tpu.memory_space<vmem>> -> memref<128xi32, #tpu.memory_space<vmem>>
        %dma_start3A_553 = arith.constant 0 : i32
        %dma_start3A_554 = arith.constant 0 : i32
        %dma_start3A_555 = tpu.memref_slice %arg28[%dma_start3A_553, %dma_start3A_554] : memref<10240x16xf32, #tpu.memory_space<vmem_shared>> -> memref<10240x16xf32, #tpu.memory_space<vmem_shared>>
        tpu.enqueue_indirect_dma source(%dma_start3A_555 : memref<10240x16xf32, #tpu.memory_space<vmem_shared>>) target(%arg15 : memref<128x16xf32, #tpu.memory_space<vmem>>) offsets(%dma_start3A_552 : memref<128xi32, #tpu.memory_space<vmem>>) semaphore(%arg32 : memref<!tpu.dma_semaphore, #tpu.memory_space<semaphore_mem>>)
      } else {
      }
      %mul3A_489 = arith.constant 8 : i32
      %mul3A_490 = arith.muli %scan3A_335, %mul3A_489 : i32
      %add3A_491 = arith.constant 6 : i32
      %add3A_492 = arith.addi %mul3A_490, %add3A_491 : i32
      %dma_wait3A_493 = arith.constant 0 : i32
      %dma_wait3A_494 = tpu.memref_slice %arg24[%add3A_492, %dma_wait3A_493] : memref<80x128xi32, #tpu.memory_space<vmem>> -> memref<1x128xi32, #tpu.memory_space<vmem>>
      %dma_wait3A_495 = tpu.memref_squeeze %dma_wait3A_494 : memref<1x128xi32, #tpu.memory_space<vmem>> -> memref<128xi32, #tpu.memory_space<vmem>>
      %dma_wait3A_496 = arith.constant 0 : i32
      %dma_wait3A_497 = arith.constant 0 : i32
      %dma_wait3A_498 = tpu.memref_slice %arg28[%dma_wait3A_496, %dma_wait3A_497] : memref<10240x16xf32, #tpu.memory_space<vmem_shared>> -> memref<10240x16xf32, #tpu.memory_space<vmem_shared>>
      tpu.wait_indirect_dma semaphore(%arg37 : memref<!tpu.dma_semaphore, #tpu.memory_space<semaphore_mem>>) src(%dma_wait3A_498 : memref<10240x16xf32, #tpu.memory_space<vmem_shared>>) dst(%arg20 : memref<128x16xf32, #tpu.memory_space<vmem>>)
      %dma_start3A_499 = arith.constant 0 : i32
      %dma_start3A_500 = tpu.memref_slice %arg25[%add3A_492, %dma_start3A_499] : memref<80x128xi32, #tpu.memory_space<vmem>> -> memref<1x128xi32, #tpu.memory_space<vmem>>
      %dma_start3A_501 = tpu.memref_squeeze %dma_start3A_500 : memref<1x128xi32, #tpu.memory_space<vmem>> -> memref<128xi32, #tpu.memory_space<vmem>>
      %dma_start3A_502 = arith.constant 0 : i32
      %dma_start3A_503 = arith.constant 0 : i32
      %dma_start3A_504 = tpu.memref_slice %arg29[%dma_start3A_502, %dma_start3A_503] : memref<10240x16xf32, #tpu.memory_space<vmem_shared>> -> memref<10240x16xf32, #tpu.memory_space<vmem_shared>>
      tpu.enqueue_indirect_dma source(%arg20 : memref<128x16xf32, #tpu.memory_space<vmem>>) target(%dma_start3A_504 : memref<10240x16xf32, #tpu.memory_space<vmem_shared>>) offsets(%dma_start3A_501 : memref<128xi32, #tpu.memory_space<vmem>>) semaphore(%arg45 : memref<!tpu.dma_semaphore, #tpu.memory_space<semaphore_mem>>) {add = true}
      %ge3A_505 = arith.constant 4 : i32
      %ge3A_506 = arith.cmpi sge, %add3A_492, %ge3A_505 : i32
      %add3A_507 = arith.constant 4 : i32
      %add3A_508 = arith.addi %add3A_492, %add3A_507 : i32
      %lt3A_509 = arith.constant 80 : i32
      %lt3A_510 = arith.cmpi slt, %add3A_508, %lt3A_509 : i32
      %and3A_511 = arith.andi %ge3A_506, %lt3A_510 : i1
      %convert_element_type3A_512 = arith.extui %and3A_511 : i1 to i32
      %cond3A_513 = arith.constant 0 : i32
      %cond3A_514 = arith.cmpi ne, %convert_element_type3A_512, %cond3A_513 : i32
      scf.if %cond3A_514 {
        %sub3A = arith.constant 4 : i32
        %sub3A_541 = arith.subi %add3A_492, %sub3A : i32
        %dma_wait3A_542 = arith.constant 0 : i32
        %dma_wait3A_543 = tpu.memref_slice %arg25[%sub3A_541, %dma_wait3A_542] : memref<80x128xi32, #tpu.memory_space<vmem>> -> memref<1x128xi32, #tpu.memory_space<vmem>>
        %dma_wait3A_544 = tpu.memref_squeeze %dma_wait3A_543 : memref<1x128xi32, #tpu.memory_space<vmem>> -> memref<128xi32, #tpu.memory_space<vmem>>
        %dma_wait3A_545 = arith.constant 0 : i32
        %dma_wait3A_546 = arith.constant 0 : i32
        %dma_wait3A_547 = tpu.memref_slice %arg29[%dma_wait3A_545, %dma_wait3A_546] : memref<10240x16xf32, #tpu.memory_space<vmem_shared>> -> memref<10240x16xf32, #tpu.memory_space<vmem_shared>>
        tpu.wait_indirect_dma semaphore(%arg41 : memref<!tpu.dma_semaphore, #tpu.memory_space<semaphore_mem>>) src(%arg16 : memref<128x16xf32, #tpu.memory_space<vmem>>) dst(%dma_wait3A_547 : memref<10240x16xf32, #tpu.memory_space<vmem_shared>>)
        %add3A_548 = arith.constant 4 : i32
        %add3A_549 = arith.addi %add3A_492, %add3A_548 : i32
        %dma_start3A_550 = arith.constant 0 : i32
        %dma_start3A_551 = tpu.memref_slice %arg24[%add3A_549, %dma_start3A_550] : memref<80x128xi32, #tpu.memory_space<vmem>> -> memref<1x128xi32, #tpu.memory_space<vmem>>
        %dma_start3A_552 = tpu.memref_squeeze %dma_start3A_551 : memref<1x128xi32, #tpu.memory_space<vmem>> -> memref<128xi32, #tpu.memory_space<vmem>>
        %dma_start3A_553 = arith.constant 0 : i32
        %dma_start3A_554 = arith.constant 0 : i32
        %dma_start3A_555 = tpu.memref_slice %arg28[%dma_start3A_553, %dma_start3A_554] : memref<10240x16xf32, #tpu.memory_space<vmem_shared>> -> memref<10240x16xf32, #tpu.memory_space<vmem_shared>>
        tpu.enqueue_indirect_dma source(%dma_start3A_555 : memref<10240x16xf32, #tpu.memory_space<vmem_shared>>) target(%arg16 : memref<128x16xf32, #tpu.memory_space<vmem>>) offsets(%dma_start3A_552 : memref<128xi32, #tpu.memory_space<vmem>>) semaphore(%arg33 : memref<!tpu.dma_semaphore, #tpu.memory_space<semaphore_mem>>)
      } else {
      }
      %mul3A_515 = arith.constant 8 : i32
      %mul3A_516 = arith.muli %scan3A_335, %mul3A_515 : i32
      %add3A_517 = arith.constant 7 : i32
      %add3A_518 = arith.addi %mul3A_516, %add3A_517 : i32
      %dma_wait3A_519 = arith.constant 0 : i32
      %dma_wait3A_520 = tpu.memref_slice %arg24[%add3A_518, %dma_wait3A_519] : memref<80x128xi32, #tpu.memory_space<vmem>> -> memref<1x128xi32, #tpu.memory_space<vmem>>
      %dma_wait3A_521 = tpu.memref_squeeze %dma_wait3A_520 : memref<1x128xi32, #tpu.memory_space<vmem>> -> memref<128xi32, #tpu.memory_space<vmem>>
      %dma_wait3A_522 = arith.constant 0 : i32
      %dma_wait3A_523 = arith.constant 0 : i32
      %dma_wait3A_524 = tpu.memref_slice %arg28[%dma_wait3A_522, %dma_wait3A_523] : memref<10240x16xf32, #tpu.memory_space<vmem_shared>> -> memref<10240x16xf32, #tpu.memory_space<vmem_shared>>
      tpu.wait_indirect_dma semaphore(%arg38 : memref<!tpu.dma_semaphore, #tpu.memory_space<semaphore_mem>>) src(%dma_wait3A_524 : memref<10240x16xf32, #tpu.memory_space<vmem_shared>>) dst(%arg21 : memref<128x16xf32, #tpu.memory_space<vmem>>)
      %dma_start3A_525 = arith.constant 0 : i32
      %dma_start3A_526 = tpu.memref_slice %arg25[%add3A_518, %dma_start3A_525] : memref<80x128xi32, #tpu.memory_space<vmem>> -> memref<1x128xi32, #tpu.memory_space<vmem>>
      %dma_start3A_527 = tpu.memref_squeeze %dma_start3A_526 : memref<1x128xi32, #tpu.memory_space<vmem>> -> memref<128xi32, #tpu.memory_space<vmem>>
      %dma_start3A_528 = arith.constant 0 : i32
      %dma_start3A_529 = arith.constant 0 : i32
      %dma_start3A_530 = tpu.memref_slice %arg29[%dma_start3A_528, %dma_start3A_529] : memref<10240x16xf32, #tpu.memory_space<vmem_shared>> -> memref<10240x16xf32, #tpu.memory_space<vmem_shared>>
      tpu.enqueue_indirect_dma source(%arg21 : memref<128x16xf32, #tpu.memory_space<vmem>>) target(%dma_start3A_530 : memref<10240x16xf32, #tpu.memory_space<vmem_shared>>) offsets(%dma_start3A_527 : memref<128xi32, #tpu.memory_space<vmem>>) semaphore(%arg46 : memref<!tpu.dma_semaphore, #tpu.memory_space<semaphore_mem>>) {add = true}
      %ge3A_531 = arith.constant 4 : i32
      %ge3A_532 = arith.cmpi sge, %add3A_518, %ge3A_531 : i32
      %add3A_533 = arith.constant 4 : i32
      %add3A_534 = arith.addi %add3A_518, %add3A_533 : i32
      %lt3A_535 = arith.constant 80 : i32
      %lt3A_536 = arith.cmpi slt, %add3A_534, %lt3A_535 : i32
      %and3A_537 = arith.andi %ge3A_532, %lt3A_536 : i1
      %convert_element_type3A_538 = arith.extui %and3A_537 : i1 to i32
      %cond3A_539 = arith.constant 0 : i32
      %cond3A_540 = arith.cmpi ne, %convert_element_type3A_538, %cond3A_539 : i32
      scf.if %cond3A_540 {
        %sub3A = arith.constant 4 : i32
        %sub3A_541 = arith.subi %add3A_518, %sub3A : i32
        %dma_wait3A_542 = arith.constant 0 : i32
        %dma_wait3A_543 = tpu.memref_slice %arg25[%sub3A_541, %dma_wait3A_542] : memref<80x128xi32, #tpu.memory_space<vmem>> -> memref<1x128xi32, #tpu.memory_space<vmem>>
        %dma_wait3A_544 = tpu.memref_squeeze %dma_wait3A_543 : memref<1x128xi32, #tpu.memory_space<vmem>> -> memref<128xi32, #tpu.memory_space<vmem>>
        %dma_wait3A_545 = arith.constant 0 : i32
        %dma_wait3A_546 = arith.constant 0 : i32
        %dma_wait3A_547 = tpu.memref_slice %arg29[%dma_wait3A_545, %dma_wait3A_546] : memref<10240x16xf32, #tpu.memory_space<vmem_shared>> -> memref<10240x16xf32, #tpu.memory_space<vmem_shared>>
        tpu.wait_indirect_dma semaphore(%arg42 : memref<!tpu.dma_semaphore, #tpu.memory_space<semaphore_mem>>) src(%arg17 : memref<128x16xf32, #tpu.memory_space<vmem>>) dst(%dma_wait3A_547 : memref<10240x16xf32, #tpu.memory_space<vmem_shared>>)
        %add3A_548 = arith.constant 4 : i32
        %add3A_549 = arith.addi %add3A_518, %add3A_548 : i32
        %dma_start3A_550 = arith.constant 0 : i32
        %dma_start3A_551 = tpu.memref_slice %arg24[%add3A_549, %dma_start3A_550] : memref<80x128xi32, #tpu.memory_space<vmem>> -> memref<1x128xi32, #tpu.memory_space<vmem>>
        %dma_start3A_552 = tpu.memref_squeeze %dma_start3A_551 : memref<1x128xi32, #tpu.memory_space<vmem>> -> memref<128xi32, #tpu.memory_space<vmem>>
        %dma_start3A_553 = arith.constant 0 : i32
        %dma_start3A_554 = arith.constant 0 : i32
        %dma_start3A_555 = tpu.memref_slice %arg28[%dma_start3A_553, %dma_start3A_554] : memref<10240x16xf32, #tpu.memory_space<vmem_shared>> -> memref<10240x16xf32, #tpu.memory_space<vmem_shared>>
        tpu.enqueue_indirect_dma source(%dma_start3A_555 : memref<10240x16xf32, #tpu.memory_space<vmem_shared>>) target(%arg17 : memref<128x16xf32, #tpu.memory_space<vmem>>) offsets(%dma_start3A_552 : memref<128xi32, #tpu.memory_space<vmem>>) semaphore(%arg34 : memref<!tpu.dma_semaphore, #tpu.memory_space<semaphore_mem>>)
      } else {
      }
    }
    %scan3A_273 = arith.constant 10 : i32
    %dma_wait3A_274 = arith.constant 72 : i32
    %dma_wait3A_275 = arith.constant 0 : i32
    %dma_wait3A_276 = tpu.memref_slice %arg25[%dma_wait3A_274, %dma_wait3A_275] : memref<80x128xi32, #tpu.memory_space<vmem>> -> memref<1x128xi32, #tpu.memory_space<vmem>>
    %dma_wait3A_277 = tpu.memref_squeeze %dma_wait3A_276 : memref<1x128xi32, #tpu.memory_space<vmem>> -> memref<128xi32, #tpu.memory_space<vmem>>
    %dma_wait3A_278 = arith.constant 0 : i32
    %dma_wait3A_279 = arith.constant 0 : i32
    %dma_wait3A_280 = tpu.memref_slice %arg29[%dma_wait3A_278, %dma_wait3A_279] : memref<10240x16xf32, #tpu.memory_space<vmem_shared>> -> memref<10240x16xf32, #tpu.memory_space<vmem_shared>>
    tpu.wait_indirect_dma semaphore(%arg39 : memref<!tpu.dma_semaphore, #tpu.memory_space<semaphore_mem>>) src(%arg14 : memref<128x16xf32, #tpu.memory_space<vmem>>) dst(%dma_wait3A_280 : memref<10240x16xf32, #tpu.memory_space<vmem_shared>>)
    %dma_wait3A_281 = arith.constant 73 : i32
    %dma_wait3A_282 = arith.constant 0 : i32
    %dma_wait3A_283 = tpu.memref_slice %arg25[%dma_wait3A_281, %dma_wait3A_282] : memref<80x128xi32, #tpu.memory_space<vmem>> -> memref<1x128xi32, #tpu.memory_space<vmem>>
    %dma_wait3A_284 = tpu.memref_squeeze %dma_wait3A_283 : memref<1x128xi32, #tpu.memory_space<vmem>> -> memref<128xi32, #tpu.memory_space<vmem>>
    %dma_wait3A_285 = arith.constant 0 : i32
    %dma_wait3A_286 = arith.constant 0 : i32
    %dma_wait3A_287 = tpu.memref_slice %arg29[%dma_wait3A_285, %dma_wait3A_286] : memref<10240x16xf32, #tpu.memory_space<vmem_shared>> -> memref<10240x16xf32, #tpu.memory_space<vmem_shared>>
    tpu.wait_indirect_dma semaphore(%arg40 : memref<!tpu.dma_semaphore, #tpu.memory_space<semaphore_mem>>) src(%arg15 : memref<128x16xf32, #tpu.memory_space<vmem>>) dst(%dma_wait3A_287 : memref<10240x16xf32, #tpu.memory_space<vmem_shared>>)
    %dma_wait3A_288 = arith.constant 74 : i32
    %dma_wait3A_289 = arith.constant 0 : i32
    %dma_wait3A_290 = tpu.memref_slice %arg25[%dma_wait3A_288, %dma_wait3A_289] : memref<80x128xi32, #tpu.memory_space<vmem>> -> memref<1x128xi32, #tpu.memory_space<vmem>>
    %dma_wait3A_291 = tpu.memref_squeeze %dma_wait3A_290 : memref<1x128xi32, #tpu.memory_space<vmem>> -> memref<128xi32, #tpu.memory_space<vmem>>
    %dma_wait3A_292 = arith.constant 0 : i32
    %dma_wait3A_293 = arith.constant 0 : i32
    %dma_wait3A_294 = tpu.memref_slice %arg29[%dma_wait3A_292, %dma_wait3A_293] : memref<10240x16xf32, #tpu.memory_space<vmem_shared>> -> memref<10240x16xf32, #tpu.memory_space<vmem_shared>>
    tpu.wait_indirect_dma semaphore(%arg41 : memref<!tpu.dma_semaphore, #tpu.memory_space<semaphore_mem>>) src(%arg16 : memref<128x16xf32, #tpu.memory_space<vmem>>) dst(%dma_wait3A_294 : memref<10240x16xf32, #tpu.memory_space<vmem_shared>>)
    %dma_wait3A_295 = arith.constant 75 : i32
    %dma_wait3A_296 = arith.constant 0 : i32
    %dma_wait3A_297 = tpu.memref_slice %arg25[%dma_wait3A_295, %dma_wait3A_296] : memref<80x128xi32, #tpu.memory_space<vmem>> -> memref<1x128xi32, #tpu.memory_space<vmem>>
    %dma_wait3A_298 = tpu.memref_squeeze %dma_wait3A_297 : memref<1x128xi32, #tpu.memory_space<vmem>> -> memref<128xi32, #tpu.memory_space<vmem>>
    %dma_wait3A_299 = arith.constant 0 : i32
    %dma_wait3A_300 = arith.constant 0 : i32
    %dma_wait3A_301 = tpu.memref_slice %arg29[%dma_wait3A_299, %dma_wait3A_300] : memref<10240x16xf32, #tpu.memory_space<vmem_shared>> -> memref<10240x16xf32, #tpu.memory_space<vmem_shared>>
    tpu.wait_indirect_dma semaphore(%arg42 : memref<!tpu.dma_semaphore, #tpu.memory_space<semaphore_mem>>) src(%arg17 : memref<128x16xf32, #tpu.memory_space<vmem>>) dst(%dma_wait3A_301 : memref<10240x16xf32, #tpu.memory_space<vmem_shared>>)
    %dma_wait3A_302 = arith.constant 76 : i32
    %dma_wait3A_303 = arith.constant 0 : i32
    %dma_wait3A_304 = tpu.memref_slice %arg25[%dma_wait3A_302, %dma_wait3A_303] : memref<80x128xi32, #tpu.memory_space<vmem>> -> memref<1x128xi32, #tpu.memory_space<vmem>>
    %dma_wait3A_305 = tpu.memref_squeeze %dma_wait3A_304 : memref<1x128xi32, #tpu.memory_space<vmem>> -> memref<128xi32, #tpu.memory_space<vmem>>
    %dma_wait3A_306 = arith.constant 0 : i32
    %dma_wait3A_307 = arith.constant 0 : i32
    %dma_wait3A_308 = tpu.memref_slice %arg29[%dma_wait3A_306, %dma_wait3A_307] : memref<10240x16xf32, #tpu.memory_space<vmem_shared>> -> memref<10240x16xf32, #tpu.memory_space<vmem_shared>>
    tpu.wait_indirect_dma semaphore(%arg43 : memref<!tpu.dma_semaphore, #tpu.memory_space<semaphore_mem>>) src(%arg18 : memref<128x16xf32, #tpu.memory_space<vmem>>) dst(%dma_wait3A_308 : memref<10240x16xf32, #tpu.memory_space<vmem_shared>>)
    %dma_wait3A_309 = arith.constant 77 : i32
    %dma_wait3A_310 = arith.constant 0 : i32
    %dma_wait3A_311 = tpu.memref_slice %arg25[%dma_wait3A_309, %dma_wait3A_310] : memref<80x128xi32, #tpu.memory_space<vmem>> -> memref<1x128xi32, #tpu.memory_space<vmem>>
    %dma_wait3A_312 = tpu.memref_squeeze %dma_wait3A_311 : memref<1x128xi32, #tpu.memory_space<vmem>> -> memref<128xi32, #tpu.memory_space<vmem>>
    %dma_wait3A_313 = arith.constant 0 : i32
    %dma_wait3A_314 = arith.constant 0 : i32
    %dma_wait3A_315 = tpu.memref_slice %arg29[%dma_wait3A_313, %dma_wait3A_314] : memref<10240x16xf32, #tpu.memory_space<vmem_shared>> -> memref<10240x16xf32, #tpu.memory_space<vmem_shared>>
    tpu.wait_indirect_dma semaphore(%arg44 : memref<!tpu.dma_semaphore, #tpu.memory_space<semaphore_mem>>) src(%arg19 : memref<128x16xf32, #tpu.memory_space<vmem>>) dst(%dma_wait3A_315 : memref<10240x16xf32, #tpu.memory_space<vmem_shared>>)
    %dma_wait3A_316 = arith.constant 78 : i32
    %dma_wait3A_317 = arith.constant 0 : i32
    %dma_wait3A_318 = tpu.memref_slice %arg25[%dma_wait3A_316, %dma_wait3A_317] : memref<80x128xi32, #tpu.memory_space<vmem>> -> memref<1x128xi32, #tpu.memory_space<vmem>>
    %dma_wait3A_319 = tpu.memref_squeeze %dma_wait3A_318 : memref<1x128xi32, #tpu.memory_space<vmem>> -> memref<128xi32, #tpu.memory_space<vmem>>
    %dma_wait3A_320 = arith.constant 0 : i32
    %dma_wait3A_321 = arith.constant 0 : i32
    %dma_wait3A_322 = tpu.memref_slice %arg29[%dma_wait3A_320, %dma_wait3A_321] : memref<10240x16xf32, #tpu.memory_space<vmem_shared>> -> memref<10240x16xf32, #tpu.memory_space<vmem_shared>>
    tpu.wait_indirect_dma semaphore(%arg45 : memref<!tpu.dma_semaphore, #tpu.memory_space<semaphore_mem>>) src(%arg20 : memref<128x16xf32, #tpu.memory_space<vmem>>) dst(%dma_wait3A_322 : memref<10240x16xf32, #tpu.memory_space<vmem_shared>>)
    %dma_wait3A_323 = arith.constant 79 : i32
    %dma_wait3A_324 = arith.constant 0 : i32
    %dma_wait3A_325 = tpu.memref_slice %arg25[%dma_wait3A_323, %dma_wait3A_324] : memref<80x128xi32, #tpu.memory_space<vmem>> -> memref<1x128xi32, #tpu.memory_space<vmem>>
    %dma_wait3A_326 = tpu.memref_squeeze %dma_wait3A_325 : memref<1x128xi32, #tpu.memory_space<vmem>> -> memref<128xi32, #tpu.memory_space<vmem>>
    %dma_wait3A_327 = arith.constant 0 : i32
    %dma_wait3A_328 = arith.constant 0 : i32
    %dma_wait3A_329 = tpu.memref_slice %arg29[%dma_wait3A_327, %dma_wait3A_328] : memref<10240x16xf32, #tpu.memory_space<vmem_shared>> -> memref<10240x16xf32, #tpu.memory_space<vmem_shared>>
    tpu.wait_indirect_dma semaphore(%arg46 : memref<!tpu.dma_semaphore, #tpu.memory_space<semaphore_mem>>) src(%arg21 : memref<128x16xf32, #tpu.memory_space<vmem>>) dst(%dma_wait3A_329 : memref<10240x16xf32, #tpu.memory_space<vmem_shared>>)
    %barrier3A_330 = arith.constant 0 : index
    tpu.barrier barrier_id(%barrier3A_330)
    %mul3A_331 = arith.constant 640 : i32
    %mul3A_332 = arith.muli %arg1, %mul3A_331 : i32
    "tpu.region"() ({
      %run_scoped3A = tpu.sem_alloc : memref<!tpu.dma_semaphore, #tpu.memory_space<semaphore_mem>>
      %dma_start3A_335 = arith.constant 0 : i32
      %dma_start3A_336 = tpu.memref_slice %arg29[%mul3A_332, %dma_start3A_335] : memref<10240x16xf32, #tpu.memory_space<vmem_shared>> -> memref<640x16xf32, #tpu.memory_space<vmem_shared>>
      %dma_start3A_337 = arith.constant 0 : i32
      %dma_start3A_338 = tpu.memref_slice %arg29[%mul3A_332, %dma_start3A_337] : memref<10240x16xf32, #tpu.memory_space<vmem_shared>> -> memref<640x16xf32, #tpu.memory_space<vmem_shared>>
      tpu.enqueue_dma source(%dma_start3A_338 : memref<640x16xf32, #tpu.memory_space<vmem_shared>>) target(%arg11 : memref<640x16xf32, #tpu.memory_space<vmem>>) target_semaphore(%run_scoped3A : memref<!tpu.dma_semaphore, #tpu.memory_space<semaphore_mem>>)
      %dma_wait3A_339 = arith.constant 0 : i32
      %dma_wait3A_340 = tpu.memref_slice %arg29[%mul3A_332, %dma_wait3A_339] : memref<10240x16xf32, #tpu.memory_space<vmem_shared>> -> memref<640x16xf32, #tpu.memory_space<vmem_shared>>
      %dma_wait3A_341 = arith.constant 0 : i32
      %dma_wait3A_342 = tpu.memref_slice %arg29[%mul3A_332, %dma_wait3A_341] : memref<10240x16xf32, #tpu.memory_space<vmem_shared>> -> memref<640x16xf32, #tpu.memory_space<vmem_shared>>
      tpu.wait_dma2 semaphore(%run_scoped3A : memref<!tpu.dma_semaphore, #tpu.memory_space<semaphore_mem>>) src(%dma_wait3A_342 : memref<640x16xf32, #tpu.memory_space<vmem_shared>>) dst(%arg11 : memref<640x16xf32, #tpu.memory_space<vmem>>)
      tpu.yield
    }) : () -> ()
    %mul3A_333 = arith.constant 640 : i32
    %mul3A_334 = arith.muli %arg1, %mul3A_333 : i32
    "tpu.region"() ({
      %run_scoped3A = tpu.sem_alloc : memref<!tpu.dma_semaphore, #tpu.memory_space<semaphore_mem>>
      %dma_start3A_335 = arith.constant 0 : i32
      %dma_start3A_336 = tpu.memref_slice %arg8[%arg0, %mul3A_334, %dma_start3A_335] : memref<2x10240x16xf32, #tpu.memory_space<hbm>> -> memref<1x640x16xf32, #tpu.memory_space<hbm>>
      %dma_start3A_337 = tpu.memref_squeeze %dma_start3A_336 : memref<1x640x16xf32, #tpu.memory_space<hbm>> -> memref<640x16xf32, #tpu.memory_space<hbm>>
      %dma_start3A_338 = arith.constant 0 : i32
      %dma_start3A_339 = tpu.memref_slice %arg8[%arg0, %mul3A_334, %dma_start3A_338] : memref<2x10240x16xf32, #tpu.memory_space<hbm>> -> memref<1x640x16xf32, #tpu.memory_space<hbm>>
      %dma_start3A_340 = tpu.memref_squeeze %dma_start3A_339 : memref<1x640x16xf32, #tpu.memory_space<hbm>> -> memref<640x16xf32, #tpu.memory_space<hbm>>
      tpu.enqueue_dma source(%arg11 : memref<640x16xf32, #tpu.memory_space<vmem>>) target(%dma_start3A_340 : memref<640x16xf32, #tpu.memory_space<hbm>>) target_semaphore(%run_scoped3A : memref<!tpu.dma_semaphore, #tpu.memory_space<semaphore_mem>>)
      %dma_wait3A_341 = arith.constant 0 : i32
      %dma_wait3A_342 = tpu.memref_slice %arg8[%arg0, %mul3A_334, %dma_wait3A_341] : memref<2x10240x16xf32, #tpu.memory_space<hbm>> -> memref<1x640x16xf32, #tpu.memory_space<hbm>>
      %dma_wait3A_343 = tpu.memref_squeeze %dma_wait3A_342 : memref<1x640x16xf32, #tpu.memory_space<hbm>> -> memref<640x16xf32, #tpu.memory_space<hbm>>
      %dma_wait3A_344 = arith.constant 0 : i32
      %dma_wait3A_345 = tpu.memref_slice %arg8[%arg0, %mul3A_334, %dma_wait3A_344] : memref<2x10240x16xf32, #tpu.memory_space<hbm>> -> memref<1x640x16xf32, #tpu.memory_space<hbm>>
      %dma_wait3A_346 = tpu.memref_squeeze %dma_wait3A_345 : memref<1x640x16xf32, #tpu.memory_space<hbm>> -> memref<640x16xf32, #tpu.memory_space<hbm>>
      tpu.wait_dma2 semaphore(%run_scoped3A : memref<!tpu.dma_semaphore, #tpu.memory_space<semaphore_mem>>) src(%arg11 : memref<640x16xf32, #tpu.memory_space<vmem>>) dst(%dma_wait3A_346 : memref<640x16xf32, #tpu.memory_space<hbm>>)
      tpu.yield
    }) : () -> ()
    return
  }
}

module attributes {stable_mosaic.version = 14 : i64} {
  func.func @_proj_body(%arg0: i32, %arg1: memref<400x128xf32, #tpu.memory_space<vmem>>, %arg2: memref<16x128xf32, #tpu.memory_space<vmem>>, %arg3: memref<16x128xf32, #tpu.memory_space<vmem>>, %arg4: memref<1x16xf32, #tpu.memory_space<vmem>>, %arg5: memref<400x16xf32, #tpu.memory_space<vmem>>, %arg6: memref<400x16xf32, #tpu.memory_space<vmem>>) attributes {dimension_semantics = [#tpu.dimension_semantics<arbitrary>], iteration_bounds = array<i64: 25>, scalar_prefetch = 0 : i64, scratch_operands = 0 : i64, tpu.core_type = #tpu.core_type<tc>, window_params = [{transform_indices = @transform_0, window_bounds = array<i64: 400, 128>}, {pipeline_mode = #tpu.pipeline_mode<synchronous>, transform_indices = @transform_1, window_bounds = array<i64: 16, 128>}, {pipeline_mode = #tpu.pipeline_mode<synchronous>, transform_indices = @transform_2, window_bounds = array<i64: 16, 128>}, {pipeline_mode = #tpu.pipeline_mode<synchronous>, transform_indices = @transform_3, window_bounds = array<i64: 1, 16>}, {transform_indices = @transform_4, window_bounds = array<i64: 400, 16>}, {transform_indices = @transform_5, window_bounds = array<i64: 400, 16>}]} {
    %get3A = arith.constant 0 : index
    %get3A_0 = arith.constant 0 : index
    %get3A_1 = vector.load %arg1[%get3A, %get3A_0] : memref<400x128xf32, #tpu.memory_space<vmem>>, vector<400x128xf32>
    %get3A_2 = arith.constant 0 : index
    %get3A_3 = arith.constant 0 : index
    %get3A_4 = vector.load %arg2[%get3A_2, %get3A_3] : memref<16x128xf32, #tpu.memory_space<vmem>>, vector<16x128xf32>
    %dot_general3A = arith.constant dense<0.000000e+00> : vector<400x16xf32>
    %dot_general3A_5 = tpu.matmul %get3A_1, %get3A_4, %dot_general3A {dimension_numbers = #tpu.dot_dimension_numbers<[1], [1], [0], [0], [0, 0, 1, 0], [], []>, transpose_lhs_hint = false} : vector<400x128xf32>, vector<16x128xf32>, vector<400x16xf32> -> vector<400x16xf32>
    %swap3A = arith.constant 0 : index
    %swap3A_6 = arith.constant 0 : index
    %swap3A_7 = vector.load %arg5[%swap3A, %swap3A_6] : memref<400x16xf32, #tpu.memory_space<vmem>>, vector<400x16xf32>
    tpu.vector_store %arg5[%swap3A, %swap3A_6], %dot_general3A_5 {strides = array<i32>} : memref<400x16xf32, #tpu.memory_space<vmem>>, vector<400x16xf32>,
    %get3A_8 = arith.constant 0 : index
    %get3A_9 = arith.constant 0 : index
    %get3A_10 = vector.load %arg3[%get3A_8, %get3A_9] : memref<16x128xf32, #tpu.memory_space<vmem>>, vector<16x128xf32>
    %dot_general3A_11 = arith.constant dense<0.000000e+00> : vector<400x16xf32>
    %dot_general3A_12 = tpu.matmul %get3A_1, %get3A_10, %dot_general3A_11 {dimension_numbers = #tpu.dot_dimension_numbers<[1], [1], [0], [0], [0, 0, 1, 0], [], []>, transpose_lhs_hint = false} : vector<400x128xf32>, vector<16x128xf32>, vector<400x16xf32> -> vector<400x16xf32>
    %get3A_13 = arith.constant 0 : index
    %get3A_14 = arith.constant 0 : index
    %get3A_15 = vector.load %arg4[%get3A_13, %get3A_14] : memref<1x16xf32, #tpu.memory_space<vmem>>, vector<1x16xf32>
    %add3A = vector.broadcast %get3A_15 : vector<1x16xf32> to vector<400x16xf32>
    %add3A_16 = arith.addf %dot_general3A_12, %add3A : vector<400x16xf32>
    %swap3A_17 = arith.constant 0 : index
    %swap3A_18 = arith.constant 0 : index
    %swap3A_19 = vector.load %arg6[%swap3A_17, %swap3A_18] : memref<400x16xf32, #tpu.memory_space<vmem>>, vector<400x16xf32>
    tpu.vector_store %arg6[%swap3A_17, %swap3A_18], %add3A_16 {strides = array<i32>} : memref<400x16xf32, #tpu.memory_space<vmem>>, vector<400x16xf32>,
    return
  }
  func.func @transform_0(%arg0: i32) -> (i32, i32) {
    %c0_i32 = arith.constant 0 : i32
    %c0_i32_0 = arith.constant 0 : i32
    return %arg0, %c0_i32 : i32, i32
  }
  func.func @transform_1(%arg0: i32) -> (i32, i32) {
    %c0_i32 = arith.constant 0 : i32
    %c0_i32_0 = arith.constant 0 : i32
    %c0_i32_1 = arith.constant 0 : i32
    return %c0_i32, %c0_i32_0 : i32, i32
  }
  func.func @transform_2(%arg0: i32) -> (i32, i32) {
    %c0_i32 = arith.constant 0 : i32
    %c0_i32_0 = arith.constant 0 : i32
    %c0_i32_1 = arith.constant 0 : i32
    return %c0_i32, %c0_i32_0 : i32, i32
  }
  func.func @transform_3(%arg0: i32) -> (i32, i32) {
    %c0_i32 = arith.constant 0 : i32
    %c0_i32_0 = arith.constant 0 : i32
    %c0_i32_1 = arith.constant 0 : i32
    return %c0_i32, %c0_i32_0 : i32, i32
  }
  func.func @transform_4(%arg0: i32) -> (i32, i32) {
    %c0_i32 = arith.constant 0 : i32
    %c0_i32_0 = arith.constant 0 : i32
    return %arg0, %c0_i32 : i32, i32
  }
  func.func @transform_5(%arg0: i32) -> (i32, i32) {
    %c0_i32 = arith.constant 0 : i32
    %c0_i32_0 = arith.constant 0 : i32
    return %arg0, %c0_i32 : i32, i32
  }
}

module attributes {stable_mosaic.version = 14 : i64} {
  func.func @_out_body(%arg0: i32, %arg1: memref<2x400x16xf32, #tpu.memory_space<vmem>>, %arg2: memref<400x1xf32, #tpu.memory_space<vmem>>, %arg3: memref<400x16xf32, #tpu.memory_space<vmem>>, %arg4: memref<47x16xf32, #tpu.memory_space<vmem>>, %arg5: memref<47x16xf32, #tpu.memory_space<vmem>>, %arg6: memref<1x47xf32, #tpu.memory_space<vmem>>, %arg7: memref<400x47xf32, #tpu.memory_space<vmem>>) attributes {dimension_semantics = [#tpu.dimension_semantics<arbitrary>], iteration_bounds = array<i64: 25>, scalar_prefetch = 0 : i64, scratch_operands = 0 : i64, tpu.core_type = #tpu.core_type<tc>, window_params = [{transform_indices = @transform_0, window_bounds = array<i64: 2, 400, 16>}, {transform_indices = @transform_1, window_bounds = array<i64: 400, 1>}, {transform_indices = @transform_2, window_bounds = array<i64: 400, 16>}, {pipeline_mode = #tpu.pipeline_mode<synchronous>, transform_indices = @transform_3, window_bounds = array<i64: 47, 16>}, {pipeline_mode = #tpu.pipeline_mode<synchronous>, transform_indices = @transform_4, window_bounds = array<i64: 47, 16>}, {pipeline_mode = #tpu.pipeline_mode<synchronous>, transform_indices = @transform_5, window_bounds = array<i64: 1, 47>}, {transform_indices = @transform_6, window_bounds = array<i64: 400, 47>}]} {
    %get3A = arith.constant 0 : index
    %get3A_0 = arith.constant 0 : index
    %get3A_1 = arith.constant 0 : index
    %get3A_2 = vector.load %arg1[%get3A, %get3A_0, %get3A_1] : memref<2x400x16xf32, #tpu.memory_space<vmem>>, vector<1x400x16xf32>
    %get3A_3 = vector.shape_cast %get3A_2 : vector<1x400x16xf32> to vector<400x16xf32>
    %get3A_4 = arith.constant 1 : index
    %get3A_5 = arith.constant 0 : index
    %get3A_6 = arith.constant 0 : index
    %get3A_7 = vector.load %arg1[%get3A_4, %get3A_5, %get3A_6] : memref<2x400x16xf32, #tpu.memory_space<vmem>>, vector<1x400x16xf32>
    %get3A_8 = vector.shape_cast %get3A_7 : vector<1x400x16xf32> to vector<400x16xf32>
    %add3A = arith.addf %get3A_3, %get3A_8 : vector<400x16xf32>
    %get3A_9 = arith.constant 0 : index
    %get3A_10 = arith.constant 0 : index
    %get3A_11 = vector.load %arg2[%get3A_9, %get3A_10] : memref<400x1xf32, #tpu.memory_space<vmem>>, vector<400x1xf32>
    %max3A = arith.constant 1.000000e+00 : f32
    %max3A_12 = vector.broadcast %max3A : f32 to vector<400x1xf32>
    %max3A_13 = arith.maximumf %get3A_11, %max3A_12 : vector<400x1xf32>
    %div3A = vector.broadcast %max3A_13 : vector<400x1xf32> to vector<400x16xf32>
    %div3A_14 = arith.divf %add3A, %div3A : vector<400x16xf32>
    %get3A_15 = arith.constant 0 : index
    %get3A_16 = arith.constant 0 : index
    %get3A_17 = vector.load %arg4[%get3A_15, %get3A_16] : memref<47x16xf32, #tpu.memory_space<vmem>>, vector<47x16xf32>
    %dot_general3A = arith.constant dense<0.000000e+00> : vector<400x47xf32>
    %dot_general3A_18 = tpu.matmul %div3A_14, %get3A_17, %dot_general3A {dimension_numbers = #tpu.dot_dimension_numbers<[1], [1], [0], [0], [0, 0, 1, 0], [], []>, transpose_lhs_hint = false} : vector<400x16xf32>, vector<47x16xf32>, vector<400x47xf32> -> vector<400x47xf32>
    %get3A_19 = arith.constant 0 : index
    %get3A_20 = arith.constant 0 : index
    %get3A_21 = vector.load %arg3[%get3A_19, %get3A_20] : memref<400x16xf32, #tpu.memory_space<vmem>>, vector<400x16xf32>
    %get3A_22 = arith.constant 0 : index
    %get3A_23 = arith.constant 0 : index
    %get3A_24 = vector.load %arg5[%get3A_22, %get3A_23] : memref<47x16xf32, #tpu.memory_space<vmem>>, vector<47x16xf32>
    %dot_general3A_25 = arith.constant dense<0.000000e+00> : vector<400x47xf32>
    %dot_general3A_26 = tpu.matmul %get3A_21, %get3A_24, %dot_general3A_25 {dimension_numbers = #tpu.dot_dimension_numbers<[1], [1], [0], [0], [0, 0, 1, 0], [], []>, transpose_lhs_hint = false} : vector<400x16xf32>, vector<47x16xf32>, vector<400x47xf32> -> vector<400x47xf32>
    %add3A_27 = arith.addf %dot_general3A_18, %dot_general3A_26 : vector<400x47xf32>
    %get3A_28 = arith.constant 0 : index
    %get3A_29 = arith.constant 0 : index
    %get3A_30 = vector.load %arg6[%get3A_28, %get3A_29] : memref<1x47xf32, #tpu.memory_space<vmem>>, vector<1x47xf32>
    %add3A_31 = vector.broadcast %get3A_30 : vector<1x47xf32> to vector<400x47xf32>
    %add3A_32 = arith.addf %add3A_27, %add3A_31 : vector<400x47xf32>
    %swap3A = arith.constant 0 : index
    %swap3A_33 = arith.constant 0 : index
    %swap3A_34 = vector.load %arg7[%swap3A, %swap3A_33] : memref<400x47xf32, #tpu.memory_space<vmem>>, vector<400x47xf32>
    tpu.vector_store %arg7[%swap3A, %swap3A_33], %add3A_32 {strides = array<i32>} : memref<400x47xf32, #tpu.memory_space<vmem>>, vector<400x47xf32>,
    return
  }
  func.func @transform_0(%arg0: i32) -> (i32, i32, i32) {
    %c0_i32 = arith.constant 0 : i32
    %c0_i32_0 = arith.constant 0 : i32
    %c0_i32_1 = arith.constant 0 : i32
    return %c0_i32, %arg0, %c0_i32_0 : i32, i32, i32
  }
  func.func @transform_1(%arg0: i32) -> (i32, i32) {
    %c0_i32 = arith.constant 0 : i32
    %c0_i32_0 = arith.constant 0 : i32
    return %arg0, %c0_i32 : i32, i32
  }
  func.func @transform_2(%arg0: i32) -> (i32, i32) {
    %c0_i32 = arith.constant 0 : i32
    %c0_i32_0 = arith.constant 0 : i32
    return %arg0, %c0_i32 : i32, i32
  }
  func.func @transform_3(%arg0: i32) -> (i32, i32) {
    %c0_i32 = arith.constant 0 : i32
    %c0_i32_0 = arith.constant 0 : i32
    %c0_i32_1 = arith.constant 0 : i32
    return %c0_i32, %c0_i32_0 : i32, i32
  }
  func.func @transform_4(%arg0: i32) -> (i32, i32) {
    %c0_i32 = arith.constant 0 : i32
    %c0_i32_0 = arith.constant 0 : i32
    %c0_i32_1 = arith.constant 0 : i32
    return %c0_i32, %c0_i32_0 : i32, i32
  }
  func.func @transform_5(%arg0: i32) -> (i32, i32) {
    %c0_i32 = arith.constant 0 : i32
    %c0_i32_0 = arith.constant 0 : i32
    %c0_i32_1 = arith.constant 0 : i32
    return %c0_i32, %c0_i32_0 : i32, i32
  }
  func.func @transform_6(%arg0: i32) -> (i32, i32) {
    %c0_i32 = arith.constant 0 : i32
    %c0_i32_0 = arith.constant 0 : i32
    return %arg0, %c0_i32 : i32, i32
  }
}

</mosaic_0001>

<sc_bundles>
// kernel: kernel.5.cloned.1.call-start
scs
__scs_entry_jumppad:
0x0: {  	(pc) =	sbr.rel $0x88, $3  }
0x1: {  	(tag) =	ssettag $0x0;
	lr =	simm.s32 $0x1  }
0x2: {  	[smem:$0x3F99] =	sst lr;
	_ =	strace $0xD0000000  }
0x3: {  	_ = 	snop  }
0x4: {  	_ = 	snop  }
0x5: {  	_ = 	snop  }
0x6: {  	_ = 	snop  }
0x7: {  	_ = 	snop  }
__scs_overlays_trampoline_lowered:
0x8: {  	[smem:$0x3FA8] =	sst s0  }
0x9: {  	[smem:$0x3FA9] =	sst s1  }
0xa: {  	[smem:$0x3FAA] =	sst s2  }
0xb: {  	[smem:$0x3FAB] =	sst s3  }
0xc: {  	[smem:$0x3FAC] =	sst s4  }
0xd: {  	[smem:$0x3FAD] =	sst s5  }
0xe: {  	[smem:$0x3FAE] =	sst s6  }
0xf: {  	[smem:$0x3FAF] =	sst s7  }
0x10: {  	[smem:$0x3FB0] =	sst s8  }
0x11: {  	[smem:$0x3FB1] =	sst s9;
	s0 =	simm.s32 @!p0 $0x0  }
0x12: {  	s1 =	sld [smem:$0x3F97];
	s0 =	simm.s32 @p0 $0x1  }
0x13: {  	[smem:$0x3FB2] =	sst s0;
	s0 =	simm.s32 @!p1 $0x0  }
0x14: {  	s2 =	sld [smem:$0x3F96];
	s0 =	simm.s32 @p1 $0x1  }
0x15: {  	[smem:$0x3FB3] =	sst s0;
	s0 =	simm.s32 @!p2 $0x0  }
0x16: {  	s3 =	sld [smem:$0x3FDB];
	s0 =	simm.s32 @p2 $0x1  }
0x17: {  	s4 =	simm.s32 $0x1BF5;
	[smem:$0x3FB5] =	sst s0  }
0x18: {  	s0 =	sld [smem:$0x3F98];
	_ =	swait.ge [sflag:s4], $0x0  }
0x19: {  	s7 =	sld [smem:$0x3F99]  }
0x1a: {  	s8 =	sadd.s32 $0xFFFFE003, lr  }
0x1b: {  	s9 =	sadd.s32 $0xFFFFFEF7, lr;
	s5 =	simm.s32 $0xFFFFFFFF;
	p2 =	slt.u32 s8, $0xFFFFF086  }
0x1c: {  	p1 =	slt.u32 s9, $0xF7A;
	s5 =	simm.s32 @!p2 $0x0  }
0x1d: {  	s5 =	simm.s32 @p1 $0x1;
	p0 =	seq.s32 s7, s2  }
0x1e: {  	s7 =	smul.u32 @!p0 $0xF7A, s2;
	p2 =	seq.s32 @!p0 s5, $0x0  }
0x1f: {  	s9 =	smul.u32 $0xF7A, s1;
	s8 =	simm.s32 @!p0 $0x1BF5;
	p2 =	por !p2, p0  }
0x20: {  	[sflag:s8] =	ssyncset.s32 @!p0 $0xFFFFF086;
	s6 =	sadd.s32 @!p0 s3, s7;
	s7 =	simm.s32 @!p0 $0x108  }
0x21: {  	s3 =	sadd.s32 s3, s9;
	s6 =	sadd.s32 @!p0 $0x88, s6;
	s7 =	simm.s32 @p2 $0x1082  }
0x22: {  	[simem:s7], [sflag:s8] =	dma.local @!p0 [hbm:s6], $0xF7A  }
0x23: {  	s9 =	sor.u32 $0xD0000000, s2;
	s6 =	simm.s32 $0x108;
	_ =	swait.ge @!p0 [sflag:s8], $0x0  }
0x24: {  	s3 =	sadd.s32 $0x88, s3;
	s6 =	simm.s32 @!p1 $0x1082;
	[sflag:s4] =	ssyncset.s32 $0xFFFFF086  }
0x25: {  	[simem:s6], [sflag:s4] =	dma.local [hbm:s3], $0xF7A  }
0x26: {  	[smem:$0x3F99] =	sst s1;
	(tag) =	ssettag s2;
	_ =	strace s9  }
0x27: {  	s1 =	sld [smem:$0x3FA9]  }
0x28: {  	s2 =	sld [smem:$0x3FAA]  }
0x29: {  	s4 =	sld [smem:$0x3FAC]  }
0x2a: {  	p0 =	seq.s32 s5, $0x0;
	s5 =	sld [smem:$0x3FAD]  }
0x2b: {  	s6 =	sld [smem:$0x3FAE]  }
0x2c: {  	s7 =	sld [smem:$0x3FAF]  }
0x2d: {  	s3 =	simm.s32 $0x108;
	s8 =	sld [smem:$0x3FB0]  }
0x2e: {  	s3 =	simm.s32 @!p0 $0x1082;
	s9 =	sld [smem:$0x3FB1]  }
0x2f: {  	lr =	sadd.s32 s0, s3;
	s0 =	sld [smem:$0x3FA8]  }
0x30: {  	s3 =	sld [smem:$0x3FAB]  }
0x31: {  	[smem:$0x3FB4] =	sst s10  }
0x32: {  	s10 =	sld [smem:$0x3FB2];
	_ =	sdelay $0x3  }
0x33: {  	p0 =	seq.s32 s10, $0x1;
	s10 =	sld [smem:$0x3FB4];
	_ =	sdelay $0x3  }
0x34: {  	[smem:$0x3FB4] =	sst s10  }
0x35: {  	s10 =	sld [smem:$0x3FB3];
	_ =	sdelay $0x3  }
0x36: {  	p1 =	seq.s32 s10, $0x1;
	s10 =	sld [smem:$0x3FB4];
	_ =	sdelay $0x3  }
0x37: {  	[smem:$0x3FB4] =	sst s10  }
0x38: {  	s10 =	sld [smem:$0x3FB5]  }
0x39: {  	_ = 	snop;
	(pc) =	sbr.ind lr, $3  }
0x3a: {  	_ = 	snop  }
0x3b: {  	_ = 	snop  }
0x3c: {  	p2 =	seq.s32 s10, $0x1;
	s10 =	sld [smem:$0x3FB4]  }
0x3d: {  	_ =	shalt  }
0x3e: {  	_ =	shalt  }
0x3f: {  	_ =	shalt  }
0x40: {  	_ =	shalt  }
0x41: {  	_ =	shalt  }
0x42: {  	_ =	shalt  }
0x43: {  	_ =	shalt  }
0x44: {  	_ =	shalt  }
0x45: {  	_ =	shalt  }
0x46: {  	_ =	shalt  }
0x47: {  	_ =	shalt  }
0x48: {  	_ =	shalt  }
0x49: {  	_ =	shalt  }
0x4a: {  	_ =	shalt  }
0x4b: {  	_ =	shalt  }
0x4c: {  	_ =	shalt  }
0x4d: {  	_ =	shalt  }
0x4e: {  	_ =	shalt  }
0x4f: {  	_ =	shalt  }
0x50: {  	_ =	shalt  }
0x51: {  	_ =	shalt  }
0x52: {  	_ =	shalt  }
0x53: {  	_ =	shalt  }
0x54: {  	_ =	shalt  }
0x55: {  	_ =	shalt  }
0x56: {  	_ =	shalt  }
0x57: {  	_ =	shalt  }
0x58: {  	_ =	shalt  }
0x59: {  	_ =	shalt  }
0x5a: {  	_ =	shalt  }
0x5b: {  	_ =	shalt  }
0x5c: {  	_ =	shalt  }
0x5d: {  	_ =	shalt  }
0x5e: {  	_ =	shalt  }
0x5f: {  	_ =	shalt  }
0x60: {  	_ =	shalt  }
0x61: {  	_ =	shalt  }
0x62: {  	_ =	shalt  }
0x63: {  	_ =	shalt  }
0x64: {  	_ =	shalt  }
0x65: {  	_ =	shalt  }
0x66: {  	_ =	shalt  }
0x67: {  	_ =	shalt  }
0x68: {  	_ =	shalt  }
0x69: {  	_ =	shalt  }
0x6a: {  	_ =	shalt  }
0x6b: {  	_ =	shalt  }
0x6c: {  	_ =	shalt  }
0x6d: {  	_ =	shalt  }
0x6e: {  	_ =	shalt  }
0x6f: {  	_ =	shalt  }
0x70: {  	_ =	shalt  }
0x71: {  	_ =	shalt  }
0x72: {  	_ =	shalt  }
0x73: {  	_ =	shalt  }
0x74: {  	_ =	shalt  }
0x75: {  	_ =	shalt  }
0x76: {  	_ =	shalt  }
0x77: {  	_ =	shalt  }
0x78: {  	_ =	shalt  }
0x79: {  	_ =	shalt  }
0x7a: {  	_ =	shalt  }
0x7b: {  	_ =	shalt  }
0x7c: {  	_ =	shalt  }
0x7d: {  	_ =	shalt  }
0x7e: {  	_ =	shalt  }
0x7f: {  	_ =	shalt  }
0x80: {  	_ =	shalt  }
0x81: {  	_ =	shalt  }
0x82: {  	_ =	shalt  }
0x83: {  	_ =	shalt  }
0x84: {  	_ =	shalt  }
0x85: {  	_ =	shalt  }
0x86: {  	_ =	shalt  }
0x87: {  	_ =	shalt  }
.Lfunc_end0:
.L_simem_size_0:
called_computation_lowered:
.L_overlay_start_0:
0x88: {  	s2 =	sld [smem:$0x3FD9]  }
0x89: {  	s3 =	sld [smem:$0x3FFE];
	_ =	sdelay $0x1  }
0x8a: {  	s1 =	srdreg.scid  }
0x8b: {  	s0 =	sand.u32 $0x1, s1  }
0x8c: {  	s17 =	sshll.u32 s0, $0xA;
	s2 =	sadd.s32 s3, s2  }
0x8d: {  	s2 =	sadd.s32 s2, s17  }
0x8e: {  	[smem:$0x3FC0] =	sst s2  }
0x8f: {  	_ = 	snop  }
0x90: {  	s2 =	sld [smem:$0x3FD0];
	(tm) =	ssettm $0x1  }
0x91: {  	s18 =	sld [smem:$0x3FFB];
	_ =	sdelay $0x3  }
0x92: {  	_ =	strace s18  }
0x93: {  	s3 =	sld [smem:$0x3FFC];
	_ =	sdelay $0x3  }
0x94: {  	_ =	strace s3  }
0x95: {  	s3 =	sld [smem:$0x3FFD];
	_ =	sdelay $0x3  }
0x96: {  	_ =	strace s3  }
0x97: {  	_ =	strace $0x8FFFFFFF  }
0x98: {  	s19 =	sld [smem:$0x3FDB];
	_ =	sdelay $0x1  }
0x99: {  	s4 =	simm.s32 $_scs_section_size  }
0x9a: {  	s5 =	simm.s32 $_size__tile_overlayer_lowered;
	s6 =	simm.s32 $_tile_overlayer_lowered  }
0x9b: {  	s22 =	simm.s32 $0x1BFF;
	s21 =	sshll.u32 s6, $0x1;
	s3 =	sadd.s32 s4, s19  }
0x9c: {  	s7 =	simm.s32 $0x0;
	s20 =	sshll.u32 s5, $0x1;
	s5 =	sadd.s32 s21, s3  }
0x9d: {  	[timem:s7], [sflag:s22] =	dma.local [hbm:s5], s20  }
0x9e: {  	_ =	swait.ge [sflag:s22], s20  }
0x9f: {  	s4 =	ssub.s32 $0x0, s20;
	[sflag:s22] =	ssyncset.done $0x0  }
0xa0: {  	[sflag:s22] =	ssyncadd.s32 s4;
	_ =	sdelay $0x1  }
0xa1: {  	s23 =	simm.s32 $0x1B8B  }
0xa2: {  	_ =	swait.ge [sflag:s23], $0x1  }
0xa3: {  	[sflag:s23] =	ssyncset.done $0x0  }
0xa4: {  	s25 =	simm.s32 $0x1B8E;
	s24 =	sld [smem:$0x3FFE];
	[sflag:s23] =	ssyncadd.s32 $0xFFFFFFFF  }
0xa5: {  	s26 =	simm.s32 $execute0_lowered;
	[smem:$0x3FD2] =	sst s25  }
0xa6: {  	s5 =	sshll.u32 s26, $0x1;
	_ =	strace $0x80000046;
	[dreg:$0x1] =	wrdreg $0xFFFFFFFF  }
0xa7: {  	s28 =	simm.s32 $_size_execute0_lowered;
	s3 =	sadd.s32 s3, s5;
	[dreg:$0x0] =	wrdreg $0x0  }
0xa8: {  	s5 =	sshll.u32 s28, $0x1;
	[dreg:$0x2] =	wrdreg s3  }
0xa9: {  	[dreg:$0x3] =	wrdreg s5  }
0xaa: {  	[dreg:$0x4] =	wrdreg $0xC0  }
0xab: {  	_ =	task [dreg:s7], $0x5FFFF  }
0xac: {  	[dreg:$0x1] =	wrdreg $0xFFFFFFFF  }
0xad: {  	[dreg:$0x0] =	wrdreg $0x60  }
0xae: {  	[dreg:$0x2] =	wrdreg s24  }
0xaf: {  	[dreg:$0x3] =	wrdreg s2  }
0xb0: {  	[dreg:$0x4] =	wrdreg $0x1AB000  }
0xb1: {  	[dreg:$0x5] =	wrdreg $0x1D3000  }
0xb2: {  	[dreg:$0x6] =	wrdreg $0x1FB000  }
0xb3: {  	[dreg:$0x7] =	wrdreg $0x9  }
0xb4: {  	_ =	task.clear_ibuf [dreg:s7], $0x8FFFF;
	_ =	strace $0x90000046  }
0xb5: {  	s29 =	simm.s32 $0x9;
	_ =	strace $0x80000048  }
0xb6: {  	_ =	swait.ge [sflag:s29], $0x1  }
0xb7: {  	[sflag:s29] =	ssyncadd.s32 $0xFFFFFFFF  }
0xb8: {  	_ =	strace $0x90000048  }
0xb9: {  	_ =	sfence  }
0xba: {  	s30 =	sld [smem:$0x0];
	_ =	sdelay $0x2  }
0xbb: {  	s31 =	sshll.u32 s1, $0xD;
	s1 =	sshrl.u32 s1, $0x2  }
0xbc: {  	s3 =	sand.u32 $0x4000, s31;
	s1 =	sadd.s32 s1, s30  }
0xbd: {  	s0 =	sor.u32 s3, s0;
	s1 =	sshll.u32 s1, $0x11  }
0xbe: {  	s0 =	sor.u32 s1, s0  }
0xbf: {  	s0 =	sadd.s32 $0x8F2B, s0  }
0xc0: {  	[sflag:s0] =	ssyncadd.remote.s32 $0x1  }
0xc1: {  	_ =	sfence.sel $0xFFFF  }
0xc2: {  	[dreg:$0x0] =	wrdreg $0xFFFFFFFF;
	(pc) =	sbr.abs _section_cstart, $3  }
0xc3: {  	[dreg:$0x1] =	wrdreg $0xFFFFFFFF  }
0xc4: {  	_ =	task.clear_ibuf [dreg:s7], $0x2FFFF;
	_ =	strace $0x9FFFFFFF  }
0xc5: {  	(tm) =	ssettm $0x7FFFFFFF  }
tec
execute0_lowered:
.L_overlay_start_1:
0x0: {  	(tag) =	ssettag $0x1  }
0x1: {  	s0 =	rddreg [dreg:$0x0]  }
0x2: {  	s10 =	stileid.u32;
	s1 =	srdreg.scid  }
0x3: {  	s2 =	rddreg [dreg:$0x1];
	s17 =	simm.s32 $0x0;
	s28 =	simm.s32 $0x8000  }
0x4: {  	s30 =	simm.s32 $0x8800;
	s31 =	simm.s32 $0xB000;
	s6 =	smul.u32 $0xA00, s10  }
0x5: {  	s29 =	simm.s32 $0x13;
	s5 =	sand.u32 $0x1, s1;
	s8 =	smul.u32 $0x2800, s10  }
0x6: {  	s3 =	sshll.u32 s10, $0x1;
	s1 =	rddreg [dreg:$0x2];
	s10 =	smul.u32 $0x280, s10  }
0x7: {  	[smem:$0x7FF] =	sst s17;
	s4 =	sor.u32 s5, s3;
	s9 =	smul.u32 $0x28000, s5  }
0x8: {  	s3 =	rddreg [dreg:$0x3];
	s11 =	smul.u32 $0x2800, s5;
	s13 =	ssub.s32 $0x2, s5  }
0x9: {  	p0 =	sne.s32 s5, $0x0;
	s7 =	smul.u32 $0x500, s4;
	s4 =	rddreg [dreg:$0x4]  }
0xa: {  	_ =	strace $0x80000047;
	s12 =	sadd.s32 s6, s0;
	s14 =	sshrl.u32 s8, $0x3  }
0xb: {  	s15 =	sshrl.u32 s13, $0x1;
	s19 =	sadd.s32 s8, s1;
	s25 =	sadd.s32 s8, s3  }
0xc: {  	s2 =	sadd.s32 s2, s6;
	s6 =	simm.s32 $0x4;
	s9 =	sadd.s32 s8, s9  }
0xd: {  	s11 =	sadd.s32 s10, s11;
	s13 =	ssub.s32 s13, s15;
	s16 =	sadd.s32 s10, s4  }
0xe: {  	[dreg:$0xa] =	wrdreg s2;
	s18 =	sadd.s32 $0x1A00, s12;
	s8 =	simm.s32 $0x19  }
0xf: {  	s2 =	simm.s32 $0x9000;
	s10 =	simm.s32 $0x5;
	[dreg:$0x7] =	wrdreg s19  }
0x10: {  	s12 =	simm.s32 $0x8;
	s15 =	simm.s32 $0x14;
	[dreg:$0x8] =	wrdreg s25  }
0x11: {  	s7 =	sadd.s32 s7, s0;
	s9 =	sshrl.u32 s9, $0x3;
	[dreg:$0x9] =	wrdreg s16  }
0x12: {  	s11 =	sshrl.u32 s11, $0x3;
	[dreg:$0xb] =	wrdreg s18;
	s26 =	smax.u32 s13, $0x1  }
0x13: {  	s18 =	simm.s32 $0xB;
	s13 =	simm.s32 $0xC;
	s9 =	sadd.s32 s9, s0  }
0x14: {  	s11 =	sadd.s32 s11, s0;
	s22 =	sadd.s32 $0x15A00, s7;
	[dreg:$0x12] =	wrdreg s26  }
0x15: {  	s0 =	sadd.s32 s14, s0;
	s23 =	sadd.s32 $0xBA00, s7;
	[dreg:$0xf] =	wrdreg s22  }
0x16: {  	s26 =	simm.s32 $0x1;
	s14 =	sadd.s32 $0x1FA00, s0;
	[dreg:$0x10] =	wrdreg s23  }
0x17: {  	s7 =	simm.s32 $0x0;
	s20 =	sadd.s32 $0x24A00, s0;
	[dreg:$0x6] =	wrdreg s14  }
.Ltmp0:
0x18: {  	s0 =	sadd.s32 $0x2A400, s0;
	[dreg:$0xc] =	wrdreg s20;
	(pc) =	sbr.rel .LBB2_1-.Ltmp0, $4  }
0x19: {  	s21 =	sadd.s32 $0x29A00, s11;
	s24 =	sadd.s32 $0x2F400, s9;
	[dreg:$0xd] =	wrdreg s0  }
0x1a: {  	s23 =	simm.s32 $0x9800;
	s22 =	simm.s32 $0x3;
	[dreg:$0xe] =	wrdreg s21  }
0x1b: {  	s11 =	simm.s32 $0x7;
	[dreg:$0x11] =	wrdreg s24;
	s24 =	simm.s32 $0x80  }
0x1c: {  	v0 =	vimm.f32 $0.0e+00;
	v1 =	vimm.f32 $1.000000000e+00;
	s0 =	simm.s32 $0xA800;
	s20 =	simm.s32 $0x1A800;
	s21 =	simm.s32 $0x2  }
.LBB2_11:
0x1d: {  	_ =	swait.ge [sflag:s12], $0x800  }
0x1e: {  	[sflag:s12] =	ssyncset.done $0x0  }
0x1f: {  	s5 =	simm.s32 $0x1A780;
	s9 =	simm.s32 $0x9;
	[sflag:s12] =	ssyncadd.s32 $0xFFFFF800  }
0x20: {  	[spmem:s3] =	stream.indirect.scatter.add.f32 [tilespmem:s31], [sflag:$0x10], $0x10, s5, s24, $0xb8;
	[tilespmem:$0x1FD80] =	vst v63  }
0x21: {  	_ =	swait.ge [sflag:s9], $0x800  }
0x22: {  	[sflag:s9] =	ssyncset.done $0x0  }
0x23: {  	s14 =	simm.s32 $0xA;
	[sflag:s9] =	ssyncadd.s32 $0xFFFFF800  }
0x24: {  	_ =	swait.ge [sflag:s14], $0x800  }
0x25: {  	[sflag:s14] =	ssyncset.done $0x0  }
0x26: {  	[sflag:s14] =	ssyncadd.s32 $0xFFFFF800  }
0x27: {  	_ =	swait.ge [sflag:s18], $0x800  }
0x28: {  	[sflag:s18] =	ssyncset.done $0x0  }
0x29: {  	[sflag:s18] =	ssyncadd.s32 $0xFFFFF800  }
0x2a: {  	_ =	swait.ge [sflag:s13], $0x800  }
0x2b: {  	[sflag:s13] =	ssyncset.done $0x0  }
0x2c: {  	s16 =	simm.s32 $0xD;
	[sflag:s13] =	ssyncadd.s32 $0xFFFFF800  }
0x2d: {  	_ =	swait.ge [sflag:s16], $0x800  }
0x2e: {  	[sflag:s16] =	ssyncset.done $0x0  }
0x2f: {  	s7 =	simm.s32 $0xE;
	[sflag:s16] =	ssyncadd.s32 $0xFFFFF800  }
0x30: {  	_ =	swait.ge [sflag:s7], $0x800  }
0x31: {  	[sflag:s7] =	ssyncset.done $0x0  }
0x32: {  	s8 =	simm.s32 $0xF;
	[sflag:s7] =	ssyncadd.s32 $0xFFFFF800  }
0x33: {  	_ =	swait.ge [sflag:s8], $0x800  }
0x34: {  	[sflag:s8] =	ssyncset.done $0x0  }
0x35: {  	s9 =	simm.s32 $0x10;
	[sflag:s8] =	ssyncadd.s32 $0xFFFFF800  }
0x36: {  	_ =	swait.ge [sflag:s9], $0x800  }
0x37: {  	[sflag:s9] =	ssyncset.done $0x0  }
0x38: {  	[sflag:s9] =	ssyncadd.s32 $0xFFFFF800  }
0x39: {  	s8 =	simm.s32 $0x19;
	[bflag:$0x0] =	sbarrier.arrive $0xFFFF  }
0x3a: {  	[tilespmem:s17], [sflag:$0x19] =	stream.linear.gather [spmem:s25], $0x2800, $0x38;
	[tilespmem:$0x1FD80] =	vst v63  }
0x3b: {  	_ =	swait.ge [sflag:s8], $0x2800  }
0x3c: {  	[sflag:s8] =	ssyncset.done $0x0  }
0x3d: {  	s14 =	rddreg [dreg:$0x11];
	[sflag:s8] =	ssyncadd.s32 $0xFFFFD800  }
0x3e: {  	[hbm4b:s14+s17] =	stream.linear.scatter [tilespmem:s17], [sflag:$0x19], $0x2800, $0x38;
	[tilespmem:$0x1FD80] =	vst v63  }
0x3f: {  	_ =	swait.ge [sflag:s8], $0x2800  }
0x40: {  	s7 =	rddreg [dreg:$0x13]  }
0x41: {  	s16 =	rddreg [dreg:$0x12];
	s7 =	sadd.s32 $0x1, s7  }
0x42: {  	p1 =	sne.s32 s7, s16  }
.Ltmp1:
0x43: {  	_ = 	snop;
	(pc) =	sbr.rel @!p1 .LBB2_12-.Ltmp1, $3  }
0x44: {  	_ =	sdelay $0x1  }
0x45: {  	[sflag:s8] =	ssyncset.done $0x0  }
0x46: {  	[sflag:s8] =	ssyncadd.s32 $0xFFFFD800  }
.LBB2_1:
0x47: {  	[dreg:$0x13] =	wrdreg s7  }
0x48: {  	s5 =	rddreg [dreg:$0x6]  }
0x49: {  	[tilespmem:s17], [sflag:$0x19] =	stream.linear.gather [hbm4b:s5+s17], $0x2800, $0x38;
	[tilespmem:$0x1FD80] =	vst v63  }
0x4a: {  	_ =	swait.ge [sflag:s8], $0x2800  }
0x4b: {  	[sflag:s8] =	ssyncset.done $0x0  }
0x4c: {  	[sflag:s8] =	ssyncadd.s32 $0xFFFFD800  }
0x4d: {  	[spmem:s19] =	stream.linear.scatter [tilespmem:s17], [sflag:$0x19], $0x2800, $0x38;
	[tilespmem:$0x1FD80] =	vst v63  }
0x4e: {  	_ =	swait.ge [sflag:s8], $0x2800  }
0x4f: {  	[sflag:s8] =	ssyncset.done $0x0  }
0x50: {  	s7 =	simm.s32 $0x0;
	s5 =	simm.s32 $0x40;
	[sflag:s8] =	ssyncadd.s32 $0xFFFFD800  }
.LBB2_2:
0x51: {  	p1 =	sne.s32 s5, $0x9FC0;
	[tilespmem:s7+$0x5000] =	vst v0;
	s7 =	smov.u32 s5;
	s5 =	sadd.s32 $0x40, s5  }
.Ltmp2:
0x52: {  	(pc) =	sbr.rel @p1 .LBB2_2-.Ltmp2, $2  }
0x53: {  	_ =	sdelay $0x2  }
0x54: {  	s7 =	sshra.s32 s7, $0x2  }
0x55: {  	[tilespmem:s7+$0x5000] =	vst v0;
	s5 =	simm.s32 $0x5000  }
0x56: {  	[spmem:s25] =	stream.linear.scatter [tilespmem:s5], [sflag:$0x19], $0x2800, $0x38;
	[tilespmem:$0x1FD80] =	vst v63  }
0x57: {  	_ =	swait.ge [sflag:s8], $0x2800  }
0x58: {  	[sflag:s8] =	ssyncset.done $0x0  }
0x59: {  	[sflag:s8] =	ssyncadd.s32 $0xFFFFD800  }
0x5a: {  	[tilespmem:$0x1A880] =	vst v0  }
0x5b: {  	[tilespmem:$0x1A890] =	vst v0  }
0x5c: {  	[tilespmem:$0x1A8A0] =	vst v0  }
0x5d: {  	[tilespmem:$0x1A8B0] =	vst v0  }
0x5e: {  	[tilespmem:$0x1A8C0] =	vst v0  }
0x5f: {  	[tilespmem:$0x1A8D0] =	vst v0  }
0x60: {  	[tilespmem:$0x1A8E0] =	vst v0  }
0x61: {  	[tilespmem:$0x1A8F0] =	vst v0  }
0x62: {  	[tilespmem:$0x1A900] =	vst v0  }
0x63: {  	[tilespmem:$0x1A910] =	vst v0  }
0x64: {  	[tilespmem:$0x1A920] =	vst v0  }
0x65: {  	[tilespmem:$0x1A930] =	vst v0  }
0x66: {  	[tilespmem:$0x1A940] =	vst v0  }
0x67: {  	[tilespmem:$0x1A950] =	vst v0  }
0x68: {  	[tilespmem:$0x1A960] =	vst v0  }
0x69: {  	[tilespmem:$0x1A970] =	vst v0  }
0x6a: {  	[tilespmem:$0x1A980] =	vst v0  }
0x6b: {  	[tilespmem:$0x1A990] =	vst v0  }
0x6c: {  	[tilespmem:$0x1A9A0] =	vst v0  }
0x6d: {  	[tilespmem:$0x1A9B0] =	vst v0  }
0x6e: {  	[tilespmem:$0x1A9C0] =	vst v0  }
0x6f: {  	[tilespmem:$0x1A9D0] =	vst v0  }
0x70: {  	[tilespmem:$0x1A9E0] =	vst v0  }
0x71: {  	[tilespmem:$0x1A9F0] =	vst v0  }
0x72: {  	[tilespmem:$0x1AA00] =	vst v0  }
0x73: {  	[tilespmem:$0x1AA10] =	vst v0  }
0x74: {  	[tilespmem:$0x1AA20] =	vst v0  }
0x75: {  	[tilespmem:$0x1AA30] =	vst v0  }
0x76: {  	[tilespmem:$0x1AA40] =	vst v0  }
0x77: {  	[tilespmem:$0x1AA50] =	vst v0  }
0x78: {  	[tilespmem:$0x1AA60] =	vst v0  }
0x79: {  	[tilespmem:$0x1AA70] =	vst v0  }
0x7a: {  	[tilespmem:$0x1AA80] =	vst v0  }
0x7b: {  	[tilespmem:$0x1AA90] =	vst v0  }
0x7c: {  	[tilespmem:$0x1AAA0] =	vst v0  }
0x7d: {  	[tilespmem:$0x1AAB0] =	vst v0  }
0x7e: {  	[tilespmem:$0x1AAC0] =	vst v0  }
0x7f: {  	[tilespmem:$0x1AAD0] =	vst v0  }
0x80: {  	[tilespmem:$0x1AAE0] =	vst v0  }
0x81: {  	s16 =	simm.s32 $0x1A880;
	s14 =	rddreg [dreg:$0x9];
	[tilespmem:$0x1AAF0] =	vst v0  }
0x82: {  	[spmem:s14] =	stream.linear.scatter [tilespmem:s16], [sflag:$0x19], $0x280, $0x38;
	[tilespmem:$0x1FD80] =	vst v63  }
0x83: {  	_ =	swait.ge [sflag:s8], $0x280  }
0x84: {  	[sflag:s8] =	ssyncset.done $0x0  }
0x85: {  	[sflag:s8] =	ssyncadd.s32 $0xFFFFFD80  }
0x86: {  	[tilespmem:$0x1A800] =	vst v1  }
0x87: {  	[tilespmem:$0x1A810] =	vst v1  }
0x88: {  	[tilespmem:$0x1A820] =	vst v1  }
0x89: {  	[tilespmem:$0x1A830] =	vst v1  }
0x8a: {  	[tilespmem:$0x1A840] =	vst v1  }
0x8b: {  	[tilespmem:$0x1A850] =	vst v1  }
0x8c: {  	[tilespmem:$0x1A860] =	vst v1  }
0x8d: {  	[tilespmem:$0x1A870] =	vst v1  }
0x8e: {  	[bflag:$0x0] =	sbarrier.arrive $0xFFFF  }
0x8f: {  	s9 =	simm.s32 $0xB800;
	s5 =	simm.s32 $0x0;
	s17 =	rddreg [dreg:$0xa]  }
0x90: {  	[tilespmem:s9], [sflag:$0x19] =	stream.linear.gather [hbm4b:s17+s5], $0x5000, $0x38;
	[tilespmem:$0x1FD80] =	vst v63  }
0x91: {  	_ =	swait.ge [sflag:s8], $0x5000  }
0x92: {  	[sflag:s8] =	ssyncset.done $0x0  }
0x93: {  	s14 =	simm.s32 $0x10800;
	s19 =	rddreg [dreg:$0xb];
	[sflag:s8] =	ssyncadd.s32 $0xFFFFB000  }
0x94: {  	[tilespmem:s14], [sflag:$0x19] =	stream.linear.gather [hbm4b:s19+s5], $0x5000, $0x38;
	[tilespmem:$0x1FD80] =	vst v63  }
0x95: {  	_ =	swait.ge [sflag:s8], $0x5000  }
0x96: {  	[sflag:s8] =	ssyncset.done $0x0  }
0x97: {  	s16 =	simm.s32 $0x7800;
	[sflag:s8] =	ssyncadd.s32 $0xFFFFB000  }
0x98: {  	[tilespmem:s16], [sflag:$0x1] =	stream.indirect.gather [spmem:s1], $0x10, s9, s24, $0xb8;
	[tilespmem:$0x1FD80] =	vst v63  }
0x99: {  	s17 =	simm.s32 $0xB880  }
0x9a: {  	[tilespmem:s28], [sflag:$0x2] =	stream.indirect.gather [spmem:s1], $0x10, s17, s24, $0xb8;
	[tilespmem:$0x1FD80] =	vst v63  }
0x9b: {  	s19 =	simm.s32 $0xB900  }
0x9c: {  	[tilespmem:s30], [sflag:$0x3] =	stream.indirect.gather [spmem:s1], $0x10, s19, s24, $0xb8;
	[tilespmem:$0x1FD80] =	vst v63  }
0x9d: {  	s8 =	simm.s32 $0xB980  }
0x9e: {  	[tilespmem:s2], [sflag:$0x4] =	stream.indirect.gather [spmem:s1], $0x10, s8, s24, $0xb8;
	[tilespmem:$0x1FD80] =	vst v63  }
0x9f: {  	s9 =	simm.s32 $0xBA00  }
0xa0: {  	[tilespmem:s23], [sflag:$0x5] =	stream.indirect.gather [spmem:s1], $0x10, s9, s24, $0xb8;
	[tilespmem:$0x1FD80] =	vst v63  }
0xa1: {  	s14 =	simm.s32 $0xBA80;
	s16 =	simm.s32 $0xA000  }
0xa2: {  	[tilespmem:s16], [sflag:$0x6] =	stream.indirect.gather [spmem:s1], $0x10, s14, s24, $0xb8;
	[tilespmem:$0x1FD80] =	vst v63  }
0xa3: {  	s17 =	simm.s32 $0xBB00  }
0xa4: {  	[tilespmem:s0], [sflag:$0x7] =	stream.indirect.gather [spmem:s1], $0x10, s17, s24, $0xb8;
	[tilespmem:$0x1FD80] =	vst v63  }
0xa5: {  	s19 =	simm.s32 $0xBB80  }
0xa6: {  	[tilespmem:s31], [sflag:$0x8] =	stream.indirect.gather [spmem:s1], $0x10, s19, s24, $0xb8;
	[tilespmem:$0x1FD80] =	vst v63  }
.LBB2_4:
0xa7: {  	_ =	swait.ge [sflag:s26], $0x800  }
0xa8: {  	s7 =	sshra.s32 s5, $0x2;
	[sflag:s26] =	ssyncset.done $0x0  }
0xa9: {  	s9 =	simm.s32 $0x7800;
	s8 =	sadd.s32 $0x10800, s7;
	[sflag:s26] =	ssyncadd.s32 $0xFFFFF800  }
0xaa: {  	[spmem:s3] =	stream.indirect.scatter.add.f32 [tilespmem:s9], [sflag:$0x9], $0x10, s8, s24, $0xb8;
	[tilespmem:$0x1FD80] =	vst v63  }
0xab: {  	p1 =	seq.s32 s5, $0x0  }
0xac: {  	[spmem:s4] =	stream.indirect.scatter.add.f32 [tilespmem:s20], [sflag:$0x11], $0x1, s8, s24, $0xb8;
	[tilespmem:$0x1FD80] =	vst v63  }
0xad: {  	s8 =	simm.s32 @!p1 $0xD  }
0xae: {  	_ =	swait.ge @!p1 [sflag:s8], $0x800  }
0xaf: {  	[sflag:s8] =	ssyncset.done @!p1 $0x0  }
0xb0: {  	[sflag:s8] =	ssyncadd.s32 @!p1 $0xFFFFF800;
	s8 =	simm.s32 @!p1 $0x15  }
0xb1: {  	_ =	swait.ge @!p1 [sflag:s8], $0x80  }
0xb2: {  	[sflag:s8] =	ssyncset.done @!p1 $0x0  }
0xb3: {  	[sflag:s8] =	ssyncadd.s32 @!p1 $0xFFFFFF80;
	s8 =	sshra.s32 @!p1 s5, $0x2  }
0xb4: {  	s14 =	simm.s32 @!p1 $0x80;
	s16 =	simm.s32 @!p1 $0x9800;
	s9 =	sadd.s32 @!p1 $0xBA00, s8  }
0xb5: {  	[tilespmem:s16], [sflag:$0x5] =	stream.indirect.gather @!p1 [spmem:s1], $0x10, s9, s14, $0xb8;
	[tilespmem:$0x1FD80] =	vst v63  }
0xb6: {  	_ =	swait.ge [sflag:s21], $0x800  }
0xb7: {  	[sflag:s21] =	ssyncset.done $0x0  }
0xb8: {  	s17 =	sadd.s32 $0x10880, s7;
	[sflag:s21] =	ssyncadd.s32 $0xFFFFF800  }
0xb9: {  	[spmem:s3] =	stream.indirect.scatter.add.f32 [tilespmem:s28], [sflag:$0xA], $0x10, s17, s24, $0xb8;
	[tilespmem:$0x1FD80] =	vst v63  }
0xba: {  	s9 =	simm.s32 @!p1 $0xE  }
0xbb: {  	[spmem:s4] =	stream.indirect.scatter.add.f32 [tilespmem:s20], [sflag:$0x12], $0x1, s17, s24, $0xb8;
	[tilespmem:$0x1FD80] =	vst v63  }
0xbc: {  	_ =	swait.ge @!p1 [sflag:s9], $0x800  }
0xbd: {  	[sflag:s9] =	ssyncset.done @!p1 $0x0  }
0xbe: {  	[sflag:s9] =	ssyncadd.s32 @!p1 $0xFFFFF800;
	s9 =	simm.s32 @!p1 $0x16  }
0xbf: {  	_ =	swait.ge @!p1 [sflag:s9], $0x80  }
0xc0: {  	[sflag:s9] =	ssyncset.done @!p1 $0x0  }
0xc1: {  	s16 =	simm.s32 @!p1 $0xA000;
	[sflag:s9] =	ssyncadd.s32 @!p1 $0xFFFFFF80;
	s9 =	sadd.s32 @!p1 $0xBA80, s8  }
0xc2: {  	[tilespmem:s16], [sflag:$0x6] =	stream.indirect.gather @!p1 [spmem:s1], $0x10, s9, s14, $0xb8;
	[tilespmem:$0x1FD80] =	vst v63  }
0xc3: {  	_ =	swait.ge [sflag:s22], $0x800  }
0xc4: {  	[sflag:s22] =	ssyncset.done $0x0  }
0xc5: {  	s19 =	sadd.s32 $0x10900, s7;
	[sflag:s22] =	ssyncadd.s32 $0xFFFFF800  }
0xc6: {  	[spmem:s3] =	stream.indirect.scatter.add.f32 [tilespmem:s30], [sflag:$0xB], $0x10, s19, s24, $0xb8;
	[tilespmem:$0x1FD80] =	vst v63  }
0xc7: {  	s9 =	simm.s32 @!p1 $0xF  }
0xc8: {  	[spmem:s4] =	stream.indirect.scatter.add.f32 [tilespmem:s20], [sflag:$0x13], $0x1, s19, s24, $0xb8;
	[tilespmem:$0x1FD80] =	vst v63  }
0xc9: {  	_ =	swait.ge @!p1 [sflag:s9], $0x800  }
0xca: {  	[sflag:s9] =	ssyncset.done @!p1 $0x0  }
0xcb: {  	[sflag:s9] =	ssyncadd.s32 @!p1 $0xFFFFF800;
	s9 =	simm.s32 @!p1 $0x17  }
0xcc: {  	_ =	swait.ge @!p1 [sflag:s9], $0x80  }
0xcd: {  	[sflag:s9] =	ssyncset.done @!p1 $0x0  }
0xce: {  	s16 =	simm.s32 @!p1 $0xA800;
	[sflag:s9] =	ssyncadd.s32 @!p1 $0xFFFFFF80;
	s9 =	sadd.s32 @!p1 $0xBB00, s8  }
0xcf: {  	[tilespmem:s16], [sflag:$0x7] =	stream.indirect.gather @!p1 [spmem:s1], $0x10, s9, s14, $0xb8;
	[tilespmem:$0x1FD80] =	vst v63  }
0xd0: {  	_ =	swait.ge [sflag:s6], $0x800  }
0xd1: {  	[sflag:s6] =	ssyncset.done $0x0  }
0xd2: {  	s16 =	sadd.s32 $0x10980, s7;
	[sflag:s6] =	ssyncadd.s32 $0xFFFFF800  }
0xd3: {  	[spmem:s3] =	stream.indirect.scatter.add.f32 [tilespmem:s2], [sflag:$0xC], $0x10, s16, s24, $0xb8;
	[tilespmem:$0x1FD80] =	vst v63  }
0xd4: {  	s9 =	simm.s32 @!p1 $0x10  }
0xd5: {  	[spmem:s4] =	stream.indirect.scatter.add.f32 [tilespmem:s20], [sflag:$0x14], $0x1, s16, s24, $0xb8;
	[tilespmem:$0x1FD80] =	vst v63  }
0xd6: {  	_ =	swait.ge @!p1 [sflag:s9], $0x800  }
0xd7: {  	[sflag:s9] =	ssyncset.done @!p1 $0x0  }
0xd8: {  	[sflag:s9] =	ssyncadd.s32 @!p1 $0xFFFFF800;
	s9 =	simm.s32 @!p1 $0x18  }
0xd9: {  	_ =	swait.ge @!p1 [sflag:s9], $0x80  }
0xda: {  	[sflag:s9] =	ssyncset.done @!p1 $0x0  }
0xdb: {  	s8 =	sadd.s32 @!p1 $0xBB80, s8;
	[sflag:s9] =	ssyncadd.s32 @!p1 $0xFFFFFF80;
	s9 =	simm.s32 @!p1 $0xB000  }
0xdc: {  	[tilespmem:s9], [sflag:$0x8] =	stream.indirect.gather @!p1 [spmem:s1], $0x10, s8, s14, $0xb8;
	[tilespmem:$0x1FD80] =	vst v63  }
0xdd: {  	_ =	swait.ge [sflag:s10], $0x800  }
0xde: {  	[sflag:s10] =	ssyncset.done $0x0  }
0xdf: {  	s17 =	sadd.s32 $0x10A00, s7;
	p1 =	seq.s32 s5, $0x13000;
	[sflag:s10] =	ssyncadd.s32 $0xFFFFF800  }
0xe0: {  	[spmem:s3] =	stream.indirect.scatter.add.f32 [tilespmem:s23], [sflag:$0xD], $0x10, s17, s24, $0xb8;
	[tilespmem:$0x1FD80] =	vst v63  }
0xe1: {  	s8 =	simm.s32 @p1 $0x6  }
0xe2: {  	[spmem:s4] =	stream.indirect.scatter.add.f32 [tilespmem:s20], [sflag:$0x15], $0x1, s17, s24, $0xb8;
	[tilespmem:$0x1FD80] =	vst v63  }
0xe3: {  	_ =	swait.ge @p1 [sflag:s8], $0x800  }
0xe4: {  	s9 =	simm.s32 @p1 $0x15680;
	[sflag:s8] =	ssyncset.done @p1 $0x0  }
0xe5: {  	s14 =	simm.s32 @p1 $0xA000;
	[sflag:s8] =	ssyncadd.s32 @p1 $0xFFFFF800;
	s8 =	simm.s32 @p1 $0x80  }
0xe6: {  	[spmem:s3] =	stream.indirect.scatter.add.f32 @p1 [tilespmem:s14], [sflag:$0xE], $0x10, s9, s8, $0xb8;
	[tilespmem:$0x1FD80] =	vst v63  }
0xe7: {  	s14 =	simm.s32 @p1 $0x1A800  }
0xe8: {  	[spmem:s4] =	stream.indirect.scatter.add.f32 @p1 [tilespmem:s14], [sflag:$0x16], $0x1, s9, s8, $0xb8;
	[tilespmem:$0x1FD80] =	vst v63  }
0xe9: {  	s8 =	simm.s32 @!p1 $0x9  }
0xea: {  	_ =	swait.ge @!p1 [sflag:s8], $0x800  }
0xeb: {  	[sflag:s8] =	ssyncset.done @!p1 $0x0  }
0xec: {  	[sflag:s8] =	ssyncadd.s32 @!p1 $0xFFFFF800;
	s8 =	simm.s32 @!p1 $0x11  }
0xed: {  	_ =	swait.ge @!p1 [sflag:s8], $0x80  }
0xee: {  	[sflag:s8] =	ssyncset.done @!p1 $0x0  }
0xef: {  	[sflag:s8] =	ssyncadd.s32 @!p1 $0xFFFFFF80;
	s8 =	sshra.s32 @!p1 s5, $0x2  }
0xf0: {  	s16 =	simm.s32 @!p1 $0x7800;
	s14 =	simm.s32 @!p1 $0x80;
	s9 =	sadd.s32 @!p1 $0xBC00, s8  }
0xf1: {  	[tilespmem:s16], [sflag:$0x1] =	stream.indirect.gather @!p1 [spmem:s1], $0x10, s9, s14, $0xb8;
	[tilespmem:$0x1FD80] =	vst v63  }
0xf2: {  	s9 =	simm.s32 @!p1 $0x6  }
0xf3: {  	_ =	swait.ge @!p1 [sflag:s9], $0x800  }
0xf4: {  	[sflag:s9] =	ssyncset.done @!p1 $0x0  }
0xf5: {  	s16 =	simm.s32 @!p1 $0xA000;
	[sflag:s9] =	ssyncadd.s32 @!p1 $0xFFFFF800;
	s9 =	sadd.s32 @!p1 $0x10A80, s8  }
0xf6: {  	[spmem:s3] =	stream.indirect.scatter.add.f32 @!p1 [tilespmem:s16], [sflag:$0xE], $0x10, s9, s14, $0xb8;
	[tilespmem:$0x1FD80] =	vst v63  }
0xf7: {  	s16 =	simm.s32 @!p1 $0x1A800  }
0xf8: {  	[spmem:s4] =	stream.indirect.scatter.add.f32 @!p1 [tilespmem:s16], [sflag:$0x16], $0x1, s9, s14, $0xb8;
	[tilespmem:$0x1FD80] =	vst v63  }
0xf9: {  	s9 =	simm.s32 @!p1 $0xA  }
0xfa: {  	_ =	swait.ge @!p1 [sflag:s9], $0x800  }
0xfb: {  	[sflag:s9] =	ssyncset.done @!p1 $0x0  }
0xfc: {  	[sflag:s9] =	ssyncadd.s32 @!p1 $0xFFFFF800;
	s9 =	simm.s32 @!p1 $0x12  }
0xfd: {  	_ =	swait.ge @!p1 [sflag:s9], $0x80  }
0xfe: {  	[sflag:s9] =	ssyncset.done @!p1 $0x0  }
0xff: {  	s8 =	sadd.s32 @!p1 $0xBC80, s8;
	[sflag:s9] =	ssyncadd.s32 @!p1 $0xFFFFFF80;
	s9 =	simm.s32 @!p1 $0x8000  }
0x100: {  	[tilespmem:s9], [sflag:$0x2] =	stream.indirect.gather @!p1 [spmem:s1], $0x10, s8, s14, $0xb8;
	[tilespmem:$0x1FD80] =	vst v63  }
0x101: {  	_ =	swait.ge [sflag:s11], $0x800  }
.Ltmp3:
0x102: {  	[sflag:s11] =	ssyncset.done $0x0;
	(pc) =	sbr.rel @p1 .LBB2_6-.Ltmp3, $4  }
0x103: {  	s19 =	sadd.s32 $0x10B00, s7;
	[sflag:s11] =	ssyncadd.s32 $0xFFFFF800  }
0x104: {  	[spmem:s3] =	stream.indirect.scatter.add.f32 [tilespmem:s0], [sflag:$0xF], $0x10, s19, s24, $0xb8;
	[tilespmem:$0x1FD80] =	vst v63  }
0x105: {  	_ = 	snop  }
0x106: {  	[spmem:s4] =	stream.indirect.scatter.add.f32 [tilespmem:s20], [sflag:$0x17], $0x1, s19, s24, $0xb8;
	[tilespmem:$0x1FD80] =	vst v63  }
0x107: {  	_ =	swait.ge [sflag:s18], $0x800  }
0x108: {  	[sflag:s18] =	ssyncset.done $0x0  }
0x109: {  	[sflag:s18] =	ssyncadd.s32 $0xFFFFF800  }
0x10a: {  	_ =	swait.ge [sflag:s29], $0x80  }
0x10b: {  	[sflag:s29] =	ssyncset.done $0x0  }
0x10c: {  	s8 =	sadd.s32 $0xBD00, s7;
	[sflag:s29] =	ssyncadd.s32 $0xFFFFFF80  }
0x10d: {  	[tilespmem:s30], [sflag:$0x3] =	stream.indirect.gather [spmem:s1], $0x10, s8, s24, $0xb8;
	[tilespmem:$0x1FD80] =	vst v63  }
0x10e: {  	_ =	swait.ge [sflag:s12], $0x800  }
0x10f: {  	[sflag:s12] =	ssyncset.done $0x0  }
0x110: {  	s17 =	sadd.s32 $0x10B80, s7;
	[sflag:s12] =	ssyncadd.s32 $0xFFFFF800  }
0x111: {  	[spmem:s3] =	stream.indirect.scatter.add.f32 [tilespmem:s31], [sflag:$0x10], $0x10, s17, s24, $0xb8;
	[tilespmem:$0x1FD80] =	vst v63  }
0x112: {  	_ = 	snop  }
0x113: {  	[spmem:s4] =	stream.indirect.scatter.add.f32 [tilespmem:s20], [sflag:$0x18], $0x1, s17, s24, $0xb8;
	[tilespmem:$0x1FD80] =	vst v63  }
0x114: {  	_ =	swait.ge [sflag:s13], $0x800  }
0x115: {  	[sflag:s13] =	ssyncset.done $0x0  }
.Ltmp4:
0x116: {  	[sflag:s13] =	ssyncadd.s32 $0xFFFFF800;
	(pc) =	sbr.rel .LBB2_4-.Ltmp4, $4  }
0x117: {  	_ =	swait.ge [sflag:s15], $0x80  }
0x118: {  	[sflag:s15] =	ssyncset.done $0x0  }
0x119: {  	s19 =	sadd.s32 $0xBD80, s7;
	s5 =	sadd.s32 $0x1000, s5;
	[sflag:s15] =	ssyncadd.s32 $0xFFFFFF80  }
0x11a: {  	[tilespmem:s2], [sflag:$0x4] =	stream.indirect.gather [spmem:s1], $0x10, s19, s24, $0xb8;
	[tilespmem:$0x1FD80] =	vst v63  }
.LBB2_6:
0x11b: {  	_ =	swait.ge [sflag:s12], $0x800  }
0x11c: {  	[sflag:s12] =	ssyncset.done $0x0  }
0x11d: {  	s5 =	simm.s32 $0x15780;
	[sflag:s12] =	ssyncadd.s32 $0xFFFFF800  }
0x11e: {  	[spmem:s3] =	stream.indirect.scatter.add.f32 [tilespmem:s31], [sflag:$0x10], $0x10, s5, s24, $0xb8;
	[tilespmem:$0x1FD80] =	vst v63  }
0x11f: {  	s17 =	simm.s32 $0x9  }
0x120: {  	[spmem:s4] =	stream.indirect.scatter.add.f32 [tilespmem:s20], [sflag:$0x18], $0x1, s5, s24, $0xb8;
	[tilespmem:$0x1FD80] =	vst v63  }
0x121: {  	_ =	swait.ge [sflag:s17], $0x800  }
0x122: {  	[sflag:s17] =	ssyncset.done $0x0  }
0x123: {  	s19 =	simm.s32 $0x11;
	[sflag:s17] =	ssyncadd.s32 $0xFFFFF800  }
0x124: {  	_ =	swait.ge [sflag:s19], $0x80  }
0x125: {  	[sflag:s19] =	ssyncset.done $0x0  }
0x126: {  	s7 =	simm.s32 $0xA;
	[sflag:s19] =	ssyncadd.s32 $0xFFFFFF80  }
0x127: {  	_ =	swait.ge [sflag:s7], $0x800  }
0x128: {  	[sflag:s7] =	ssyncset.done $0x0  }
0x129: {  	s8 =	simm.s32 $0x12;
	[sflag:s7] =	ssyncadd.s32 $0xFFFFF800  }
0x12a: {  	_ =	swait.ge [sflag:s8], $0x80  }
0x12b: {  	[sflag:s8] =	ssyncset.done $0x0  }
0x12c: {  	[sflag:s8] =	ssyncadd.s32 $0xFFFFFF80  }
0x12d: {  	_ =	swait.ge [sflag:s18], $0x800  }
0x12e: {  	[sflag:s18] =	ssyncset.done $0x0  }
0x12f: {  	[sflag:s18] =	ssyncadd.s32 $0xFFFFF800  }
0x130: {  	_ =	swait.ge [sflag:s29], $0x80  }
0x131: {  	[sflag:s29] =	ssyncset.done $0x0  }
0x132: {  	[sflag:s29] =	ssyncadd.s32 $0xFFFFFF80  }
0x133: {  	_ =	swait.ge [sflag:s13], $0x800  }
0x134: {  	[sflag:s13] =	ssyncset.done $0x0  }
0x135: {  	[sflag:s13] =	ssyncadd.s32 $0xFFFFF800  }
0x136: {  	_ =	swait.ge [sflag:s15], $0x80  }
0x137: {  	[sflag:s15] =	ssyncset.done $0x0  }
0x138: {  	s9 =	simm.s32 $0xD;
	[sflag:s15] =	ssyncadd.s32 $0xFFFFFF80  }
0x139: {  	_ =	swait.ge [sflag:s9], $0x800  }
0x13a: {  	[sflag:s9] =	ssyncset.done $0x0  }
0x13b: {  	s14 =	simm.s32 $0x15;
	[sflag:s9] =	ssyncadd.s32 $0xFFFFF800  }
0x13c: {  	_ =	swait.ge [sflag:s14], $0x80  }
0x13d: {  	[sflag:s14] =	ssyncset.done $0x0  }
0x13e: {  	s16 =	simm.s32 $0xE;
	[sflag:s14] =	ssyncadd.s32 $0xFFFFFF80  }
0x13f: {  	_ =	swait.ge [sflag:s16], $0x800  }
0x140: {  	[sflag:s16] =	ssyncset.done $0x0  }
0x141: {  	s17 =	simm.s32 $0x16;
	[sflag:s16] =	ssyncadd.s32 $0xFFFFF800  }
0x142: {  	_ =	swait.ge [sflag:s17], $0x80  }
0x143: {  	[sflag:s17] =	ssyncset.done $0x0  }
0x144: {  	s19 =	simm.s32 $0xF;
	[sflag:s17] =	ssyncadd.s32 $0xFFFFFF80  }
0x145: {  	_ =	swait.ge [sflag:s19], $0x800  }
0x146: {  	[sflag:s19] =	ssyncset.done $0x0  }
0x147: {  	s7 =	simm.s32 $0x17;
	[sflag:s19] =	ssyncadd.s32 $0xFFFFF800  }
0x148: {  	_ =	swait.ge [sflag:s7], $0x80  }
0x149: {  	[sflag:s7] =	ssyncset.done $0x0  }
0x14a: {  	s8 =	simm.s32 $0x10;
	[sflag:s7] =	ssyncadd.s32 $0xFFFFFF80  }
0x14b: {  	_ =	swait.ge [sflag:s8], $0x800  }
0x14c: {  	[sflag:s8] =	ssyncset.done $0x0  }
0x14d: {  	s9 =	simm.s32 $0x18;
	[sflag:s8] =	ssyncadd.s32 $0xFFFFF800  }
0x14e: {  	_ =	swait.ge [sflag:s9], $0x80  }
0x14f: {  	[sflag:s9] =	ssyncset.done $0x0  }
0x150: {  	[sflag:s9] =	ssyncadd.s32 $0xFFFFFF80  }
0x151: {  	s14 =	simm.s32 $0x0;
	s8 =	simm.s32 $0x19;
	[bflag:$0x0] =	sbarrier.arrive $0xFFFF  }
0x152: {  	[tilespmem:s14], [sflag:$0x19] =	stream.linear.gather [spmem:s25], $0x2800, $0x38;
	[tilespmem:$0x1FD80] =	vst v63  }
0x153: {  	_ =	swait.ge [sflag:s8], $0x2800  }
0x154: {  	[sflag:s8] =	ssyncset.done $0x0  }
0x155: {  	s17 =	simm.s32 $0x1A880;
	s7 =	rddreg [dreg:$0x9];
	[sflag:s8] =	ssyncadd.s32 $0xFFFFD800  }
0x156: {  	[tilespmem:s17], [sflag:$0x19] =	stream.linear.gather [spmem:s7], $0x280, $0x38;
	[tilespmem:$0x1FD80] =	vst v63  }
0x157: {  	_ =	swait.ge [sflag:s8], $0x280  }
0x158: {  	[sflag:s8] =	ssyncset.done $0x0  }
0x159: {  	s9 =	simm.s32 $0x2800;
	s16 =	rddreg [dreg:$0xc];
	[sflag:s8] =	ssyncadd.s32 $0xFFFFFD80  }
0x15a: {  	[tilespmem:s9], [sflag:$0x19] =	stream.linear.gather [hbm4b:s16+s14], $0x2800, $0x38;
	[tilespmem:$0x1FD80] =	vst v63  }
0x15b: {  	_ =	swait.ge [sflag:s8], $0x2800  }
0x15c: {  	[sflag:s8] =	ssyncset.done $0x0  }
0x15d: {  	[sflag:s8] =	ssyncadd.s32 $0xFFFFD800  }
0x15e: {  	v9 =	vld [tilespmem:s17+$0x0];
	_ =	sdelay $0x4  }
0x15f: {  	(v2sf) =	vpush v9, $0xF  }
0x160: {  	(v2sf) =	vpush v9, $0x5  }
0x161: {  	(v2sf) =	vpush v9, $0xE  }
0x162: {  	(v2sf) =	vpush v9, $0xC  }
0x163: {  	(v2sf) =	vpush v9, $0xA  }
0x164: {  	(v2sf) =	vpush v9, $0x9  }
0x165: {  	(v2sf) =	vpush v9, $0x8;
	_ =	sdelay $0x1  }
0x166: {  	(v2sf) =	vpush v9, $0x7  }
0x167: {  	(v2sf) =	vpush v9, $0x2  }
0x168: {  	(v2sf) =	vpush v9, $0x0  }
0x169: {  	s16 =	simm.s32 $0x0;
	(v2sf) =	vpush v9, $0xD  }
0x16a: {  	v3 =	vld [tilespmem:s16+$0xA0]  }
0x16b: {  	v2 =	vld [tilespmem:s16+$0x2830];
	(v2sf) =	vpush v9, $0x1  }
0x16c: {  	v4 =	vld [tilespmem:s16+$0x28D0]  }
0x16d: {  	v7 =	vld [tilespmem:s16+$0xF0];
	s14 =	spop (v2sf)  }
0x16e: {  	v11 =	vld [tilespmem:s16+$0x2850];
	(v2sf) =	vpush v9, $0x3;
	s19 =	spop (v2sf)  }
0x16f: {  	v6 =	vld [tilespmem:s16+$0x10];
	s5 =	smax.f32 s19, $1.000000000e+00;
	s25 =	spop (v2sf)  }
0x170: {  	v5 =	vld [tilespmem:s16+$0xB0];
	(v2sf) =	vpush v9, $0xB;
	v8 =	vmov s5;
	s8 =	smax.f32 s25, $1.000000000e+00;
	s9 =	spop (v2sf)  }
0x171: {  	v13 =	vld [tilespmem:s16+$0x50];
	(v2sf) =	vpush v9, $0x6;
	s7 =	smax.f32 s9, $1.000000000e+00;
	v10 =	vmov s8;
	(erf) = vrcp.f32 v8;
	s19 =	spop (v2sf)  }
0x172: {  	v8 =	vld [tilespmem:s16+$0x70];
	(v2sf) =	vpush v9, $0x4;
	s8 =	smax.f32 s19, $1.000000000e+00;
	(erf) = vrcp.f32 v10;
	v10 =	vmov s7;
	s25 =	spop (v2sf)  }
0x173: {  	v9 =	vld [tilespmem:s16+$0xC0];
	s7 =	simm.s32 $0x400;
	s19 =	smax.f32 s25, $1.000000000e+00;
	s5 =	spop (v2sf);
	(erf) = vrcp.f32 v10  }
.LBB2_7:
0x174: {  	p1 =	sne.s32 s7, $0x9C00  }
0x175: {  	v10 =	vld [tilespmem:s16+$0x28B0];
	s17 =	sadd.s32 $0x10, s17;
	s25 =	spop (v2sf);
	s9 =	smov.u32 s7  }
0x176: {  	s7 =	sadd.s32 $0x400, s7;
	v12 =	vmov s19;
	s14 =	smax.f32 s14, $1.000000000e+00;
	v14 =	vld [tilespmem:s16+$0xE0];
	s19 =	spop (v2sf)  }
0x177: {  	v16 =	vmov s14;
	s19 =	smax.f32 s19, $1.000000000e+00;
	v15 =	vld [tilespmem:s16+$0x2890];
	s14 =	spop (v2sf);
	(erf) = vrcp.f32 v12  }
0x178: {  	s14 =	smax.f32 s14, $1.000000000e+00;
	v17 =	vmov s19;
	v18 =	vld [tilespmem:s16+$0x28C0];
	s19 =	spop (v2sf)  }
0x179: {  	v22 =	vmov s14;
	s14 =	smax.f32 s25, $1.000000000e+00;
	v20 =	vld [tilespmem:s16+$0x2870];
	s19 =	smax.f32 s19, $1.000000000e+00;
	(erf) = vrcp.f32 v16  }
0x17a: {  	v12 =	vld [tilespmem:s16+$0x2840];
	v23 =	vmov s14;
	v21 =	vmov s19;
	s14 =	spop (v2sf);
	(erf) = vrcp.f32 v17  }
0x17b: {  	s14 =	smax.f32 s14, $1.000000000e+00;
	v17 =	vld [tilespmem:s16+$0x28E0];
	(erf) = vrcp.f32 v22;
	v19 =	vpop (erf)  }
0x17c: {  	v22 =	vmov s14;
	v13 =	vmul.f32 v13, v19;
	v19 =	vld [tilespmem:s16+$0x90];
	(erf) = vrcp.f32 v23;
	v16 =	vpop (erf)  }
0x17d: {  	v23 =	vld [tilespmem:s16+$0x0];
	v14 =	vmul.f32 v14, v16;
	(erf) = vrcp.f32 v22;
	s14 =	spop (v2sf);
	v16 =	vpop (erf)  }
0x17e: {  	s14 =	smax.f32 s14, $1.000000000e+00;
	v11 =	vadd.f32 v11, v13;
	v13 =	vmov s8;
	v22 =	vld [tilespmem:s16+$0x28A0];
	(erf) = vrcp.f32 v21  }
0x17f: {  	v9 =	vmul.f32 v9, v16;
	v21 =	vld [tilespmem:s16+$0x20];
	v24 =	vmov s14;
	(erf) = vrcp.f32 v13;
	s8 =	spop (v2sf)  }
0x180: {  	v11 =	vmax.f32 v11, $0.0e+00;
	s8 =	smax.f32 s8, $1.000000000e+00;
	v27 =	vadd.f32 v17, v14;
	v14 =	vld [tilespmem:s16+$0x28F0];
	(erf) = vrcp.f32 v24;
	s14 =	spop (v2sf);
	v16 =	vpop (erf)  }
0x181: {  	v9 =	vadd.f32 v18, v9;
	v17 =	vld [tilespmem:s16+$0x2820];
	[tilespmem:s16+$0x50] =	vst v11;
	s14 =	smax.f32 s14, $1.000000000e+00;
	v11 =	vmul.f32 v19, v16;
	v24 =	vmov s8;
	s8 =	spop (v2sf)  }
0x182: {  	v18 =	vld [tilespmem:s16+$0x2800];
	s8 =	smax.f32 s8, $1.000000000e+00;
	v19 =	vmov s14;
	v26 =	vmax.f32 v27, $0.0e+00;
	(erf) = vrcp.f32 v24;
	v16 =	vpop (erf)  }
0x183: {  	v24 =	vmov s8;
	v25 =	vld [tilespmem:s16+$0xD0];
	[tilespmem:s16+$0xE0] =	vst v26;
	v7 =	vmul.f32 v7, v16;
	v13 =	vpop (erf);
	(erf) = vrcp.f32 v19  }
0x184: {  	s5 =	smax.f32 s5, $1.000000000e+00;
	v11 =	vadd.f32 v15, v11;
	v16 =	vld [tilespmem:s16+$0x2810];
	v13 =	vmul.f32 v21, v13;
	v15 =	vpop (erf);
	(erf) = vrcp.f32 v24  }
0x185: {  	v21 =	vmov s5;
	v15 =	vmul.f32 v15, v23;
	v19 =	vld [tilespmem:s16+$0x30];
	v23 =	vadd.f32 v14, v7;
	v14 =	vpop (erf)  }
0x186: {  	v13 =	vadd.f32 v17, v13;
	v8 =	vmul.f32 v8, v14;
	v14 =	vpop (erf);
	(erf) = vrcp.f32 v21  }
0x187: {  	v15 =	vadd.f32 v15, v18;
	v6 =	vmul.f32 v14, v6;
	v18 =	vmax.f32 v23, $0.0e+00;
	v14 =	vpop (erf)  }
0x188: {  	v13 =	vmax.f32 v13, $0.0e+00;
	v17 =	vld [tilespmem:s16+$0x60];
	v8 =	vadd.f32 v20, v8;
	v20 =	vmul.f32 v25, v14;
	[tilespmem:s16+$0xF0] =	vst v18;
	v7 =	vpop (erf)  }
0x189: {  	v15 =	vmax.f32 v15, $0.0e+00;
	v18 =	vadd.f32 v6, v16;
	[tilespmem:s16+$0x20] =	vst v13;
	v13 =	vld [tilespmem:s16+$0x40];
	v3 =	vmul.f32 v3, v7;
	v7 =	vpop (erf)  }
0x18a: {  	[tilespmem:s16+$0x0] =	vst v15;
	v7 =	vmul.f32 v19, v7;
	v15 =	vld [tilespmem:s16+$0x2860];
	v8 =	vmax.f32 v8, $0.0e+00;
	v19 =	vadd.f32 v4, v20  }
0x18b: {  	v9 =	vmax.f32 v9, $0.0e+00;
	v16 =	vmax.f32 v18, $0.0e+00;
	[tilespmem:s16+$0x70] =	vst v8;
	v8 =	vld [tilespmem:s16+$0x80];
	v3 =	vadd.f32 v22, v3;
	v14 =	vpop (erf)  }
0x18c: {  	[tilespmem:s16+$0x10] =	vst v16;
	v2 =	vadd.f32 v2, v7;
	v5 =	vmul.f32 v5, v14;
	v14 =	vmax.f32 v19, $0.0e+00;
	v6 =	vpop (erf)  }
0x18d: {  	v11 =	vmax.f32 v11, $0.0e+00;
	v16 =	vmul.f32 v17, v6;
	v7 =	vld [tilespmem:s16+$0x2880];
	v3 =	vmax.f32 v3, $0.0e+00;
	[tilespmem:s16+$0xD0] =	vst v14;
	v4 =	vpop (erf)  }
0x18e: {  	v2 =	vmax.f32 v2, $0.0e+00;
	v4 =	vmul.f32 v13, v4;
	[tilespmem:s16+$0x90] =	vst v11;
	v5 =	vadd.f32 v10, v5  }
0x18f: {  	[tilespmem:s16+$0x30] =	vst v2;
	v2 =	vadd.f32 v15, v16;
	v6 =	vpop (erf)  }
0x190: {  	v4 =	vadd.f32 v12, v4;
	v6 =	vmul.f32 v8, v6;
	[tilespmem:s16+$0xA0] =	vst v3;
	v3 =	vmax.f32 v5, $0.0e+00  }
0x191: {  	v2 =	vmax.f32 v2, $0.0e+00;
	[tilespmem:s16+$0xB0] =	vst v3  }
0x192: {  	v3 =	vmax.f32 v4, $0.0e+00;
	[tilespmem:s16+$0x60] =	vst v2;
	v2 =	vadd.f32 v7, v6  }
0x193: {  	[tilespmem:s16+$0x40] =	vst v3  }
0x194: {  	v2 =	vmax.f32 v2, $0.0e+00;
	[tilespmem:s16+$0xC0] =	vst v9  }
0x195: {  	[tilespmem:s16+$0x80] =	vst v2  }
0x196: {  	v8 =	vld [tilespmem:s17+$0x0];
	_ =	sdelay $0x4  }
0x197: {  	(v2sf) =	vpush v8, $0xF  }
0x198: {  	(v2sf) =	vpush v8, $0x5  }
0x199: {  	(v2sf) =	vpush v8, $0xE  }
0x19a: {  	(v2sf) =	vpush v8, $0xC  }
0x19b: {  	(v2sf) =	vpush v8, $0xA  }
0x19c: {  	(v2sf) =	vpush v8, $0x9  }
0x19d: {  	(v2sf) =	vpush v8, $0x8  }
0x19e: {  	(v2sf) =	vpush v8, $0x7  }
0x19f: {  	(v2sf) =	vpush v8, $0x2  }
0x1a0: {  	(v2sf) =	vpush v8, $0x0  }
0x1a1: {  	(v2sf) =	vpush v8, $0xD  }
0x1a2: {  	s16 =	sshra.s32 s9, $0x2  }
0x1a3: {  	v3 =	vld [tilespmem:s16+$0xA0];
	(v2sf) =	vpush v8, $0x1  }
0x1a4: {  	v2 =	vld [tilespmem:s16+$0x2830]  }
0x1a5: {  	v4 =	vld [tilespmem:s16+$0x28D0]  }
0x1a6: {  	v7 =	vld [tilespmem:s16+$0xF0];
	(v2sf) =	vpush v8, $0x3;
	s14 =	spop (v2sf)  }
0x1a7: {  	s5 =	spop (v2sf)  }
0x1a8: {  	v11 =	vld [tilespmem:s16+$0x2850];
	s5 =	smax.f32 s5, $1.000000000e+00  }
.Ltmp5:
0x1a9: {  	v6 =	vld [tilespmem:s16+$0x10];
	(v2sf) =	vpush v8, $0xB;
	s8 =	spop (v2sf);
	(pc) =	sbr.rel @p1 .LBB2_7-.Ltmp5, $4  }
0x1aa: {  	v9 =	vmov s5;
	v5 =	vld [tilespmem:s16+$0xB0];
	s5 =	smax.f32 s8, $1.000000000e+00;
	(v2sf) =	vpush v8, $0x6;
	s8 =	spop (v2sf)  }
0x1ab: {  	v13 =	vld [tilespmem:s16+$0x50];
	s9 =	smax.f32 s8, $1.000000000e+00;
	v10 =	vmov s5;
	(v2sf) =	vpush v8, $0x4;
	(erf) = vrcp.f32 v9;
	s5 =	spop (v2sf)  }
0x1ac: {  	v8 =	vld [tilespmem:s16+$0x70];
	s8 =	smax.f32 s5, $1.000000000e+00;
	v12 =	vmov s9;
	s5 =	spop (v2sf);
	(erf) = vrcp.f32 v10  }
0x1ad: {  	s19 =	smax.f32 s5, $1.000000000e+00;
	v9 =	vld [tilespmem:s16+$0xC0];
	s5 =	spop (v2sf);
	(erf) = vrcp.f32 v12  }
0x1ae: {  	s7 =	spop (v2sf);
	v16 =	vmov s19;
	s9 =	smax.f32 s14, $1.000000000e+00  }
0x1af: {  	s25 =	spop (v2sf);
	v17 =	vmov s9;
	(erf) = vrcp.f32 v16  }
0x1b0: {  	s14 =	smax.f32 s25, $1.000000000e+00;
	s17 =	spop (v2sf);
	(erf) = vrcp.f32 v17  }
0x1b1: {  	v14 =	vld [tilespmem:s16+$0xE0];
	v18 =	vmov s14;
	s9 =	smax.f32 s17, $1.000000000e+00  }
0x1b2: {  	v15 =	vld [tilespmem:s16+$0x2890];
	s19 =	spop (v2sf);
	(erf) = vrcp.f32 v18;
	v19 =	vmov s9  }
0x1b3: {  	v10 =	vld [tilespmem:s16+$0x28C0];
	s7 =	smax.f32 s7, $1.000000000e+00;
	s25 =	spop (v2sf);
	(erf) = vrcp.f32 v19  }
0x1b4: {  	v54 =	vld [tilespmem:s16+$0x2870];
	v57 =	vmov s7;
	s7 =	smax.f32 s25, $1.000000000e+00  }
0x1b5: {  	v55 =	vld [tilespmem:s16+$0x28E0];
	s14 =	smax.f32 s19, $1.000000000e+00;
	v20 =	vpop (erf);
	(erf) = vrcp.f32 v57;
	v23 =	vmov s7  }
0x1b6: {  	v21 =	vld [tilespmem:s16+$0x90];
	v24 =	vmov s14;
	v58 =	vpop (erf);
	(erf) = vrcp.f32 v23;
	s17 =	spop (v2sf)  }
0x1b7: {  	v56 =	vld [tilespmem:s16+$0x0];
	v26 =	vmov s8;
	v13 =	vmul.f32 v13, v20;
	v61 =	vpop (erf);
	s7 =	smax.f32 s17, $1.000000000e+00;
	(erf) = vrcp.f32 v24  }
0x1b8: {  	v59 =	vld [tilespmem:s16+$0x20];
	s5 =	smax.f32 s5, $1.000000000e+00;
	v14 =	vmul.f32 v14, v58;
	v63 =	vmov s7;
	s19 =	spop (v2sf);
	v62 =	vpop (erf);
	(erf) = vrcp.f32 v26  }
0x1b9: {  	v60 =	vld [tilespmem:s16+$0x28F0];
	v40 =	vmov s5;
	v11 =	vadd.f32 v11, v13;
	s25 =	smax.f32 s19, $1.000000000e+00;
	s9 =	spop (v2sf);
	v33 =	vpop (erf);
	(erf) = vrcp.f32 v63  }
0x1ba: {  	v25 =	vld [tilespmem:s16+$0x2820];
	v9 =	vmul.f32 v9, v61;
	v14 =	vadd.f32 v55, v14;
	s8 =	smax.f32 s9, $1.000000000e+00;
	v27 =	vmov s25  }
0x1bb: {  	v32 =	vld [tilespmem:s16+$0x2800];
	v11 =	vmax.f32 v11, $0.0e+00;
	s14 =	spop (v2sf);
	v34 =	vpop (erf);
	v29 =	vmov s8;
	(erf) = vrcp.f32 v27  }
0x1bc: {  	v28 =	vld [tilespmem:s16+$0xD0];
	v52 =	vmul.f32 v21, v62;
	v62 =	vadd.f32 v10, v9;
	s7 =	smax.f32 s14, $1.000000000e+00;
	v38 =	vpop (erf);
	(erf) = vrcp.f32 v29  }
0x1bd: {  	v37 =	vld [tilespmem:s16+$0x2810];
	v14 =	vmax.f32 v14, $0.0e+00;
	v7 =	vmul.f32 v7, v33;
	v36 =	vmov s7  }
0x1be: {  	v39 =	vld [tilespmem:s16+$0x30];
	v15 =	vadd.f32 v15, v52;
	v35 =	vmul.f32 v59, v34;
	(erf) = vrcp.f32 v36;
	v41 =	vpop (erf)  }
0x1bf: {  	v12 =	vld [tilespmem:s16+$0x28B0];
	[tilespmem:s16+$0x50] =	vst v11;
	v63 =	vmax.f32 v62, $0.0e+00;
	v7 =	vadd.f32 v60, v7;
	v44 =	vpop (erf);
	(erf) = vrcp.f32 v40  }
0x1c0: {  	v22 =	vld [tilespmem:s16+$0x28A0];
	[tilespmem:s16+$0xE0] =	vst v14;
	v19 =	vmul.f32 v38, v56;
	v59 =	vmax.f32 v15, $0.0e+00;
	v11 =	vadd.f32 v25, v35;
	v48 =	vpop (erf)  }
0x1c1: {  	v42 =	vld [tilespmem:s16+$0x60];
	[tilespmem:s16+$0xC0] =	vst v63;
	v7 =	vmax.f32 v7, $0.0e+00;
	v8 =	vmul.f32 v8, v41;
	v6 =	vmul.f32 v44, v6;
	v50 =	vpop (erf)  }
0x1c2: {  	v47 =	vld [tilespmem:s16+$0x40];
	[tilespmem:s16+$0x90] =	vst v59;
	v43 =	vadd.f32 v19, v32;
	v11 =	vmax.f32 v11, $0.0e+00;
	v49 =	vmul.f32 v28, v48;
	v53 =	vpop (erf)  }
0x1c3: {  	v51 =	vld [tilespmem:s16+$0x2860];
	[tilespmem:s16+$0xF0] =	vst v7;
	v45 =	vadd.f32 v54, v8;
	v6 =	vadd.f32 v6, v37;
	v54 =	vmul.f32 v39, v53  }
0x1c4: {  	v55 =	vld [tilespmem:s16+$0x80];
	[tilespmem:s16+$0x20] =	vst v11;
	v46 =	vmax.f32 v43, $0.0e+00;
	v4 =	vadd.f32 v4, v49;
	v56 =	vpop (erf)  }
0x1c5: {  	v17 =	vld [tilespmem:s16+$0x2840];
	[tilespmem:s16+$0x0] =	vst v46;
	v3 =	vmul.f32 v3, v50;
	v6 =	vmax.f32 v6, $0.0e+00;
	v2 =	vadd.f32 v2, v54;
	v57 =	vpop (erf)  }
0x1c6: {  	v58 =	vld [tilespmem:s16+$0x2880];
	[tilespmem:s16+$0x10] =	vst v6;
	v4 =	vmax.f32 v4, $0.0e+00;
	v6 =	vmul.f32 v42, v57  }
0x1c7: {  	v3 =	vadd.f32 v22, v3;
	v5 =	vmul.f32 v5, v56;
	[tilespmem:s16+$0xD0] =	vst v4;
	v60 =	vpop (erf);
	v2 =	vmax.f32 v2, $0.0e+00  }
0x1c8: {  	v7 =	vmax.f32 v45, $0.0e+00;
	v4 =	vmul.f32 v47, v60;
	v61 =	vpop (erf);
	[tilespmem:s16+$0x30] =	vst v2;
	v2 =	vadd.f32 v51, v6  }
0x1c9: {  	[tilespmem:s16+$0x70] =	vst v7;
	v3 =	vmax.f32 v3, $0.0e+00;
	v5 =	vadd.f32 v12, v5;
	v6 =	vmul.f32 v55, v61  }
0x1ca: {  	[tilespmem:s16+$0xA0] =	vst v3;
	v4 =	vadd.f32 v17, v4;
	v2 =	vmax.f32 v2, $0.0e+00  }
0x1cb: {  	v3 =	vmax.f32 v5, $0.0e+00;
	[tilespmem:s16+$0x60] =	vst v2;
	v2 =	vadd.f32 v58, v6  }
0x1cc: {  	[tilespmem:s16+$0xB0] =	vst v3;
	v3 =	vmax.f32 v4, $0.0e+00  }
0x1cd: {  	[tilespmem:s16+$0x40] =	vst v3;
	v2 =	vmax.f32 v2, $0.0e+00  }
0x1ce: {  	s17 =	simm.s32 $0x0;
	s19 =	rddreg [dreg:$0x7];
	s8 =	simm.s32 $0x19;
	[tilespmem:s16+$0x80] =	vst v2  }
0x1cf: {  	[spmem:s19] =	stream.linear.scatter [tilespmem:s17], [sflag:$0x19], $0x2800, $0x38;
	[tilespmem:$0x1FD80] =	vst v63  }
0x1d0: {  	_ =	swait.ge [sflag:s8], $0x2800  }
0x1d1: {  	[sflag:s8] =	ssyncset.done $0x0  }
0x1d2: {  	s5 =	simm.s32 @!p0 $0x0;
	s7 =	rddreg [dreg:$0xd];
	[sflag:s8] =	ssyncadd.s32 $0xFFFFD800  }
0x1d3: {  	[hbm4b:s7+s5] =	stream.linear.scatter @!p0 [tilespmem:s5], [sflag:$0x19], $0x2800, $0x38;
	[tilespmem:$0x1FD80] =	vst v63  }
0x1d4: {  	s5 =	simm.s32 @!p0 $0x19  }
0x1d5: {  	_ =	swait.ge @!p0 [sflag:s5], $0x2800  }
0x1d6: {  	s25 =	simm.s32 $0x1A880;
	[sflag:s5] =	ssyncset.done @!p0 $0x0  }
0x1d7: {  	s16 =	rddreg [dreg:$0xe];
	[sflag:s5] =	ssyncadd.s32 @!p0 $0xFFFFD800;
	s5 =	simm.s32 $0x0  }
0x1d8: {  	[hbm4b:s16+s5] =	stream.linear.scatter [tilespmem:s25], [sflag:$0x19], $0x280, $0x38;
	[tilespmem:$0x1FD80] =	vst v63  }
0x1d9: {  	_ =	swait.ge [sflag:s8], $0x280  }
0x1da: {  	[sflag:s8] =	ssyncset.done $0x0  }
0x1db: {  	s14 =	simm.s32 $0x5000;
	s25 =	rddreg [dreg:$0x8];
	[sflag:s8] =	ssyncadd.s32 $0xFFFFFD80  }
0x1dc: {  	[spmem:s25] =	stream.linear.scatter [tilespmem:s14], [sflag:$0x19], $0x2800, $0x38;
	[tilespmem:$0x1FD80] =	vst v63  }
0x1dd: {  	_ =	swait.ge [sflag:s8], $0x2800  }
0x1de: {  	[sflag:s8] =	ssyncset.done $0x0  }
0x1df: {  	[sflag:s8] =	ssyncadd.s32 $0xFFFFD800  }
0x1e0: {  	[bflag:$0x0] =	sbarrier.arrive $0xFFFF  }
0x1e1: {  	s9 =	simm.s32 $0x15800;
	s16 =	rddreg [dreg:$0xf]  }
0x1e2: {  	[tilespmem:s9], [sflag:$0x19] =	stream.linear.gather [hbm4b:s16+s5], $0x2800, $0x38;
	[tilespmem:$0x1FD80] =	vst v63  }
0x1e3: {  	_ =	swait.ge [sflag:s8], $0x2800  }
0x1e4: {  	[sflag:s8] =	ssyncset.done $0x0  }
0x1e5: {  	s16 =	simm.s32 $0x18000;
	s14 =	rddreg [dreg:$0x10];
	[sflag:s8] =	ssyncadd.s32 $0xFFFFD800  }
0x1e6: {  	[tilespmem:s16], [sflag:$0x19] =	stream.linear.gather [hbm4b:s14+s5], $0x2800, $0x38;
	[tilespmem:$0x1FD80] =	vst v63  }
0x1e7: {  	_ =	swait.ge [sflag:s8], $0x2800  }
0x1e8: {  	[sflag:s8] =	ssyncset.done $0x0  }
0x1e9: {  	s16 =	simm.s32 $0x7800;
	[sflag:s8] =	ssyncadd.s32 $0xFFFFD800  }
0x1ea: {  	[tilespmem:s16], [sflag:$0x1] =	stream.indirect.gather [spmem:s1], $0x10, s9, s24, $0xb8;
	[tilespmem:$0x1FD80] =	vst v63  }
0x1eb: {  	s8 =	simm.s32 $0x15880  }
0x1ec: {  	[tilespmem:s28], [sflag:$0x2] =	stream.indirect.gather [spmem:s1], $0x10, s8, s24, $0xb8;
	[tilespmem:$0x1FD80] =	vst v63  }
0x1ed: {  	s9 =	simm.s32 $0x15900  }
0x1ee: {  	[tilespmem:s30], [sflag:$0x3] =	stream.indirect.gather [spmem:s1], $0x10, s9, s24, $0xb8;
	[tilespmem:$0x1FD80] =	vst v63  }
0x1ef: {  	s14 =	simm.s32 $0x15980  }
0x1f0: {  	[tilespmem:s2], [sflag:$0x4] =	stream.indirect.gather [spmem:s1], $0x10, s14, s24, $0xb8;
	[tilespmem:$0x1FD80] =	vst v63  }
0x1f1: {  	s16 =	simm.s32 $0x15A00  }
0x1f2: {  	[tilespmem:s23], [sflag:$0x5] =	stream.indirect.gather [spmem:s1], $0x10, s16, s24, $0xb8;
	[tilespmem:$0x1FD80] =	vst v63  }
0x1f3: {  	s8 =	simm.s32 $0xA000;
	s9 =	simm.s32 $0x15A80  }
0x1f4: {  	[tilespmem:s8], [sflag:$0x6] =	stream.indirect.gather [spmem:s1], $0x10, s9, s24, $0xb8;
	[tilespmem:$0x1FD80] =	vst v63  }
0x1f5: {  	s14 =	simm.s32 $0x15B00  }
0x1f6: {  	[tilespmem:s0], [sflag:$0x7] =	stream.indirect.gather [spmem:s1], $0x10, s14, s24, $0xb8;
	[tilespmem:$0x1FD80] =	vst v63  }
0x1f7: {  	s16 =	simm.s32 $0x15B80  }
0x1f8: {  	[tilespmem:s31], [sflag:$0x8] =	stream.indirect.gather [spmem:s1], $0x10, s16, s24, $0xb8;
	[tilespmem:$0x1FD80] =	vst v63  }
.LBB2_9:
0x1f9: {  	_ =	swait.ge [sflag:s26], $0x800  }
0x1fa: {  	s7 =	sshra.s32 s5, $0x2;
	s9 =	simm.s32 $0x7800;
	[sflag:s26] =	ssyncset.done $0x0  }
0x1fb: {  	p1 =	seq.s32 s5, $0x0;
	s8 =	sadd.s32 $0x18000, s7;
	[sflag:s26] =	ssyncadd.s32 $0xFFFFF800  }
0x1fc: {  	[spmem:s3] =	stream.indirect.scatter.add.f32 [tilespmem:s9], [sflag:$0x9], $0x10, s8, s24, $0xb8;
	[tilespmem:$0x1FD80] =	vst v63  }
0x1fd: {  	s8 =	simm.s32 @!p1 $0xD  }
0x1fe: {  	_ =	swait.ge @!p1 [sflag:s8], $0x800  }
0x1ff: {  	[sflag:s8] =	ssyncset.done @!p1 $0x0  }
0x200: {  	[sflag:s8] =	ssyncadd.s32 @!p1 $0xFFFFF800;
	s8 =	sshra.s32 @!p1 s5, $0x2  }
0x201: {  	s14 =	simm.s32 @!p1 $0x80;
	s16 =	simm.s32 @!p1 $0x9800;
	s9 =	sadd.s32 @!p1 $0x15A00, s8  }
0x202: {  	[tilespmem:s16], [sflag:$0x5] =	stream.indirect.gather @!p1 [spmem:s1], $0x10, s9, s14, $0xb8;
	[tilespmem:$0x1FD80] =	vst v63  }
0x203: {  	_ =	swait.ge [sflag:s21], $0x800  }
0x204: {  	[sflag:s21] =	ssyncset.done $0x0  }
0x205: {  	s16 =	sadd.s32 $0x18080, s7;
	s9 =	simm.s32 @!p1 $0xE;
	[sflag:s21] =	ssyncadd.s32 $0xFFFFF800  }
0x206: {  	[spmem:s3] =	stream.indirect.scatter.add.f32 [tilespmem:s28], [sflag:$0xA], $0x10, s16, s24, $0xb8;
	[tilespmem:$0x1FD80] =	vst v63  }
0x207: {  	_ =	swait.ge @!p1 [sflag:s9], $0x800  }
0x208: {  	[sflag:s9] =	ssyncset.done @!p1 $0x0  }
0x209: {  	s16 =	simm.s32 @!p1 $0xA000;
	[sflag:s9] =	ssyncadd.s32 @!p1 $0xFFFFF800;
	s9 =	sadd.s32 @!p1 $0x15A80, s8  }
0x20a: {  	[tilespmem:s16], [sflag:$0x6] =	stream.indirect.gather @!p1 [spmem:s1], $0x10, s9, s14, $0xb8;
	[tilespmem:$0x1FD80] =	vst v63  }
0x20b: {  	_ =	swait.ge [sflag:s22], $0x800  }
0x20c: {  	[sflag:s22] =	ssyncset.done $0x0  }
0x20d: {  	s16 =	sadd.s32 $0x18100, s7;
	s9 =	simm.s32 @!p1 $0xF;
	[sflag:s22] =	ssyncadd.s32 $0xFFFFF800  }
0x20e: {  	[spmem:s3] =	stream.indirect.scatter.add.f32 [tilespmem:s30], [sflag:$0xB], $0x10, s16, s24, $0xb8;
	[tilespmem:$0x1FD80] =	vst v63  }
0x20f: {  	_ =	swait.ge @!p1 [sflag:s9], $0x800  }
0x210: {  	[sflag:s9] =	ssyncset.done @!p1 $0x0  }
0x211: {  	s16 =	simm.s32 @!p1 $0xA800;
	[sflag:s9] =	ssyncadd.s32 @!p1 $0xFFFFF800;
	s9 =	sadd.s32 @!p1 $0x15B00, s8  }
0x212: {  	[tilespmem:s16], [sflag:$0x7] =	stream.indirect.gather @!p1 [spmem:s1], $0x10, s9, s14, $0xb8;
	[tilespmem:$0x1FD80] =	vst v63  }
0x213: {  	_ =	swait.ge [sflag:s6], $0x800  }
0x214: {  	[sflag:s6] =	ssyncset.done $0x0  }
0x215: {  	s16 =	sadd.s32 $0x18180, s7;
	s9 =	simm.s32 @!p1 $0x10;
	[sflag:s6] =	ssyncadd.s32 $0xFFFFF800  }
0x216: {  	[spmem:s3] =	stream.indirect.scatter.add.f32 [tilespmem:s2], [sflag:$0xC], $0x10, s16, s24, $0xb8;
	[tilespmem:$0x1FD80] =	vst v63  }
0x217: {  	_ =	swait.ge @!p1 [sflag:s9], $0x800  }
0x218: {  	[sflag:s9] =	ssyncset.done @!p1 $0x0  }
0x219: {  	s8 =	sadd.s32 @!p1 $0x15B80, s8;
	[sflag:s9] =	ssyncadd.s32 @!p1 $0xFFFFF800;
	s9 =	simm.s32 @!p1 $0xB000  }
0x21a: {  	[tilespmem:s9], [sflag:$0x8] =	stream.indirect.gather @!p1 [spmem:s1], $0x10, s8, s14, $0xb8;
	[tilespmem:$0x1FD80] =	vst v63  }
0x21b: {  	_ =	swait.ge [sflag:s10], $0x800  }
0x21c: {  	p1 =	seq.s32 s5, $0x9000;
	[sflag:s10] =	ssyncset.done $0x0  }
0x21d: {  	s14 =	sadd.s32 $0x18200, s7;
	s8 =	simm.s32 @p1 $0x6;
	[sflag:s10] =	ssyncadd.s32 $0xFFFFF800  }
0x21e: {  	[spmem:s3] =	stream.indirect.scatter.add.f32 [tilespmem:s23], [sflag:$0xD], $0x10, s14, s24, $0xb8;
	[tilespmem:$0x1FD80] =	vst v63  }
0x21f: {  	_ =	swait.ge @p1 [sflag:s8], $0x800  }
0x220: {  	s9 =	simm.s32 @p1 $0x1A680;
	[sflag:s8] =	ssyncset.done @p1 $0x0  }
0x221: {  	s14 =	simm.s32 @p1 $0xA000;
	[sflag:s8] =	ssyncadd.s32 @p1 $0xFFFFF800;
	s8 =	simm.s32 @p1 $0x80  }
0x222: {  	[spmem:s3] =	stream.indirect.scatter.add.f32 @p1 [tilespmem:s14], [sflag:$0xE], $0x10, s9, s8, $0xb8;
	[tilespmem:$0x1FD80] =	vst v63  }
0x223: {  	s8 =	simm.s32 @!p1 $0x9  }
0x224: {  	_ =	swait.ge @!p1 [sflag:s8], $0x800  }
0x225: {  	[sflag:s8] =	ssyncset.done @!p1 $0x0  }
0x226: {  	[sflag:s8] =	ssyncadd.s32 @!p1 $0xFFFFF800;
	s8 =	sshra.s32 @!p1 s5, $0x2  }
0x227: {  	s16 =	simm.s32 @!p1 $0x7800;
	s14 =	simm.s32 @!p1 $0x80;
	s9 =	sadd.s32 @!p1 $0x15C00, s8  }
0x228: {  	[tilespmem:s16], [sflag:$0x1] =	stream.indirect.gather @!p1 [spmem:s1], $0x10, s9, s14, $0xb8;
	[tilespmem:$0x1FD80] =	vst v63  }
0x229: {  	s9 =	simm.s32 @!p1 $0x6  }
0x22a: {  	_ =	swait.ge @!p1 [sflag:s9], $0x800  }
0x22b: {  	[sflag:s9] =	ssyncset.done @!p1 $0x0  }
0x22c: {  	s16 =	simm.s32 @!p1 $0xA000;
	[sflag:s9] =	ssyncadd.s32 @!p1 $0xFFFFF800;
	s9 =	sadd.s32 @!p1 $0x18280, s8  }
0x22d: {  	[spmem:s3] =	stream.indirect.scatter.add.f32 @!p1 [tilespmem:s16], [sflag:$0xE], $0x10, s9, s14, $0xb8;
	[tilespmem:$0x1FD80] =	vst v63  }
0x22e: {  	s9 =	simm.s32 @!p1 $0xA  }
0x22f: {  	_ =	swait.ge @!p1 [sflag:s9], $0x800  }
0x230: {  	[sflag:s9] =	ssyncset.done @!p1 $0x0  }
0x231: {  	s8 =	sadd.s32 @!p1 $0x15C80, s8;
	[sflag:s9] =	ssyncadd.s32 @!p1 $0xFFFFF800;
	s9 =	simm.s32 @!p1 $0x8000  }
0x232: {  	[tilespmem:s9], [sflag:$0x2] =	stream.indirect.gather @!p1 [spmem:s1], $0x10, s8, s14, $0xb8;
	[tilespmem:$0x1FD80] =	vst v63  }
.Ltmp6:
0x233: {  	_ = 	snop;
	(pc) =	sbr.rel @p1 .LBB2_11-.Ltmp6, $4  }
0x234: {  	_ =	swait.ge [sflag:s11], $0x800  }
0x235: {  	[sflag:s11] =	ssyncset.done $0x0  }
0x236: {  	s16 =	sadd.s32 $0x18300, s7;
	[sflag:s11] =	ssyncadd.s32 $0xFFFFF800  }
0x237: {  	[spmem:s3] =	stream.indirect.scatter.add.f32 [tilespmem:s0], [sflag:$0xF], $0x10, s16, s24, $0xb8;
	[tilespmem:$0x1FD80] =	vst v63  }
0x238: {  	_ =	swait.ge [sflag:s18], $0x800  }
0x239: {  	[sflag:s18] =	ssyncset.done $0x0  }
0x23a: {  	s8 =	sadd.s32 $0x15D00, s7;
	[sflag:s18] =	ssyncadd.s32 $0xFFFFF800  }
0x23b: {  	[tilespmem:s30], [sflag:$0x3] =	stream.indirect.gather [spmem:s1], $0x10, s8, s24, $0xb8;
	[tilespmem:$0x1FD80] =	vst v63  }
0x23c: {  	_ =	swait.ge [sflag:s12], $0x800  }
0x23d: {  	[sflag:s12] =	ssyncset.done $0x0  }
0x23e: {  	s14 =	sadd.s32 $0x18380, s7;
	[sflag:s12] =	ssyncadd.s32 $0xFFFFF800  }
0x23f: {  	[spmem:s3] =	stream.indirect.scatter.add.f32 [tilespmem:s31], [sflag:$0x10], $0x10, s14, s24, $0xb8;
	[tilespmem:$0x1FD80] =	vst v63  }
.Ltmp7:
0x240: {  	_ = 	snop;
	(pc) =	sbr.rel .LBB2_9-.Ltmp7, $4  }
0x241: {  	_ =	swait.ge [sflag:s13], $0x800  }
0x242: {  	[sflag:s13] =	ssyncset.done $0x0  }
0x243: {  	s16 =	sadd.s32 $0x15D80, s7;
	s5 =	sadd.s32 $0x1000, s5;
	[sflag:s13] =	ssyncadd.s32 $0xFFFFF800  }
0x244: {  	[tilespmem:s2], [sflag:$0x4] =	stream.indirect.gather [spmem:s1], $0x10, s16, s24, $0xb8;
	[tilespmem:$0x1FD80] =	vst v63  }
.LBB2_12:
0x245: {  	_ =	sfence.sel $0x180000  }
0x246: {  	[bflag:$0x0] =	sbarrier.arrive $0xFFFF  }
0x247: {  	_ =	strace $0x90000047  }
0x248: {  	s0 =	stileid.u32;
	[bflag:$0x2] =	sbarrier.arrive $0xFFFF  }
0x249: {  	p0 =	sne.s32 s0, $0x0;
	s0 =	rddreg [dreg:$0x5]  }
0x24a: {  	s0 =	sadd.s32 @!p0 $0x100000, s0  }
0x24b: {  	[sflag:s0] =	ssyncadd.tile.s32 @!p0 $0x1;
	_ =	shalt  }
.Lfunc_end2:
_tile_overlayer_lowered:
.L_overlay_start_2:
0x24c: {  	(tag) =	ssettag $0x2  }
0x24d: {  	s0 =	rddreg [dreg:$0x0];
	s2 =	stileid.u32  }
0x24e: {  	s1 =	rddreg [dreg:$0x1];
	p0 =	sne.s32 s2, $0x0  }
0x24f: {  	s3 =	rddreg [dreg:$0x2];
	[bflag:$0x3] =	sbarrier.arrive $0xFFFF;
	s2 =	simm.s32 @!p0 $0x1C19  }
0x250: {  	[timem:s3], [sflag:s2] =	dma.local @!p0 [hbm:s0], s1  }
0x251: {  	s0 =	simm.s32 @!p0 $0x19  }
0x252: {  	_ =	swait.ge @!p0 [sflag:s0], s1  }
0x253: {  	s1 =	ssub.s32 @!p0 $0x0, s1;
	[sflag:s0] =	ssyncset.done @!p0 $0x0  }
0x254: {  	[sflag:s0] =	ssyncadd.s32 @!p0 s1  }
0x255: {  	[bflag:$0x3] =	sbarrier.arrive $0xFFFF  }
0x256: {  	_ =	shalt  }

</sc_bundles>
